<compile_context>
chip_gen: v7x
topology: tpu7x:2x2x1
jax: 0.10.2.dev20260603
libtpu: 0.0.44.dev20260713+nightly
codegen_flags: <defaults>
</compile_context>

<pallas_src>
import functools

import jax
import jax.numpy as jnp
from jax import lax
from jax.experimental import pallas as pl
from jax.experimental.pallas import tpu as pltpu
from jax.experimental.pallas import tpu_sc as plsc

_N = 10000
_E = 320000
_D = 128

_NC = 2
_NS = 16
_NW = _NC * _NS
_EPW = _E // _NW
_CH = 80
_NCH = _EPW // _CH
_RPT = 624
_RTAIL = _N - _RPT * _NS

_EBLK = 1600



def _proj_body(nf_ref, ws_ref, wr_ref, ps_ref, pr_ref):
    nf = nf_ref[...]
    ps_ref[...] = jnp.dot(nf, ws_ref[...], preferred_element_type=jnp.float32)
    pr_ref[...] = jnp.dot(nf, wr_ref[...], preferred_element_type=jnp.float32)


def _edge_body(g_ref, ef_ref, w1_ref, b1_ref, w2_ref, b2_ref,
               gg_ref, bg_ref, ne_ref, eo_ref):
    ef = ef_ref[...]
    x = (g_ref[...] + b1_ref[...]
         + jnp.dot(ef, w1_ref[...], preferred_element_type=jnp.float32))
    h = jnp.maximum(x, 0.0)
    h2 = jnp.dot(h, w2_ref[...], preferred_element_type=jnp.float32) + b2_ref[...]
    mu = jnp.mean(h2, axis=-1, keepdims=True)
    c = h2 - mu
    var = jnp.mean(c * c, axis=-1, keepdims=True)
    ln = gg_ref[...] * c * lax.rsqrt(var + 1e-5) + bg_ref[...]
    ne_ref[...] = ln
    eo_ref[...] = ln + ef


def _node_body(nf_ref, a0_ref, a1_ref, w1a_ref, w1b_ref, b1_ref, w2_ref,
               b2_ref, gg_ref, bg_ref, out_ref):
    nf = nf_ref[...]
    agg = a0_ref[...] + a1_ref[...]
    x = (jnp.dot(nf, w1a_ref[...], preferred_element_type=jnp.float32)
         + jnp.dot(agg, w1b_ref[...], preferred_element_type=jnp.float32)
         + b1_ref[...])
    h = jnp.maximum(x, 0.0)
    h2 = jnp.dot(h, w2_ref[...], preferred_element_type=jnp.float32) + b2_ref[...]
    mu = jnp.mean(h2, axis=-1, keepdims=True)
    c = h2 - mu
    var = jnp.mean(c * c, axis=-1, keepdims=True)
    ln = gg_ref[...] * c * lax.rsqrt(var + 1e-5) + bg_ref[...]
    out_ref[...] = ln + nf


_proj = pl.pallas_call(
    _proj_body,
    out_shape=(jax.ShapeDtypeStruct((_N, _D), jnp.float32),
               jax.ShapeDtypeStruct((_N, _D), jnp.float32)),
)

_full = pl.BlockSpec((_D, _D), lambda i: (0, 0))
_vec = pl.BlockSpec((1, _D), lambda i: (0, 0))
_eblk = pl.BlockSpec((_EBLK, _D), lambda i: (i, 0))

_edge_mlp = pl.pallas_call(
    _edge_body,
    grid=(_E // _EBLK,),
    in_specs=[_eblk, _eblk, _full, _vec, _full, _vec, _vec, _vec],
    out_specs=(_eblk, _eblk),
    out_shape=(jax.ShapeDtypeStruct((_E, _D), jnp.float32),
               jax.ShapeDtypeStruct((_E, _D), jnp.float32)),
)

_node_mlp = pl.pallas_call(
    _node_body,
    out_shape=jax.ShapeDtypeStruct((_N, _D), jnp.float32),
)



def _sc_gather_body(ps_hbm, pr_hbm, snd_hbm, rcv_hbm, g_hbm,
                    idx_s, idx_r, rows_s0, rows_r0, rows_s1, rows_r1,
                    rows_s2, rows_r2, out0, out1, out2,
                    sem_s0, sem_r0, sem_s1, sem_r1, sem_s2, sem_r2,
                    sem_o0, sem_o1, sem_o2):
    cid = lax.axis_index("c")
    sid = lax.axis_index("s")
    wid = sid * _NC + cid
    pltpu.sync_copy(snd_hbm.at[wid], idx_s)
    pltpu.sync_copy(rcv_hbm.at[wid], idx_r)
    base = wid * _EPW

    def issue(i, rows_s, rows_r, sem_s, sem_r):
        pltpu.async_copy(ps_hbm.at[idx_s.at[i]], rows_s, sem_s)
        pltpu.async_copy(pr_hbm.at[idx_r.at[i]], rows_r, sem_r)

    def step(i, rows_s, rows_r, out, sem_s, sem_r, sem_o):
        pltpu.make_async_copy(ps_hbm.at[idx_s.at[i]], rows_s, sem_s).wait()
        pltpu.make_async_copy(pr_hbm.at[idx_r.at[i]], rows_r, sem_r).wait()
        off = pl.multiple_of(base + i * _CH, 8)

        @pl.when(i >= 3)
        def _():
            pltpu.make_async_copy(out, g_hbm.at[pl.ds(off, _CH)], sem_o).wait()

        @plsc.parallel_loop(0, _CH, unroll=4)
        def _(j):
            for c2 in range(_D // 16):
                sl = pl.ds(c2 * 16, 16)
                out[j, sl] = rows_s[j, sl] + rows_r[j, sl]

        @pl.when(i + 3 < _NCH)
        def _():
            issue(i + 3, rows_s, rows_r, sem_s, sem_r)

        pltpu.async_copy(out, g_hbm.at[pl.ds(off, _CH)], sem_o)

    slot0 = (rows_s0, rows_r0, out0, sem_s0, sem_r0, sem_o0)
    slot1 = (rows_s1, rows_r1, out1, sem_s1, sem_r1, sem_o1)
    slot2 = (rows_s2, rows_r2, out2, sem_s2, sem_r2, sem_o2)
    issue(0, rows_s0, rows_r0, sem_s0, sem_r0)
    issue(1, rows_s1, rows_r1, sem_s1, sem_r1)
    issue(2, rows_s2, rows_r2, sem_s2, sem_r2)

    def body(k, carry):
        i0 = k * 3
        step(i0, *slot0)
        step(i0 + 1, *slot1)
        step(i0 + 2, *slot2)
        return carry

    lax.fori_loop(0, _NCH // 3, body, 0)
    step(_NCH - 2, *slot0)
    step(_NCH - 1, *slot1)
    base8 = pl.multiple_of(base, 8)
    pltpu.make_async_copy(out0, g_hbm.at[pl.ds(base8, _CH)], sem_o0).wait()
    pltpu.make_async_copy(out1, g_hbm.at[pl.ds(base8, _CH)], sem_o1).wait()
    pltpu.make_async_copy(out2, g_hbm.at[pl.ds(base8, _CH)], sem_o2).wait()


def _sc_scatter_body(ne_hbm, rcv_hbm, zeros_hbm, out_hbm, idx_v,
                     rows0, rows1, rows2, agg_sh, sem0, sem1, sem2):
    cid = lax.axis_index("c")
    sid = lax.axis_index("s")
    wid = sid * _NC + cid
    r0 = pl.multiple_of(sid * _RPT, 8)
    pltpu.sync_copy(zeros_hbm.at[pl.ds(r0, _RPT)], agg_sh.at[pl.ds(r0, _RPT)])

    @pl.when(sid == 0)
    def _():
        pltpu.sync_copy(zeros_hbm.at[pl.ds(_RPT * _NS, _RTAIL)],
                        agg_sh.at[pl.ds(_RPT * _NS, _RTAIL)])

    pltpu.sync_copy(rcv_hbm.at[wid], idx_v)
    plsc.subcore_barrier()
    base = wid * _EPW

    def issue(i, rows, sem):
        off = pl.multiple_of(base + i * _CH, 8)
        pltpu.async_copy(ne_hbm.at[pl.ds(off, _CH)], rows, sem)

    def step(i, rows, sem):
        off = pl.multiple_of(base + i * _CH, 8)
        pltpu.make_async_copy(ne_hbm.at[pl.ds(off, _CH)], rows, sem).wait()
        pltpu.sync_copy(rows, agg_sh.at[idx_v.at[i]], add=True)

        @pl.when(i + 3 < _NCH)
        def _():
            issue(i + 3, rows, sem)

    issue(0, rows0, sem0)
    issue(1, rows1, sem1)
    issue(2, rows2, sem2)

    def body(k, carry):
        i0 = k * 3
        step(i0, rows0, sem0)
        step(i0 + 1, rows1, sem1)
        step(i0 + 2, rows2, sem2)
        return carry

    lax.fori_loop(0, _NCH // 3, body, 0)
    step(_NCH - 2, rows0, sem0)
    step(_NCH - 1, rows1, sem1)
    plsc.subcore_barrier()
    out0 = pl.multiple_of(cid * _N + r0, 8)
    pltpu.sync_copy(agg_sh.at[pl.ds(r0, _RPT)], out_hbm.at[pl.ds(out0, _RPT)])

    @pl.when(sid == 0)
    def _():
        tail0 = pl.multiple_of(cid * _N + _RPT * _NS, 8)
        pltpu.sync_copy(agg_sh.at[pl.ds(_RPT * _NS, _RTAIL)],
                        out_hbm.at[pl.ds(tail0, _RTAIL)])


@functools.lru_cache(maxsize=None)
def _sc_kernels():
    mesh = plsc.VectorSubcoreMesh(
        core_axis_name="c", subcore_axis_name="s",
        num_cores=_NC, num_subcores=_NS)
    gather = pl.kernel(
        _sc_gather_body,
        out_type=jax.ShapeDtypeStruct((_E, _D), jnp.float32),
        mesh=mesh,
        scratch_types=(
            [pltpu.VMEM((_NCH, _CH), jnp.int32)] * 2
            + [pltpu.VMEM((_CH, _D), jnp.float32)] * 9
            + [pltpu.SemaphoreType.DMA] * 9
        ),
    )
    scatter = pl.kernel(
        _sc_scatter_body,
        out_type=jax.ShapeDtypeStruct((_NC * _N, _D), jnp.float32),
        mesh=mesh,
        scratch_types=(
            [pltpu.VMEM((_NCH, _CH), jnp.int32)]
            + [pltpu.VMEM((_CH, _D), jnp.float32)] * 3
            + [pltpu.VMEM_SHARED((_N, _D), jnp.float32)]
            + [pltpu.SemaphoreType.DMA] * 3
        ),
    )
    return gather, scatter



def kernel(node_features, edge_features, senders, receivers, We1, be1, We2,
           be2, ge, bge, Wn1, bn1, Wn2, bn2, gn, bgn):
    sc_gather, sc_scatter = _sc_kernels()
    ps, pr = _proj(node_features, We1[:_D], We1[_D:2 * _D])
    snd3 = senders.reshape(_NW, _NCH, _CH)
    rcv3 = receivers.reshape(_NW, _NCH, _CH)
    g = sc_gather(ps, pr, snd3, rcv3)
    new_edge, edge_out = _edge_mlp(
        g, edge_features, We1[2 * _D:], be1.reshape(1, _D), We2,
        be2.reshape(1, _D), ge.reshape(1, _D), bge.reshape(1, _D))
    zeros = jnp.zeros((_N, _D), jnp.float32)
    agg2 = sc_scatter(new_edge, rcv3, zeros)
    new_node = _node_mlp(
        node_features, agg2[:_N], agg2[_N:], Wn1[:_D], Wn1[_D:],
        bn1.reshape(1, _D), Wn2, bn2.reshape(1, _D), gn.reshape(1, _D),
        bgn.reshape(1, _D))
    return new_node, edge_out

# --- scband reference (transcript-rebuilt; emitter-appended) ---
"""Pipeline reference for scband-graph-net-80573586473054 (READ-ONLY COPY).

The authoritative reference and input builder live on the scoring server;
editing this copy changes nothing except your own understanding.
"""

import jax, jax.numpy as jnp
import numpy as np

N = 10000
E = 320000
D = 128


def _mlp(x, W1, b1, W2, b2, g, b):
    h = jax.nn.relu(x @ W1 + b1)
    h = h @ W2 + b2
    mu = jnp.mean(h, axis=-1, keepdims=True)
    var = jnp.var(h, axis=-1, keepdims=True)
    return g * (h - mu) / jnp.sqrt(var + 1e-5) + b


def setup_inputs(seed: int = 0):
    key = jax.random.key(seed)
    ks = jax.random.split(key, 16)
    s = 0.05
    return {
        "node_features": jax.random.normal(ks[0], (N, D), jnp.float32),
        "edge_features": jax.random.normal(ks[1], (E, D), jnp.float32),
        "senders": jax.random.randint(ks[2], (E,), 0, N, jnp.int32),
        "receivers": jax.random.randint(ks[3], (E,), 0, N, jnp.int32),
        "We1": jax.random.normal(ks[4], (3 * D, D), jnp.float32) * s,
        "be1": jnp.zeros((D,), jnp.float32),
        "We2": jax.random.normal(ks[5], (D, D), jnp.float32) * s,
        "be2": jnp.zeros((D,), jnp.float32),
        "ge": jnp.ones((D,), jnp.float32),
        "bge": jnp.zeros((D,), jnp.float32),
        "Wn1": jax.random.normal(ks[6], (2 * D, D), jnp.float32) * s,
        "bn1": jnp.zeros((D,), jnp.float32),
        "Wn2": jax.random.normal(ks[7], (D, D), jnp.float32) * s,
        "bn2": jnp.zeros((D,), jnp.float32),
        "gn": jnp.ones((D,), jnp.float32),
        "bgn": jnp.zeros((D,), jnp.float32),
    }


def reference(node_features, edge_features, senders, receivers, We1, be1, We2, be2, ge, bge, Wn1, bn1, Wn2, bn2, gn, bgn):
    # _update_edge_features: gather sender/receiver node features, concat with edge features, apply edge MLP
    sf = jnp.take(node_features, senders, axis=0)
    rf = jnp.take(node_features, receivers, axis=0)
    e_in = jnp.concatenate([sf, rf, edge_features], axis=-1)
    new_edge = _mlp(e_in, We1, be1, We2, be2, ge, bge)
    # aggregation: unsorted_segment_operation(..., operation='sum') over receivers
    agg = jax.ops.segment_sum(new_edge, receivers, num_segments=N)
    # _update_node_features: concat node features with aggregated messages, apply node MLP
    n_in = jnp.concatenate([node_features, agg], axis=-1)
    new_node = _mlp(n_in, Wn1, bn1, Wn2, bn2, gn, bgn)
    # residual connections on both nodes and edges
    return (new_node + node_features, new_edge + edge_features)

if __name__ == "__main__":
    import jax
    _d = setup_inputs()
    print(jax.jit(kernel)(*tuple(_d.values())))

</pallas_src>

<mosaic_0001>
#map = affine_map<(d0, d1) -> (0, 0)>
#map1 = affine_map<(d0, d1) -> (0, 0, 0)>
module attributes {stable_mosaic.version = 14 : i64} {
  func.func @_sc_scatter_body(%arg0: i32, %arg1: i32, %arg2: memref<320000x128xf32, #tpu.memory_space<hbm>>, %arg3: memref<32x125x80xi32, #tpu.memory_space<hbm>>, %arg4: memref<10000x128xf32, #tpu.memory_space<hbm>>, %arg5: memref<20000x128xf32, #tpu.memory_space<hbm>>, %arg6: memref<125x80xi32, #tpu.memory_space<vmem>>, %arg7: memref<80x128xf32, #tpu.memory_space<vmem>>, %arg8: memref<80x128xf32, #tpu.memory_space<vmem>>, %arg9: memref<80x128xf32, #tpu.memory_space<vmem>>, %arg10: memref<10000x128xf32, #tpu.memory_space<vmem_shared>>, %arg11: memref<!tpu.dma_semaphore, #tpu.memory_space<semaphore_mem>>, %arg12: memref<!tpu.dma_semaphore, #tpu.memory_space<semaphore_mem>>, %arg13: memref<!tpu.dma_semaphore, #tpu.memory_space<semaphore_mem>>) attributes {dimension_semantics = [#tpu.dimension_semantics<core_parallel>, #tpu.dimension_semantics<subcore_parallel>], iteration_bounds = array<i64: 2, 16>, scalar_prefetch = 0 : i64, scratch_operands = 8 : i64, tpu.core_type = #tpu.core_type<sc_vector_subcore>, window_params = [{transform_indices = #map}, {transform_indices = #map1}, {transform_indices = #map}, {transform_indices = #map}]} {
    %mul3A = arith.constant 2 : i32
    %mul3A_0 = arith.muli %arg1, %mul3A : i32
    %add3A = arith.addi %mul3A_0, %arg0 : i32
    %mul3A_1 = arith.constant 624 : i32
    %mul3A_2 = arith.muli %arg1, %mul3A_1 : i32
    %multiple_of3A = tpu.assume_multiple %mul3A_2, 8 : i32
    "tpu.region"() ({
      %run_scoped3A_56 = tpu.sem_alloc : memref<!tpu.dma_semaphore, #tpu.memory_space<semaphore_mem>>
      %dma_start3A_57 = arith.constant 0 : i32
      %dma_start3A_58 = tpu.memref_slice %arg10[%multiple_of3A, %dma_start3A_57] : memref<10000x128xf32, #tpu.memory_space<vmem_shared>> -> memref<624x128xf32, #tpu.memory_space<vmem_shared>>
      %dma_start3A_59 = arith.constant 0 : i32
      %dma_start3A_60 = tpu.memref_slice %arg4[%multiple_of3A, %dma_start3A_59] : memref<10000x128xf32, #tpu.memory_space<hbm>> -> memref<624x128xf32, #tpu.memory_space<hbm>>
      tpu.enqueue_dma source(%dma_start3A_60 : memref<624x128xf32, #tpu.memory_space<hbm>>) target(%dma_start3A_58 : memref<624x128xf32, #tpu.memory_space<vmem_shared>>) target_semaphore(%run_scoped3A_56 : memref<!tpu.dma_semaphore, #tpu.memory_space<semaphore_mem>>)
      %dma_wait3A_61 = arith.constant 0 : i32
      %dma_wait3A_62 = tpu.memref_slice %arg10[%multiple_of3A, %dma_wait3A_61] : memref<10000x128xf32, #tpu.memory_space<vmem_shared>> -> memref<624x128xf32, #tpu.memory_space<vmem_shared>>
      %dma_wait3A_63 = arith.constant 0 : i32
      %dma_wait3A_64 = tpu.memref_slice %arg4[%multiple_of3A, %dma_wait3A_63] : memref<10000x128xf32, #tpu.memory_space<hbm>> -> memref<624x128xf32, #tpu.memory_space<hbm>>
      tpu.wait_dma2 semaphore(%run_scoped3A_56 : memref<!tpu.dma_semaphore, #tpu.memory_space<semaphore_mem>>) src(%dma_wait3A_64 : memref<624x128xf32, #tpu.memory_space<hbm>>) dst(%dma_wait3A_62 : memref<624x128xf32, #tpu.memory_space<vmem_shared>>)
      tpu.yield
    }) : () -> ()
    %eq3A = arith.constant 0 : i32
    %eq3A_3 = arith.cmpi eq, %arg1, %eq3A : i32
    %convert_element_type3A = arith.extui %eq3A_3 : i1 to i32
    %cond3A = arith.constant 0 : i32
    %cond3A_4 = arith.cmpi ne, %convert_element_type3A, %cond3A : i32
    scf.if %cond3A_4 {
      "tpu.region"() ({
        %run_scoped3A_56 = tpu.sem_alloc : memref<!tpu.dma_semaphore, #tpu.memory_space<semaphore_mem>>
        %dma_start3A_57 = arith.constant 9984 : i32
        %dma_start3A_58 = arith.constant 0 : i32
        %dma_start3A_59 = tpu.memref_slice %arg10[%dma_start3A_57, %dma_start3A_58] : memref<10000x128xf32, #tpu.memory_space<vmem_shared>> -> memref<16x128xf32, #tpu.memory_space<vmem_shared>>
        %dma_start3A_60 = arith.constant 9984 : i32
        %dma_start3A_61 = arith.constant 0 : i32
        %dma_start3A_62 = tpu.memref_slice %arg4[%dma_start3A_60, %dma_start3A_61] : memref<10000x128xf32, #tpu.memory_space<hbm>> -> memref<16x128xf32, #tpu.memory_space<hbm>>
        tpu.enqueue_dma source(%dma_start3A_62 : memref<16x128xf32, #tpu.memory_space<hbm>>) target(%dma_start3A_59 : memref<16x128xf32, #tpu.memory_space<vmem_shared>>) target_semaphore(%run_scoped3A_56 : memref<!tpu.dma_semaphore, #tpu.memory_space<semaphore_mem>>)
        %dma_wait3A_63 = arith.constant 9984 : i32
        %dma_wait3A_64 = arith.constant 0 : i32
        %dma_wait3A_65 = tpu.memref_slice %arg10[%dma_wait3A_63, %dma_wait3A_64] : memref<10000x128xf32, #tpu.memory_space<vmem_shared>> -> memref<16x128xf32, #tpu.memory_space<vmem_shared>>
        %dma_wait3A_66 = arith.constant 9984 : i32
        %dma_wait3A_67 = arith.constant 0 : i32
        %dma_wait3A_68 = tpu.memref_slice %arg4[%dma_wait3A_66, %dma_wait3A_67] : memref<10000x128xf32, #tpu.memory_space<hbm>> -> memref<16x128xf32, #tpu.memory_space<hbm>>
        tpu.wait_dma2 semaphore(%run_scoped3A_56 : memref<!tpu.dma_semaphore, #tpu.memory_space<semaphore_mem>>) src(%dma_wait3A_68 : memref<16x128xf32, #tpu.memory_space<hbm>>) dst(%dma_wait3A_65 : memref<16x128xf32, #tpu.memory_space<vmem_shared>>)
        tpu.yield
      }) : () -> ()
    } else {
    }
    "tpu.region"() ({
      %run_scoped3A_56 = tpu.sem_alloc : memref<!tpu.dma_semaphore, #tpu.memory_space<semaphore_mem>>
      %dma_start3A_57 = arith.constant 0 : i32
      %dma_start3A_58 = arith.constant 0 : i32
      %dma_start3A_59 = tpu.memref_slice %arg3[%add3A, %dma_start3A_57, %dma_start3A_58] : memref<32x125x80xi32, #tpu.memory_space<hbm>> -> memref<1x125x80xi32, #tpu.memory_space<hbm>>
      %dma_start3A_60 = tpu.memref_squeeze %dma_start3A_59 : memref<1x125x80xi32, #tpu.memory_space<hbm>> -> memref<125x80xi32, #tpu.memory_space<hbm>>
      %dma_start3A_61 = arith.constant 0 : i32
      %dma_start3A_62 = arith.constant 0 : i32
      %dma_start3A_63 = tpu.memref_slice %arg3[%add3A, %dma_start3A_61, %dma_start3A_62] : memref<32x125x80xi32, #tpu.memory_space<hbm>> -> memref<1x125x80xi32, #tpu.memory_space<hbm>>
      %dma_start3A_64 = tpu.memref_squeeze %dma_start3A_63 : memref<1x125x80xi32, #tpu.memory_space<hbm>> -> memref<125x80xi32, #tpu.memory_space<hbm>>
      tpu.enqueue_dma source(%dma_start3A_64 : memref<125x80xi32, #tpu.memory_space<hbm>>) target(%arg6 : memref<125x80xi32, #tpu.memory_space<vmem>>) target_semaphore(%run_scoped3A_56 : memref<!tpu.dma_semaphore, #tpu.memory_space<semaphore_mem>>)
      %dma_wait3A_65 = arith.constant 0 : i32
      %dma_wait3A_66 = arith.constant 0 : i32
      %dma_wait3A_67 = tpu.memref_slice %arg3[%add3A, %dma_wait3A_65, %dma_wait3A_66] : memref<32x125x80xi32, #tpu.memory_space<hbm>> -> memref<1x125x80xi32, #tpu.memory_space<hbm>>
      %dma_wait3A_68 = tpu.memref_squeeze %dma_wait3A_67 : memref<1x125x80xi32, #tpu.memory_space<hbm>> -> memref<125x80xi32, #tpu.memory_space<hbm>>
      %dma_wait3A_69 = arith.constant 0 : i32
      %dma_wait3A_70 = arith.constant 0 : i32
      %dma_wait3A_71 = tpu.memref_slice %arg3[%add3A, %dma_wait3A_69, %dma_wait3A_70] : memref<32x125x80xi32, #tpu.memory_space<hbm>> -> memref<1x125x80xi32, #tpu.memory_space<hbm>>
      %dma_wait3A_72 = tpu.memref_squeeze %dma_wait3A_71 : memref<1x125x80xi32, #tpu.memory_space<hbm>> -> memref<125x80xi32, #tpu.memory_space<hbm>>
      tpu.wait_dma2 semaphore(%run_scoped3A_56 : memref<!tpu.dma_semaphore, #tpu.memory_space<semaphore_mem>>) src(%dma_wait3A_72 : memref<125x80xi32, #tpu.memory_space<hbm>>) dst(%arg6 : memref<125x80xi32, #tpu.memory_space<vmem>>)
      tpu.yield
    }) : () -> ()
    %barrier3A = arith.constant 0 : index
    tpu.barrier barrier_id(%barrier3A)
    %mul3A_5 = arith.constant 10000 : i32
    %mul3A_6 = arith.muli %add3A, %mul3A_5 : i32
    %add3A_7 = arith.constant 0 : i32
    %add3A_8 = arith.addi %mul3A_6, %add3A_7 : i32
    %multiple_of3A_9 = tpu.assume_multiple %add3A_8, 8 : i32
    %dma_start3A = arith.constant 0 : i32
    %dma_start3A_10 = tpu.memref_slice %arg2[%multiple_of3A_9, %dma_start3A] : memref<320000x128xf32, #tpu.memory_space<hbm>> -> memref<80x128xf32, #tpu.memory_space<hbm>>
    %dma_start3A_11 = arith.constant 0 : i32
    %dma_start3A_12 = tpu.memref_slice %arg2[%multiple_of3A_9, %dma_start3A_11] : memref<320000x128xf32, #tpu.memory_space<hbm>> -> memref<80x128xf32, #tpu.memory_space<hbm>>
    tpu.enqueue_dma source(%dma_start3A_12 : memref<80x128xf32, #tpu.memory_space<hbm>>) target(%arg7 : memref<80x128xf32, #tpu.memory_space<vmem>>) target_semaphore(%arg11 : memref<!tpu.dma_semaphore, #tpu.memory_space<semaphore_mem>>)
    %add3A_13 = arith.constant 80 : i32
    %add3A_14 = arith.addi %mul3A_6, %add3A_13 : i32
    %multiple_of3A_15 = tpu.assume_multiple %add3A_14, 8 : i32
    %dma_start3A_16 = arith.constant 0 : i32
    %dma_start3A_17 = tpu.memref_slice %arg2[%multiple_of3A_15, %dma_start3A_16] : memref<320000x128xf32, #tpu.memory_space<hbm>> -> memref<80x128xf32, #tpu.memory_space<hbm>>
    %dma_start3A_18 = arith.constant 0 : i32
    %dma_start3A_19 = tpu.memref_slice %arg2[%multiple_of3A_15, %dma_start3A_18] : memref<320000x128xf32, #tpu.memory_space<hbm>> -> memref<80x128xf32, #tpu.memory_space<hbm>>
    tpu.enqueue_dma source(%dma_start3A_19 : memref<80x128xf32, #tpu.memory_space<hbm>>) target(%arg8 : memref<80x128xf32, #tpu.memory_space<vmem>>) target_semaphore(%arg12 : memref<!tpu.dma_semaphore, #tpu.memory_space<semaphore_mem>>)
    %add3A_20 = arith.constant 160 : i32
    %add3A_21 = arith.addi %mul3A_6, %add3A_20 : i32
    %multiple_of3A_22 = tpu.assume_multiple %add3A_21, 8 : i32
    %dma_start3A_23 = arith.constant 0 : i32
    %dma_start3A_24 = tpu.memref_slice %arg2[%multiple_of3A_22, %dma_start3A_23] : memref<320000x128xf32, #tpu.memory_space<hbm>> -> memref<80x128xf32, #tpu.memory_space<hbm>>
    %dma_start3A_25 = arith.constant 0 : i32
    %dma_start3A_26 = tpu.memref_slice %arg2[%multiple_of3A_22, %dma_start3A_25] : memref<320000x128xf32, #tpu.memory_space<hbm>> -> memref<80x128xf32, #tpu.memory_space<hbm>>
    tpu.enqueue_dma source(%dma_start3A_26 : memref<80x128xf32, #tpu.memory_space<hbm>>) target(%arg9 : memref<80x128xf32, #tpu.memory_space<vmem>>) target_semaphore(%arg13 : memref<!tpu.dma_semaphore, #tpu.memory_space<semaphore_mem>>)
    %scan3A = arith.constant 0 : i32
    %scan3A_27 = arith.constant 0 : i32
    %scan3A_28 = arith.constant 41 : i32
    %scan3A_29 = arith.addi %scan3A_27, %scan3A_28 : i32
    %scan3A_30 = arith.constant 1 : i32
    scf.for %scan3A_56 = %scan3A_27 to %scan3A_29 step %scan3A_30  : i32 {
      %mul3A_57 = arith.constant 3 : i32
      %mul3A_58 = arith.muli %scan3A_56, %mul3A_57 : i32
      %mul3A_59 = arith.constant 80 : i32
      %mul3A_60 = arith.muli %mul3A_58, %mul3A_59 : i32
      %add3A_61 = arith.addi %mul3A_6, %mul3A_60 : i32
      %multiple_of3A_62 = tpu.assume_multiple %add3A_61, 8 : i32
      %dma_wait3A_63 = arith.constant 0 : i32
      %dma_wait3A_64 = tpu.memref_slice %arg2[%multiple_of3A_62, %dma_wait3A_63] : memref<320000x128xf32, #tpu.memory_space<hbm>> -> memref<80x128xf32, #tpu.memory_space<hbm>>
      %dma_wait3A_65 = arith.constant 0 : i32
      %dma_wait3A_66 = tpu.memref_slice %arg2[%multiple_of3A_62, %dma_wait3A_65] : memref<320000x128xf32, #tpu.memory_space<hbm>> -> memref<80x128xf32, #tpu.memory_space<hbm>>
      tpu.wait_dma2 semaphore(%arg11 : memref<!tpu.dma_semaphore, #tpu.memory_space<semaphore_mem>>) src(%dma_wait3A_66 : memref<80x128xf32, #tpu.memory_space<hbm>>) dst(%arg7 : memref<80x128xf32, #tpu.memory_space<vmem>>)
      "tpu.region"() ({
        %run_scoped3A_107 = tpu.sem_alloc : memref<!tpu.dma_semaphore, #tpu.memory_space<semaphore_mem>>
        %dma_start3A_108 = arith.constant 0 : i32
        %dma_start3A_109 = tpu.memref_slice %arg6[%mul3A_58, %dma_start3A_108] : memref<125x80xi32, #tpu.memory_space<vmem>> -> memref<1x80xi32, #tpu.memory_space<vmem>>
        %dma_start3A_110 = tpu.memref_squeeze %dma_start3A_109 : memref<1x80xi32, #tpu.memory_space<vmem>> -> memref<80xi32, #tpu.memory_space<vmem>>
        %dma_start3A_111 = arith.constant 0 : i32
        %dma_start3A_112 = arith.constant 0 : i32
        %dma_start3A_113 = tpu.memref_slice %arg10[%dma_start3A_111, %dma_start3A_112] : memref<10000x128xf32, #tpu.memory_space<vmem_shared>> -> memref<10000x128xf32, #tpu.memory_space<vmem_shared>>
        tpu.enqueue_indirect_dma source(%arg7 : memref<80x128xf32, #tpu.memory_space<vmem>>) target(%dma_start3A_113 : memref<10000x128xf32, #tpu.memory_space<vmem_shared>>) offsets(%dma_start3A_110 : memref<80xi32, #tpu.memory_space<vmem>>) semaphore(%run_scoped3A_107 : memref<!tpu.dma_semaphore, #tpu.memory_space<semaphore_mem>>) {add = true}
        %dma_wait3A_114 = arith.constant 0 : i32
        %dma_wait3A_115 = tpu.memref_slice %arg6[%mul3A_58, %dma_wait3A_114] : memref<125x80xi32, #tpu.memory_space<vmem>> -> memref<1x80xi32, #tpu.memory_space<vmem>>
        %dma_wait3A_116 = tpu.memref_squeeze %dma_wait3A_115 : memref<1x80xi32, #tpu.memory_space<vmem>> -> memref<80xi32, #tpu.memory_space<vmem>>
        %dma_wait3A_117 = arith.constant 0 : i32
        %dma_wait3A_118 = arith.constant 0 : i32
        %dma_wait3A_119 = tpu.memref_slice %arg10[%dma_wait3A_117, %dma_wait3A_118] : memref<10000x128xf32, #tpu.memory_space<vmem_shared>> -> memref<10000x128xf32, #tpu.memory_space<vmem_shared>>
        tpu.wait_indirect_dma semaphore(%run_scoped3A_107 : memref<!tpu.dma_semaphore, #tpu.memory_space<semaphore_mem>>) src(%arg7 : memref<80x128xf32, #tpu.memory_space<vmem>>) dst(%dma_wait3A_119 : memref<10000x128xf32, #tpu.memory_space<vmem_shared>>)
        tpu.yield
      }) : () -> ()
      %add3A_67 = arith.constant 3 : i32
      %add3A_68 = arith.addi %mul3A_58, %add3A_67 : i32
      %lt3A = arith.constant 125 : i32
      %lt3A_69 = arith.cmpi slt, %add3A_68, %lt3A : i32
      %convert_element_type3A_70 = arith.extui %lt3A_69 : i1 to i32
      %cond3A_71 = arith.constant 0 : i32
      %cond3A_72 = arith.cmpi ne, %convert_element_type3A_70, %cond3A_71 : i32
      scf.if %cond3A_72 {
        %add3A_107 = arith.constant 3 : i32
        %add3A_108 = arith.addi %mul3A_58, %add3A_107 : i32
        %mul3A_109 = arith.constant 80 : i32
        %mul3A_110 = arith.muli %add3A_108, %mul3A_109 : i32
        %add3A_111 = arith.addi %mul3A_6, %mul3A_110 : i32
        %multiple_of3A_112 = tpu.assume_multiple %add3A_111, 8 : i32
        %dma_start3A_113 = arith.constant 0 : i32
        %dma_start3A_114 = tpu.memref_slice %arg2[%multiple_of3A_112, %dma_start3A_113] : memref<320000x128xf32, #tpu.memory_space<hbm>> -> memref<80x128xf32, #tpu.memory_space<hbm>>
        %dma_start3A_115 = arith.constant 0 : i32
        %dma_start3A_116 = tpu.memref_slice %arg2[%multiple_of3A_112, %dma_start3A_115] : memref<320000x128xf32, #tpu.memory_space<hbm>> -> memref<80x128xf32, #tpu.memory_space<hbm>>
        tpu.enqueue_dma source(%dma_start3A_116 : memref<80x128xf32, #tpu.memory_space<hbm>>) target(%arg7 : memref<80x128xf32, #tpu.memory_space<vmem>>) target_semaphore(%arg11 : memref<!tpu.dma_semaphore, #tpu.memory_space<semaphore_mem>>)
      } else {
      }
      %add3A_73 = arith.constant 1 : i32
      %add3A_74 = arith.addi %mul3A_58, %add3A_73 : i32
      %mul3A_75 = arith.constant 80 : i32
      %mul3A_76 = arith.muli %add3A_74, %mul3A_75 : i32
      %add3A_77 = arith.addi %mul3A_6, %mul3A_76 : i32
      %multiple_of3A_78 = tpu.assume_multiple %add3A_77, 8 : i32
      %dma_wait3A_79 = arith.constant 0 : i32
      %dma_wait3A_80 = tpu.memref_slice %arg2[%multiple_of3A_78, %dma_wait3A_79] : memref<320000x128xf32, #tpu.memory_space<hbm>> -> memref<80x128xf32, #tpu.memory_space<hbm>>
      %dma_wait3A_81 = arith.constant 0 : i32
      %dma_wait3A_82 = tpu.memref_slice %arg2[%multiple_of3A_78, %dma_wait3A_81] : memref<320000x128xf32, #tpu.memory_space<hbm>> -> memref<80x128xf32, #tpu.memory_space<hbm>>
      tpu.wait_dma2 semaphore(%arg12 : memref<!tpu.dma_semaphore, #tpu.memory_space<semaphore_mem>>) src(%dma_wait3A_82 : memref<80x128xf32, #tpu.memory_space<hbm>>) dst(%arg8 : memref<80x128xf32, #tpu.memory_space<vmem>>)
      "tpu.region"() ({
        %run_scoped3A_107 = tpu.sem_alloc : memref<!tpu.dma_semaphore, #tpu.memory_space<semaphore_mem>>
        %dma_start3A_108 = arith.constant 0 : i32
        %dma_start3A_109 = tpu.memref_slice %arg6[%add3A_74, %dma_start3A_108] : memref<125x80xi32, #tpu.memory_space<vmem>> -> memref<1x80xi32, #tpu.memory_space<vmem>>
        %dma_start3A_110 = tpu.memref_squeeze %dma_start3A_109 : memref<1x80xi32, #tpu.memory_space<vmem>> -> memref<80xi32, #tpu.memory_space<vmem>>
        %dma_start3A_111 = arith.constant 0 : i32
        %dma_start3A_112 = arith.constant 0 : i32
        %dma_start3A_113 = tpu.memref_slice %arg10[%dma_start3A_111, %dma_start3A_112] : memref<10000x128xf32, #tpu.memory_space<vmem_shared>> -> memref<10000x128xf32, #tpu.memory_space<vmem_shared>>
        tpu.enqueue_indirect_dma source(%arg8 : memref<80x128xf32, #tpu.memory_space<vmem>>) target(%dma_start3A_113 : memref<10000x128xf32, #tpu.memory_space<vmem_shared>>) offsets(%dma_start3A_110 : memref<80xi32, #tpu.memory_space<vmem>>) semaphore(%run_scoped3A_107 : memref<!tpu.dma_semaphore, #tpu.memory_space<semaphore_mem>>) {add = true}
        %dma_wait3A_114 = arith.constant 0 : i32
        %dma_wait3A_115 = tpu.memref_slice %arg6[%add3A_74, %dma_wait3A_114] : memref<125x80xi32, #tpu.memory_space<vmem>> -> memref<1x80xi32, #tpu.memory_space<vmem>>
        %dma_wait3A_116 = tpu.memref_squeeze %dma_wait3A_115 : memref<1x80xi32, #tpu.memory_space<vmem>> -> memref<80xi32, #tpu.memory_space<vmem>>
        %dma_wait3A_117 = arith.constant 0 : i32
        %dma_wait3A_118 = arith.constant 0 : i32
        %dma_wait3A_119 = tpu.memref_slice %arg10[%dma_wait3A_117, %dma_wait3A_118] : memref<10000x128xf32, #tpu.memory_space<vmem_shared>> -> memref<10000x128xf32, #tpu.memory_space<vmem_shared>>
        tpu.wait_indirect_dma semaphore(%run_scoped3A_107 : memref<!tpu.dma_semaphore, #tpu.memory_space<semaphore_mem>>) src(%arg8 : memref<80x128xf32, #tpu.memory_space<vmem>>) dst(%dma_wait3A_119 : memref<10000x128xf32, #tpu.memory_space<vmem_shared>>)
        tpu.yield
      }) : () -> ()
      %add3A_83 = arith.constant 3 : i32
      %add3A_84 = arith.addi %add3A_74, %add3A_83 : i32
      %lt3A_85 = arith.constant 125 : i32
      %lt3A_86 = arith.cmpi slt, %add3A_84, %lt3A_85 : i32
      %convert_element_type3A_87 = arith.extui %lt3A_86 : i1 to i32
      %cond3A_88 = arith.constant 0 : i32
      %cond3A_89 = arith.cmpi ne, %convert_element_type3A_87, %cond3A_88 : i32
      scf.if %cond3A_89 {
        %add3A_107 = arith.constant 3 : i32
        %add3A_108 = arith.addi %add3A_74, %add3A_107 : i32
        %mul3A_109 = arith.constant 80 : i32
        %mul3A_110 = arith.muli %add3A_108, %mul3A_109 : i32
        %add3A_111 = arith.addi %mul3A_6, %mul3A_110 : i32
        %multiple_of3A_112 = tpu.assume_multiple %add3A_111, 8 : i32
        %dma_start3A_113 = arith.constant 0 : i32
        %dma_start3A_114 = tpu.memref_slice %arg2[%multiple_of3A_112, %dma_start3A_113] : memref<320000x128xf32, #tpu.memory_space<hbm>> -> memref<80x128xf32, #tpu.memory_space<hbm>>
        %dma_start3A_115 = arith.constant 0 : i32
        %dma_start3A_116 = tpu.memref_slice %arg2[%multiple_of3A_112, %dma_start3A_115] : memref<320000x128xf32, #tpu.memory_space<hbm>> -> memref<80x128xf32, #tpu.memory_space<hbm>>
        tpu.enqueue_dma source(%dma_start3A_116 : memref<80x128xf32, #tpu.memory_space<hbm>>) target(%arg8 : memref<80x128xf32, #tpu.memory_space<vmem>>) target_semaphore(%arg12 : memref<!tpu.dma_semaphore, #tpu.memory_space<semaphore_mem>>)
      } else {
      }
      %add3A_90 = arith.constant 2 : i32
      %add3A_91 = arith.addi %mul3A_58, %add3A_90 : i32
      %mul3A_92 = arith.constant 80 : i32
      %mul3A_93 = arith.muli %add3A_91, %mul3A_92 : i32
      %add3A_94 = arith.addi %mul3A_6, %mul3A_93 : i32
      %multiple_of3A_95 = tpu.assume_multiple %add3A_94, 8 : i32
      %dma_wait3A_96 = arith.constant 0 : i32
      %dma_wait3A_97 = tpu.memref_slice %arg2[%multiple_of3A_95, %dma_wait3A_96] : memref<320000x128xf32, #tpu.memory_space<hbm>> -> memref<80x128xf32, #tpu.memory_space<hbm>>
      %dma_wait3A_98 = arith.constant 0 : i32
      %dma_wait3A_99 = tpu.memref_slice %arg2[%multiple_of3A_95, %dma_wait3A_98] : memref<320000x128xf32, #tpu.memory_space<hbm>> -> memref<80x128xf32, #tpu.memory_space<hbm>>
      tpu.wait_dma2 semaphore(%arg13 : memref<!tpu.dma_semaphore, #tpu.memory_space<semaphore_mem>>) src(%dma_wait3A_99 : memref<80x128xf32, #tpu.memory_space<hbm>>) dst(%arg9 : memref<80x128xf32, #tpu.memory_space<vmem>>)
      "tpu.region"() ({
        %run_scoped3A_107 = tpu.sem_alloc : memref<!tpu.dma_semaphore, #tpu.memory_space<semaphore_mem>>
        %dma_start3A_108 = arith.constant 0 : i32
        %dma_start3A_109 = tpu.memref_slice %arg6[%add3A_91, %dma_start3A_108] : memref<125x80xi32, #tpu.memory_space<vmem>> -> memref<1x80xi32, #tpu.memory_space<vmem>>
        %dma_start3A_110 = tpu.memref_squeeze %dma_start3A_109 : memref<1x80xi32, #tpu.memory_space<vmem>> -> memref<80xi32, #tpu.memory_space<vmem>>
        %dma_start3A_111 = arith.constant 0 : i32
        %dma_start3A_112 = arith.constant 0 : i32
        %dma_start3A_113 = tpu.memref_slice %arg10[%dma_start3A_111, %dma_start3A_112] : memref<10000x128xf32, #tpu.memory_space<vmem_shared>> -> memref<10000x128xf32, #tpu.memory_space<vmem_shared>>
        tpu.enqueue_indirect_dma source(%arg9 : memref<80x128xf32, #tpu.memory_space<vmem>>) target(%dma_start3A_113 : memref<10000x128xf32, #tpu.memory_space<vmem_shared>>) offsets(%dma_start3A_110 : memref<80xi32, #tpu.memory_space<vmem>>) semaphore(%run_scoped3A_107 : memref<!tpu.dma_semaphore, #tpu.memory_space<semaphore_mem>>) {add = true}
        %dma_wait3A_114 = arith.constant 0 : i32
        %dma_wait3A_115 = tpu.memref_slice %arg6[%add3A_91, %dma_wait3A_114] : memref<125x80xi32, #tpu.memory_space<vmem>> -> memref<1x80xi32, #tpu.memory_space<vmem>>
        %dma_wait3A_116 = tpu.memref_squeeze %dma_wait3A_115 : memref<1x80xi32, #tpu.memory_space<vmem>> -> memref<80xi32, #tpu.memory_space<vmem>>
        %dma_wait3A_117 = arith.constant 0 : i32
        %dma_wait3A_118 = arith.constant 0 : i32
        %dma_wait3A_119 = tpu.memref_slice %arg10[%dma_wait3A_117, %dma_wait3A_118] : memref<10000x128xf32, #tpu.memory_space<vmem_shared>> -> memref<10000x128xf32, #tpu.memory_space<vmem_shared>>
        tpu.wait_indirect_dma semaphore(%run_scoped3A_107 : memref<!tpu.dma_semaphore, #tpu.memory_space<semaphore_mem>>) src(%arg9 : memref<80x128xf32, #tpu.memory_space<vmem>>) dst(%dma_wait3A_119 : memref<10000x128xf32, #tpu.memory_space<vmem_shared>>)
        tpu.yield
      }) : () -> ()
      %add3A_100 = arith.constant 3 : i32
      %add3A_101 = arith.addi %add3A_91, %add3A_100 : i32
      %lt3A_102 = arith.constant 125 : i32
      %lt3A_103 = arith.cmpi slt, %add3A_101, %lt3A_102 : i32
      %convert_element_type3A_104 = arith.extui %lt3A_103 : i1 to i32
      %cond3A_105 = arith.constant 0 : i32
      %cond3A_106 = arith.cmpi ne, %convert_element_type3A_104, %cond3A_105 : i32
      scf.if %cond3A_106 {
        %add3A_107 = arith.constant 3 : i32
        %add3A_108 = arith.addi %add3A_91, %add3A_107 : i32
        %mul3A_109 = arith.constant 80 : i32
        %mul3A_110 = arith.muli %add3A_108, %mul3A_109 : i32
        %add3A_111 = arith.addi %mul3A_6, %mul3A_110 : i32
        %multiple_of3A_112 = tpu.assume_multiple %add3A_111, 8 : i32
        %dma_start3A_113 = arith.constant 0 : i32
        %dma_start3A_114 = tpu.memref_slice %arg2[%multiple_of3A_112, %dma_start3A_113] : memref<320000x128xf32, #tpu.memory_space<hbm>> -> memref<80x128xf32, #tpu.memory_space<hbm>>
        %dma_start3A_115 = arith.constant 0 : i32
        %dma_start3A_116 = tpu.memref_slice %arg2[%multiple_of3A_112, %dma_start3A_115] : memref<320000x128xf32, #tpu.memory_space<hbm>> -> memref<80x128xf32, #tpu.memory_space<hbm>>
        tpu.enqueue_dma source(%dma_start3A_116 : memref<80x128xf32, #tpu.memory_space<hbm>>) target(%arg9 : memref<80x128xf32, #tpu.memory_space<vmem>>) target_semaphore(%arg13 : memref<!tpu.dma_semaphore, #tpu.memory_space<semaphore_mem>>)
      } else {
      }
    }
    %scan3A_31 = arith.constant 41 : i32
    %add3A_32 = arith.constant 9840 : i32
    %add3A_33 = arith.addi %mul3A_6, %add3A_32 : i32
    %multiple_of3A_34 = tpu.assume_multiple %add3A_33, 8 : i32
    %dma_wait3A = arith.constant 0 : i32
    %dma_wait3A_35 = tpu.memref_slice %arg2[%multiple_of3A_34, %dma_wait3A] : memref<320000x128xf32, #tpu.memory_space<hbm>> -> memref<80x128xf32, #tpu.memory_space<hbm>>
    %dma_wait3A_36 = arith.constant 0 : i32
    %dma_wait3A_37 = tpu.memref_slice %arg2[%multiple_of3A_34, %dma_wait3A_36] : memref<320000x128xf32, #tpu.memory_space<hbm>> -> memref<80x128xf32, #tpu.memory_space<hbm>>
    tpu.wait_dma2 semaphore(%arg11 : memref<!tpu.dma_semaphore, #tpu.memory_space<semaphore_mem>>) src(%dma_wait3A_37 : memref<80x128xf32, #tpu.memory_space<hbm>>) dst(%arg7 : memref<80x128xf32, #tpu.memory_space<vmem>>)
    %run_scoped3A = arith.constant 123 : i32
    "tpu.region"() ({
      %run_scoped3A_56 = tpu.sem_alloc : memref<!tpu.dma_semaphore, #tpu.memory_space<semaphore_mem>>
      %dma_start3A_57 = arith.constant 0 : i32
      %dma_start3A_58 = tpu.memref_slice %arg6[%run_scoped3A, %dma_start3A_57] : memref<125x80xi32, #tpu.memory_space<vmem>> -> memref<1x80xi32, #tpu.memory_space<vmem>>
      %dma_start3A_59 = tpu.memref_squeeze %dma_start3A_58 : memref<1x80xi32, #tpu.memory_space<vmem>> -> memref<80xi32, #tpu.memory_space<vmem>>
      %dma_start3A_60 = arith.constant 0 : i32
      %dma_start3A_61 = arith.constant 0 : i32
      %dma_start3A_62 = tpu.memref_slice %arg10[%dma_start3A_60, %dma_start3A_61] : memref<10000x128xf32, #tpu.memory_space<vmem_shared>> -> memref<10000x128xf32, #tpu.memory_space<vmem_shared>>
      tpu.enqueue_indirect_dma source(%arg7 : memref<80x128xf32, #tpu.memory_space<vmem>>) target(%dma_start3A_62 : memref<10000x128xf32, #tpu.memory_space<vmem_shared>>) offsets(%dma_start3A_59 : memref<80xi32, #tpu.memory_space<vmem>>) semaphore(%run_scoped3A_56 : memref<!tpu.dma_semaphore, #tpu.memory_space<semaphore_mem>>) {add = true}
      %dma_wait3A_63 = arith.constant 0 : i32
      %dma_wait3A_64 = tpu.memref_slice %arg6[%run_scoped3A, %dma_wait3A_63] : memref<125x80xi32, #tpu.memory_space<vmem>> -> memref<1x80xi32, #tpu.memory_space<vmem>>
      %dma_wait3A_65 = tpu.memref_squeeze %dma_wait3A_64 : memref<1x80xi32, #tpu.memory_space<vmem>> -> memref<80xi32, #tpu.memory_space<vmem>>
      %dma_wait3A_66 = arith.constant 0 : i32
      %dma_wait3A_67 = arith.constant 0 : i32
      %dma_wait3A_68 = tpu.memref_slice %arg10[%dma_wait3A_66, %dma_wait3A_67] : memref<10000x128xf32, #tpu.memory_space<vmem_shared>> -> memref<10000x128xf32, #tpu.memory_space<vmem_shared>>
      tpu.wait_indirect_dma semaphore(%run_scoped3A_56 : memref<!tpu.dma_semaphore, #tpu.memory_space<semaphore_mem>>) src(%arg7 : memref<80x128xf32, #tpu.memory_space<vmem>>) dst(%dma_wait3A_68 : memref<10000x128xf32, #tpu.memory_space<vmem_shared>>)
      tpu.yield
    }) : () -> ()
    %add3A_38 = arith.constant 9920 : i32
    %add3A_39 = arith.addi %mul3A_6, %add3A_38 : i32
    %multiple_of3A_40 = tpu.assume_multiple %add3A_39, 8 : i32
    %dma_wait3A_41 = arith.constant 0 : i32
    %dma_wait3A_42 = tpu.memref_slice %arg2[%multiple_of3A_40, %dma_wait3A_41] : memref<320000x128xf32, #tpu.memory_space<hbm>> -> memref<80x128xf32, #tpu.memory_space<hbm>>
    %dma_wait3A_43 = arith.constant 0 : i32
    %dma_wait3A_44 = tpu.memref_slice %arg2[%multiple_of3A_40, %dma_wait3A_43] : memref<320000x128xf32, #tpu.memory_space<hbm>> -> memref<80x128xf32, #tpu.memory_space<hbm>>
    tpu.wait_dma2 semaphore(%arg12 : memref<!tpu.dma_semaphore, #tpu.memory_space<semaphore_mem>>) src(%dma_wait3A_44 : memref<80x128xf32, #tpu.memory_space<hbm>>) dst(%arg8 : memref<80x128xf32, #tpu.memory_space<vmem>>)
    %run_scoped3A_45 = arith.constant 124 : i32
    "tpu.region"() ({
      %run_scoped3A_56 = tpu.sem_alloc : memref<!tpu.dma_semaphore, #tpu.memory_space<semaphore_mem>>
      %dma_start3A_57 = arith.constant 0 : i32
      %dma_start3A_58 = tpu.memref_slice %arg6[%run_scoped3A_45, %dma_start3A_57] : memref<125x80xi32, #tpu.memory_space<vmem>> -> memref<1x80xi32, #tpu.memory_space<vmem>>
      %dma_start3A_59 = tpu.memref_squeeze %dma_start3A_58 : memref<1x80xi32, #tpu.memory_space<vmem>> -> memref<80xi32, #tpu.memory_space<vmem>>
      %dma_start3A_60 = arith.constant 0 : i32
      %dma_start3A_61 = arith.constant 0 : i32
      %dma_start3A_62 = tpu.memref_slice %arg10[%dma_start3A_60, %dma_start3A_61] : memref<10000x128xf32, #tpu.memory_space<vmem_shared>> -> memref<10000x128xf32, #tpu.memory_space<vmem_shared>>
      tpu.enqueue_indirect_dma source(%arg8 : memref<80x128xf32, #tpu.memory_space<vmem>>) target(%dma_start3A_62 : memref<10000x128xf32, #tpu.memory_space<vmem_shared>>) offsets(%dma_start3A_59 : memref<80xi32, #tpu.memory_space<vmem>>) semaphore(%run_scoped3A_56 : memref<!tpu.dma_semaphore, #tpu.memory_space<semaphore_mem>>) {add = true}
      %dma_wait3A_63 = arith.constant 0 : i32
      %dma_wait3A_64 = tpu.memref_slice %arg6[%run_scoped3A_45, %dma_wait3A_63] : memref<125x80xi32, #tpu.memory_space<vmem>> -> memref<1x80xi32, #tpu.memory_space<vmem>>
      %dma_wait3A_65 = tpu.memref_squeeze %dma_wait3A_64 : memref<1x80xi32, #tpu.memory_space<vmem>> -> memref<80xi32, #tpu.memory_space<vmem>>
      %dma_wait3A_66 = arith.constant 0 : i32
      %dma_wait3A_67 = arith.constant 0 : i32
      %dma_wait3A_68 = tpu.memref_slice %arg10[%dma_wait3A_66, %dma_wait3A_67] : memref<10000x128xf32, #tpu.memory_space<vmem_shared>> -> memref<10000x128xf32, #tpu.memory_space<vmem_shared>>
      tpu.wait_indirect_dma semaphore(%run_scoped3A_56 : memref<!tpu.dma_semaphore, #tpu.memory_space<semaphore_mem>>) src(%arg8 : memref<80x128xf32, #tpu.memory_space<vmem>>) dst(%dma_wait3A_68 : memref<10000x128xf32, #tpu.memory_space<vmem_shared>>)
      tpu.yield
    }) : () -> ()
    %barrier3A_46 = arith.constant 0 : index
    tpu.barrier barrier_id(%barrier3A_46)
    %mul3A_47 = arith.constant 10000 : i32
    %mul3A_48 = arith.muli %arg0, %mul3A_47 : i32
    %add3A_49 = arith.addi %mul3A_48, %multiple_of3A : i32
    %multiple_of3A_50 = tpu.assume_multiple %add3A_49, 8 : i32
    "tpu.region"() ({
      %run_scoped3A_56 = tpu.sem_alloc : memref<!tpu.dma_semaphore, #tpu.memory_space<semaphore_mem>>
      %dma_start3A_57 = arith.constant 0 : i32
      %dma_start3A_58 = tpu.memref_slice %arg5[%multiple_of3A_50, %dma_start3A_57] : memref<20000x128xf32, #tpu.memory_space<hbm>> -> memref<624x128xf32, #tpu.memory_space<hbm>>
      %dma_start3A_59 = arith.constant 0 : i32
      %dma_start3A_60 = tpu.memref_slice %arg10[%multiple_of3A, %dma_start3A_59] : memref<10000x128xf32, #tpu.memory_space<vmem_shared>> -> memref<624x128xf32, #tpu.memory_space<vmem_shared>>
      tpu.enqueue_dma source(%dma_start3A_60 : memref<624x128xf32, #tpu.memory_space<vmem_shared>>) target(%dma_start3A_58 : memref<624x128xf32, #tpu.memory_space<hbm>>) target_semaphore(%run_scoped3A_56 : memref<!tpu.dma_semaphore, #tpu.memory_space<semaphore_mem>>)
      %dma_wait3A_61 = arith.constant 0 : i32
      %dma_wait3A_62 = tpu.memref_slice %arg5[%multiple_of3A_50, %dma_wait3A_61] : memref<20000x128xf32, #tpu.memory_space<hbm>> -> memref<624x128xf32, #tpu.memory_space<hbm>>
      %dma_wait3A_63 = arith.constant 0 : i32
      %dma_wait3A_64 = tpu.memref_slice %arg10[%multiple_of3A, %dma_wait3A_63] : memref<10000x128xf32, #tpu.memory_space<vmem_shared>> -> memref<624x128xf32, #tpu.memory_space<vmem_shared>>
      tpu.wait_dma2 semaphore(%run_scoped3A_56 : memref<!tpu.dma_semaphore, #tpu.memory_space<semaphore_mem>>) src(%dma_wait3A_64 : memref<624x128xf32, #tpu.memory_space<vmem_shared>>) dst(%dma_wait3A_62 : memref<624x128xf32, #tpu.memory_space<hbm>>)
      tpu.yield
    }) : () -> ()
    %eq3A_51 = arith.constant 0 : i32
    %eq3A_52 = arith.cmpi eq, %arg1, %eq3A_51 : i32
    %convert_element_type3A_53 = arith.extui %eq3A_52 : i1 to i32
    %cond3A_54 = arith.constant 0 : i32
    %cond3A_55 = arith.cmpi ne, %convert_element_type3A_53, %cond3A_54 : i32
    scf.if %cond3A_55 {
      %mul3A_56 = arith.constant 10000 : i32
      %mul3A_57 = arith.muli %arg0, %mul3A_56 : i32
      %add3A_58 = arith.constant 9984 : i32
      %add3A_59 = arith.addi %mul3A_57, %add3A_58 : i32
      %multiple_of3A_60 = tpu.assume_multiple %add3A_59, 8 : i32
      "tpu.region"() ({
        %run_scoped3A_61 = tpu.sem_alloc : memref<!tpu.dma_semaphore, #tpu.memory_space<semaphore_mem>>
        %dma_start3A_62 = arith.constant 0 : i32
        %dma_start3A_63 = tpu.memref_slice %arg5[%multiple_of3A_60, %dma_start3A_62] : memref<20000x128xf32, #tpu.memory_space<hbm>> -> memref<16x128xf32, #tpu.memory_space<hbm>>
        %dma_start3A_64 = arith.constant 9984 : i32
        %dma_start3A_65 = arith.constant 0 : i32
        %dma_start3A_66 = tpu.memref_slice %arg10[%dma_start3A_64, %dma_start3A_65] : memref<10000x128xf32, #tpu.memory_space<vmem_shared>> -> memref<16x128xf32, #tpu.memory_space<vmem_shared>>
        tpu.enqueue_dma source(%dma_start3A_66 : memref<16x128xf32, #tpu.memory_space<vmem_shared>>) target(%dma_start3A_63 : memref<16x128xf32, #tpu.memory_space<hbm>>) target_semaphore(%run_scoped3A_61 : memref<!tpu.dma_semaphore, #tpu.memory_space<semaphore_mem>>)
        %dma_wait3A_67 = arith.constant 0 : i32
        %dma_wait3A_68 = tpu.memref_slice %arg5[%multiple_of3A_60, %dma_wait3A_67] : memref<20000x128xf32, #tpu.memory_space<hbm>> -> memref<16x128xf32, #tpu.memory_space<hbm>>
        %dma_wait3A_69 = arith.constant 9984 : i32
        %dma_wait3A_70 = arith.constant 0 : i32
        %dma_wait3A_71 = tpu.memref_slice %arg10[%dma_wait3A_69, %dma_wait3A_70] : memref<10000x128xf32, #tpu.memory_space<vmem_shared>> -> memref<16x128xf32, #tpu.memory_space<vmem_shared>>
        tpu.wait_dma2 semaphore(%run_scoped3A_61 : memref<!tpu.dma_semaphore, #tpu.memory_space<semaphore_mem>>) src(%dma_wait3A_71 : memref<16x128xf32, #tpu.memory_space<vmem_shared>>) dst(%dma_wait3A_68 : memref<16x128xf32, #tpu.memory_space<hbm>>)
        tpu.yield
      }) : () -> ()
    } else {
    }
    return
  }
}

#map = affine_map<(d0, d1) -> (0, 0)>
#map1 = affine_map<(d0, d1) -> (0, 0, 0)>
module attributes {stable_mosaic.version = 14 : i64} {
  func.func @_sc_gather_body(%arg0: i32, %arg1: i32, %arg2: memref<10000x128xf32, #tpu.memory_space<hbm>>, %arg3: memref<10000x128xf32, #tpu.memory_space<hbm>>, %arg4: memref<32x125x80xi32, #tpu.memory_space<hbm>>, %arg5: memref<32x125x80xi32, #tpu.memory_space<hbm>>, %arg6: memref<320000x128xf32, #tpu.memory_space<hbm>>, %arg7: memref<125x80xi32, #tpu.memory_space<vmem>>, %arg8: memref<125x80xi32, #tpu.memory_space<vmem>>, %arg9: memref<80x128xf32, #tpu.memory_space<vmem>>, %arg10: memref<80x128xf32, #tpu.memory_space<vmem>>, %arg11: memref<80x128xf32, #tpu.memory_space<vmem>>, %arg12: memref<80x128xf32, #tpu.memory_space<vmem>>, %arg13: memref<80x128xf32, #tpu.memory_space<vmem>>, %arg14: memref<80x128xf32, #tpu.memory_space<vmem>>, %arg15: memref<80x128xf32, #tpu.memory_space<vmem>>, %arg16: memref<80x128xf32, #tpu.memory_space<vmem>>, %arg17: memref<80x128xf32, #tpu.memory_space<vmem>>, %arg18: memref<!tpu.dma_semaphore, #tpu.memory_space<semaphore_mem>>, %arg19: memref<!tpu.dma_semaphore, #tpu.memory_space<semaphore_mem>>, %arg20: memref<!tpu.dma_semaphore, #tpu.memory_space<semaphore_mem>>, %arg21: memref<!tpu.dma_semaphore, #tpu.memory_space<semaphore_mem>>, %arg22: memref<!tpu.dma_semaphore, #tpu.memory_space<semaphore_mem>>, %arg23: memref<!tpu.dma_semaphore, #tpu.memory_space<semaphore_mem>>, %arg24: memref<!tpu.dma_semaphore, #tpu.memory_space<semaphore_mem>>, %arg25: memref<!tpu.dma_semaphore, #tpu.memory_space<semaphore_mem>>, %arg26: memref<!tpu.dma_semaphore, #tpu.memory_space<semaphore_mem>>) attributes {dimension_semantics = [#tpu.dimension_semantics<core_parallel>, #tpu.dimension_semantics<subcore_parallel>], iteration_bounds = array<i64: 2, 16>, scalar_prefetch = 0 : i64, scratch_operands = 20 : i64, tpu.core_type = #tpu.core_type<sc_vector_subcore>, window_params = [{transform_indices = #map}, {transform_indices = #map}, {transform_indices = #map1}, {transform_indices = #map1}, {transform_indices = #map}]} {
    %mul3A = arith.constant 2 : i32
    %mul3A_0 = arith.muli %arg1, %mul3A : i32
    %add3A = arith.addi %mul3A_0, %arg0 : i32
    "tpu.region"() ({
      %run_scoped3A = tpu.sem_alloc : memref<!tpu.dma_semaphore, #tpu.memory_space<semaphore_mem>>
      %dma_start3A_115 = arith.constant 0 : i32
      %dma_start3A_116 = arith.constant 0 : i32
      %dma_start3A_117 = tpu.memref_slice %arg4[%add3A, %dma_start3A_115, %dma_start3A_116] : memref<32x125x80xi32, #tpu.memory_space<hbm>> -> memref<1x125x80xi32, #tpu.memory_space<hbm>>
      %dma_start3A_118 = tpu.memref_squeeze %dma_start3A_117 : memref<1x125x80xi32, #tpu.memory_space<hbm>> -> memref<125x80xi32, #tpu.memory_space<hbm>>
      %dma_start3A_119 = arith.constant 0 : i32
      %dma_start3A_120 = arith.constant 0 : i32
      %dma_start3A_121 = tpu.memref_slice %arg4[%add3A, %dma_start3A_119, %dma_start3A_120] : memref<32x125x80xi32, #tpu.memory_space<hbm>> -> memref<1x125x80xi32, #tpu.memory_space<hbm>>
      %dma_start3A_122 = tpu.memref_squeeze %dma_start3A_121 : memref<1x125x80xi32, #tpu.memory_space<hbm>> -> memref<125x80xi32, #tpu.memory_space<hbm>>
      tpu.enqueue_dma source(%dma_start3A_122 : memref<125x80xi32, #tpu.memory_space<hbm>>) target(%arg7 : memref<125x80xi32, #tpu.memory_space<vmem>>) target_semaphore(%run_scoped3A : memref<!tpu.dma_semaphore, #tpu.memory_space<semaphore_mem>>)
      %dma_wait3A_123 = arith.constant 0 : i32
      %dma_wait3A_124 = arith.constant 0 : i32
      %dma_wait3A_125 = tpu.memref_slice %arg4[%add3A, %dma_wait3A_123, %dma_wait3A_124] : memref<32x125x80xi32, #tpu.memory_space<hbm>> -> memref<1x125x80xi32, #tpu.memory_space<hbm>>
      %dma_wait3A_126 = tpu.memref_squeeze %dma_wait3A_125 : memref<1x125x80xi32, #tpu.memory_space<hbm>> -> memref<125x80xi32, #tpu.memory_space<hbm>>
      %dma_wait3A_127 = arith.constant 0 : i32
      %dma_wait3A_128 = arith.constant 0 : i32
      %dma_wait3A_129 = tpu.memref_slice %arg4[%add3A, %dma_wait3A_127, %dma_wait3A_128] : memref<32x125x80xi32, #tpu.memory_space<hbm>> -> memref<1x125x80xi32, #tpu.memory_space<hbm>>
      %dma_wait3A_130 = tpu.memref_squeeze %dma_wait3A_129 : memref<1x125x80xi32, #tpu.memory_space<hbm>> -> memref<125x80xi32, #tpu.memory_space<hbm>>
      tpu.wait_dma2 semaphore(%run_scoped3A : memref<!tpu.dma_semaphore, #tpu.memory_space<semaphore_mem>>) src(%dma_wait3A_130 : memref<125x80xi32, #tpu.memory_space<hbm>>) dst(%arg7 : memref<125x80xi32, #tpu.memory_space<vmem>>)
      tpu.yield
    }) : () -> ()
    "tpu.region"() ({
      %run_scoped3A = tpu.sem_alloc : memref<!tpu.dma_semaphore, #tpu.memory_space<semaphore_mem>>
      %dma_start3A_115 = arith.constant 0 : i32
      %dma_start3A_116 = arith.constant 0 : i32
      %dma_start3A_117 = tpu.memref_slice %arg5[%add3A, %dma_start3A_115, %dma_start3A_116] : memref<32x125x80xi32, #tpu.memory_space<hbm>> -> memref<1x125x80xi32, #tpu.memory_space<hbm>>
      %dma_start3A_118 = tpu.memref_squeeze %dma_start3A_117 : memref<1x125x80xi32, #tpu.memory_space<hbm>> -> memref<125x80xi32, #tpu.memory_space<hbm>>
      %dma_start3A_119 = arith.constant 0 : i32
      %dma_start3A_120 = arith.constant 0 : i32
      %dma_start3A_121 = tpu.memref_slice %arg5[%add3A, %dma_start3A_119, %dma_start3A_120] : memref<32x125x80xi32, #tpu.memory_space<hbm>> -> memref<1x125x80xi32, #tpu.memory_space<hbm>>
      %dma_start3A_122 = tpu.memref_squeeze %dma_start3A_121 : memref<1x125x80xi32, #tpu.memory_space<hbm>> -> memref<125x80xi32, #tpu.memory_space<hbm>>
      tpu.enqueue_dma source(%dma_start3A_122 : memref<125x80xi32, #tpu.memory_space<hbm>>) target(%arg8 : memref<125x80xi32, #tpu.memory_space<vmem>>) target_semaphore(%run_scoped3A : memref<!tpu.dma_semaphore, #tpu.memory_space<semaphore_mem>>)
      %dma_wait3A_123 = arith.constant 0 : i32
      %dma_wait3A_124 = arith.constant 0 : i32
      %dma_wait3A_125 = tpu.memref_slice %arg5[%add3A, %dma_wait3A_123, %dma_wait3A_124] : memref<32x125x80xi32, #tpu.memory_space<hbm>> -> memref<1x125x80xi32, #tpu.memory_space<hbm>>
      %dma_wait3A_126 = tpu.memref_squeeze %dma_wait3A_125 : memref<1x125x80xi32, #tpu.memory_space<hbm>> -> memref<125x80xi32, #tpu.memory_space<hbm>>
      %dma_wait3A_127 = arith.constant 0 : i32
      %dma_wait3A_128 = arith.constant 0 : i32
      %dma_wait3A_129 = tpu.memref_slice %arg5[%add3A, %dma_wait3A_127, %dma_wait3A_128] : memref<32x125x80xi32, #tpu.memory_space<hbm>> -> memref<1x125x80xi32, #tpu.memory_space<hbm>>
      %dma_wait3A_130 = tpu.memref_squeeze %dma_wait3A_129 : memref<1x125x80xi32, #tpu.memory_space<hbm>> -> memref<125x80xi32, #tpu.memory_space<hbm>>
      tpu.wait_dma2 semaphore(%run_scoped3A : memref<!tpu.dma_semaphore, #tpu.memory_space<semaphore_mem>>) src(%dma_wait3A_130 : memref<125x80xi32, #tpu.memory_space<hbm>>) dst(%arg8 : memref<125x80xi32, #tpu.memory_space<vmem>>)
      tpu.yield
    }) : () -> ()
    %mul3A_1 = arith.constant 10000 : i32
    %mul3A_2 = arith.muli %add3A, %mul3A_1 : i32
    %dma_start3A = arith.constant 0 : i32
    %dma_start3A_3 = arith.constant 0 : i32
    %dma_start3A_4 = tpu.memref_slice %arg7[%dma_start3A, %dma_start3A_3] : memref<125x80xi32, #tpu.memory_space<vmem>> -> memref<1x80xi32, #tpu.memory_space<vmem>>
    %dma_start3A_5 = tpu.memref_squeeze %dma_start3A_4 : memref<1x80xi32, #tpu.memory_space<vmem>> -> memref<80xi32, #tpu.memory_space<vmem>>
    %dma_start3A_6 = arith.constant 0 : i32
    %dma_start3A_7 = arith.constant 0 : i32
    %dma_start3A_8 = tpu.memref_slice %arg2[%dma_start3A_6, %dma_start3A_7] : memref<10000x128xf32, #tpu.memory_space<hbm>> -> memref<10000x128xf32, #tpu.memory_space<hbm>>
    tpu.enqueue_indirect_dma source(%dma_start3A_8 : memref<10000x128xf32, #tpu.memory_space<hbm>>) target(%arg9 : memref<80x128xf32, #tpu.memory_space<vmem>>) offsets(%dma_start3A_5 : memref<80xi32, #tpu.memory_space<vmem>>) semaphore(%arg18 : memref<!tpu.dma_semaphore, #tpu.memory_space<semaphore_mem>>)
    %dma_start3A_9 = arith.constant 0 : i32
    %dma_start3A_10 = arith.constant 0 : i32
    %dma_start3A_11 = tpu.memref_slice %arg8[%dma_start3A_9, %dma_start3A_10] : memref<125x80xi32, #tpu.memory_space<vmem>> -> memref<1x80xi32, #tpu.memory_space<vmem>>
    %dma_start3A_12 = tpu.memref_squeeze %dma_start3A_11 : memref<1x80xi32, #tpu.memory_space<vmem>> -> memref<80xi32, #tpu.memory_space<vmem>>
    %dma_start3A_13 = arith.constant 0 : i32
    %dma_start3A_14 = arith.constant 0 : i32
    %dma_start3A_15 = tpu.memref_slice %arg3[%dma_start3A_13, %dma_start3A_14] : memref<10000x128xf32, #tpu.memory_space<hbm>> -> memref<10000x128xf32, #tpu.memory_space<hbm>>
    tpu.enqueue_indirect_dma source(%dma_start3A_15 : memref<10000x128xf32, #tpu.memory_space<hbm>>) target(%arg10 : memref<80x128xf32, #tpu.memory_space<vmem>>) offsets(%dma_start3A_12 : memref<80xi32, #tpu.memory_space<vmem>>) semaphore(%arg19 : memref<!tpu.dma_semaphore, #tpu.memory_space<semaphore_mem>>)
    %dma_start3A_16 = arith.constant 1 : i32
    %dma_start3A_17 = arith.constant 0 : i32
    %dma_start3A_18 = tpu.memref_slice %arg7[%dma_start3A_16, %dma_start3A_17] : memref<125x80xi32, #tpu.memory_space<vmem>> -> memref<1x80xi32, #tpu.memory_space<vmem>>
    %dma_start3A_19 = tpu.memref_squeeze %dma_start3A_18 : memref<1x80xi32, #tpu.memory_space<vmem>> -> memref<80xi32, #tpu.memory_space<vmem>>
    %dma_start3A_20 = arith.constant 0 : i32
    %dma_start3A_21 = arith.constant 0 : i32
    %dma_start3A_22 = tpu.memref_slice %arg2[%dma_start3A_20, %dma_start3A_21] : memref<10000x128xf32, #tpu.memory_space<hbm>> -> memref<10000x128xf32, #tpu.memory_space<hbm>>
    tpu.enqueue_indirect_dma source(%dma_start3A_22 : memref<10000x128xf32, #tpu.memory_space<hbm>>) target(%arg11 : memref<80x128xf32, #tpu.memory_space<vmem>>) offsets(%dma_start3A_19 : memref<80xi32, #tpu.memory_space<vmem>>) semaphore(%arg20 : memref<!tpu.dma_semaphore, #tpu.memory_space<semaphore_mem>>)
    %dma_start3A_23 = arith.constant 1 : i32
    %dma_start3A_24 = arith.constant 0 : i32
    %dma_start3A_25 = tpu.memref_slice %arg8[%dma_start3A_23, %dma_start3A_24] : memref<125x80xi32, #tpu.memory_space<vmem>> -> memref<1x80xi32, #tpu.memory_space<vmem>>
    %dma_start3A_26 = tpu.memref_squeeze %dma_start3A_25 : memref<1x80xi32, #tpu.memory_space<vmem>> -> memref<80xi32, #tpu.memory_space<vmem>>
    %dma_start3A_27 = arith.constant 0 : i32
    %dma_start3A_28 = arith.constant 0 : i32
    %dma_start3A_29 = tpu.memref_slice %arg3[%dma_start3A_27, %dma_start3A_28] : memref<10000x128xf32, #tpu.memory_space<hbm>> -> memref<10000x128xf32, #tpu.memory_space<hbm>>
    tpu.enqueue_indirect_dma source(%dma_start3A_29 : memref<10000x128xf32, #tpu.memory_space<hbm>>) target(%arg12 : memref<80x128xf32, #tpu.memory_space<vmem>>) offsets(%dma_start3A_26 : memref<80xi32, #tpu.memory_space<vmem>>) semaphore(%arg21 : memref<!tpu.dma_semaphore, #tpu.memory_space<semaphore_mem>>)
    %dma_start3A_30 = arith.constant 2 : i32
    %dma_start3A_31 = arith.constant 0 : i32
    %dma_start3A_32 = tpu.memref_slice %arg7[%dma_start3A_30, %dma_start3A_31] : memref<125x80xi32, #tpu.memory_space<vmem>> -> memref<1x80xi32, #tpu.memory_space<vmem>>
    %dma_start3A_33 = tpu.memref_squeeze %dma_start3A_32 : memref<1x80xi32, #tpu.memory_space<vmem>> -> memref<80xi32, #tpu.memory_space<vmem>>
    %dma_start3A_34 = arith.constant 0 : i32
    %dma_start3A_35 = arith.constant 0 : i32
    %dma_start3A_36 = tpu.memref_slice %arg2[%dma_start3A_34, %dma_start3A_35] : memref<10000x128xf32, #tpu.memory_space<hbm>> -> memref<10000x128xf32, #tpu.memory_space<hbm>>
    tpu.enqueue_indirect_dma source(%dma_start3A_36 : memref<10000x128xf32, #tpu.memory_space<hbm>>) target(%arg13 : memref<80x128xf32, #tpu.memory_space<vmem>>) offsets(%dma_start3A_33 : memref<80xi32, #tpu.memory_space<vmem>>) semaphore(%arg22 : memref<!tpu.dma_semaphore, #tpu.memory_space<semaphore_mem>>)
    %dma_start3A_37 = arith.constant 2 : i32
    %dma_start3A_38 = arith.constant 0 : i32
    %dma_start3A_39 = tpu.memref_slice %arg8[%dma_start3A_37, %dma_start3A_38] : memref<125x80xi32, #tpu.memory_space<vmem>> -> memref<1x80xi32, #tpu.memory_space<vmem>>
    %dma_start3A_40 = tpu.memref_squeeze %dma_start3A_39 : memref<1x80xi32, #tpu.memory_space<vmem>> -> memref<80xi32, #tpu.memory_space<vmem>>
    %dma_start3A_41 = arith.constant 0 : i32
    %dma_start3A_42 = arith.constant 0 : i32
    %dma_start3A_43 = tpu.memref_slice %arg3[%dma_start3A_41, %dma_start3A_42] : memref<10000x128xf32, #tpu.memory_space<hbm>> -> memref<10000x128xf32, #tpu.memory_space<hbm>>
    tpu.enqueue_indirect_dma source(%dma_start3A_43 : memref<10000x128xf32, #tpu.memory_space<hbm>>) target(%arg14 : memref<80x128xf32, #tpu.memory_space<vmem>>) offsets(%dma_start3A_40 : memref<80xi32, #tpu.memory_space<vmem>>) semaphore(%arg23 : memref<!tpu.dma_semaphore, #tpu.memory_space<semaphore_mem>>)
    %scan3A = arith.constant 0 : i32
    %scan3A_44 = arith.constant 0 : i32
    %scan3A_45 = arith.constant 41 : i32
    %scan3A_46 = arith.addi %scan3A_44, %scan3A_45 : i32
    %scan3A_47 = arith.constant 1 : i32
    scf.for %scan3A_115 = %scan3A_44 to %scan3A_46 step %scan3A_47  : i32 {
      %mul3A_116 = arith.constant 3 : i32
      %mul3A_117 = arith.muli %scan3A_115, %mul3A_116 : i32
      %dma_wait3A_118 = arith.constant 0 : i32
      %dma_wait3A_119 = tpu.memref_slice %arg7[%mul3A_117, %dma_wait3A_118] : memref<125x80xi32, #tpu.memory_space<vmem>> -> memref<1x80xi32, #tpu.memory_space<vmem>>
      %dma_wait3A_120 = tpu.memref_squeeze %dma_wait3A_119 : memref<1x80xi32, #tpu.memory_space<vmem>> -> memref<80xi32, #tpu.memory_space<vmem>>
      %dma_wait3A_121 = arith.constant 0 : i32
      %dma_wait3A_122 = arith.constant 0 : i32
      %dma_wait3A_123 = tpu.memref_slice %arg2[%dma_wait3A_121, %dma_wait3A_122] : memref<10000x128xf32, #tpu.memory_space<hbm>> -> memref<10000x128xf32, #tpu.memory_space<hbm>>
      tpu.wait_indirect_dma semaphore(%arg18 : memref<!tpu.dma_semaphore, #tpu.memory_space<semaphore_mem>>) src(%dma_wait3A_123 : memref<10000x128xf32, #tpu.memory_space<hbm>>) dst(%arg9 : memref<80x128xf32, #tpu.memory_space<vmem>>)
      %dma_wait3A_124 = arith.constant 0 : i32
      %dma_wait3A_125 = tpu.memref_slice %arg8[%mul3A_117, %dma_wait3A_124] : memref<125x80xi32, #tpu.memory_space<vmem>> -> memref<1x80xi32, #tpu.memory_space<vmem>>
      %dma_wait3A_126 = tpu.memref_squeeze %dma_wait3A_125 : memref<1x80xi32, #tpu.memory_space<vmem>> -> memref<80xi32, #tpu.memory_space<vmem>>
      %dma_wait3A_127 = arith.constant 0 : i32
      %dma_wait3A_128 = arith.constant 0 : i32
      %dma_wait3A_129 = tpu.memref_slice %arg3[%dma_wait3A_127, %dma_wait3A_128] : memref<10000x128xf32, #tpu.memory_space<hbm>> -> memref<10000x128xf32, #tpu.memory_space<hbm>>
      tpu.wait_indirect_dma semaphore(%arg19 : memref<!tpu.dma_semaphore, #tpu.memory_space<semaphore_mem>>) src(%dma_wait3A_129 : memref<10000x128xf32, #tpu.memory_space<hbm>>) dst(%arg10 : memref<80x128xf32, #tpu.memory_space<vmem>>)
      %mul3A_130 = arith.constant 80 : i32
      %mul3A_131 = arith.muli %mul3A_117, %mul3A_130 : i32
      %add3A_132 = arith.addi %mul3A_2, %mul3A_131 : i32
      %multiple_of3A_133 = tpu.assume_multiple %add3A_132, 8 : i32
      %ge3A = arith.constant 3 : i32
      %ge3A_134 = arith.cmpi sge, %mul3A_117, %ge3A : i32
      %convert_element_type3A = arith.extui %ge3A_134 : i1 to i32
      %cond3A = arith.constant 0 : i32
      %cond3A_135 = arith.cmpi ne, %convert_element_type3A, %cond3A : i32
      scf.if %cond3A_135 {
        %dma_wait3A_223 = arith.constant 0 : i32
        %dma_wait3A_224 = tpu.memref_slice %arg6[%multiple_of3A_133, %dma_wait3A_223] : memref<320000x128xf32, #tpu.memory_space<hbm>> -> memref<80x128xf32, #tpu.memory_space<hbm>>
        %dma_wait3A_225 = arith.constant 0 : i32
        %dma_wait3A_226 = tpu.memref_slice %arg6[%multiple_of3A_133, %dma_wait3A_225] : memref<320000x128xf32, #tpu.memory_space<hbm>> -> memref<80x128xf32, #tpu.memory_space<hbm>>
        tpu.wait_dma2 semaphore(%arg24 : memref<!tpu.dma_semaphore, #tpu.memory_space<semaphore_mem>>) src(%arg15 : memref<80x128xf32, #tpu.memory_space<vmem>>) dst(%dma_wait3A_226 : memref<80x128xf32, #tpu.memory_space<hbm>>)
      } else {
      }
      %parallel_loop3A_136 = arith.constant 0 : i32
      %parallel_loop3A_137 = arith.constant 80 : i32
      %parallel_loop3A_138 = arith.constant 1 : i32
      scf.for %parallel_loop3A_223 = %parallel_loop3A_136 to %parallel_loop3A_137 step %parallel_loop3A_138  : i32 {
        %parallel_loop3A_224 = arith.index_cast %parallel_loop3A_223 : i32 to index
        %parallel_loop3A_225 = arith.constant 0 : index
        %parallel_loop3A_226 = tpu.vector_load %arg9[%parallel_loop3A_224, %parallel_loop3A_225] {strides = array<i32>} : memref<80x128xf32, #tpu.memory_space<vmem>>, vector<1x16xf32>,
        %parallel_loop3A_227 = vector.shape_cast %parallel_loop3A_226 : vector<1x16xf32> to vector<16xf32>
        %parallel_loop3A_228 = arith.index_cast %parallel_loop3A_223 : i32 to index
        %parallel_loop3A_229 = arith.constant 0 : index
        %parallel_loop3A_230 = tpu.vector_load %arg10[%parallel_loop3A_228, %parallel_loop3A_229] {strides = array<i32>} : memref<80x128xf32, #tpu.memory_space<vmem>>, vector<1x16xf32>,
        %parallel_loop3A_231 = vector.shape_cast %parallel_loop3A_230 : vector<1x16xf32> to vector<16xf32>
        %parallel_loop3A_232 = arith.addf %parallel_loop3A_227, %parallel_loop3A_231 : vector<16xf32>
        %parallel_loop3A_233 = arith.index_cast %parallel_loop3A_223 : i32 to index
        %parallel_loop3A_234 = arith.constant 0 : index
        %parallel_loop3A_235 = tpu.vector_load %arg15[%parallel_loop3A_233, %parallel_loop3A_234] {strides = array<i32>} : memref<80x128xf32, #tpu.memory_space<vmem>>, vector<1x16xf32>,
        %parallel_loop3A_236 = vector.shape_cast %parallel_loop3A_235 : vector<1x16xf32> to vector<16xf32>
        %parallel_loop3A_237 = vector.shape_cast %parallel_loop3A_232 : vector<16xf32> to vector<1x16xf32>
        tpu.vector_store %arg15[%parallel_loop3A_233, %parallel_loop3A_234], %parallel_loop3A_237 {strides = array<i32>} : memref<80x128xf32, #tpu.memory_space<vmem>>, vector<1x16xf32>,
        %parallel_loop3A_238 = arith.index_cast %parallel_loop3A_223 : i32 to index
        %parallel_loop3A_239 = arith.constant 16 : index
        %parallel_loop3A_240 = tpu.vector_load %arg9[%parallel_loop3A_238, %parallel_loop3A_239] {strides = array<i32>} : memref<80x128xf32, #tpu.memory_space<vmem>>, vector<1x16xf32>,
        %parallel_loop3A_241 = vector.shape_cast %parallel_loop3A_240 : vector<1x16xf32> to vector<16xf32>
        %parallel_loop3A_242 = arith.index_cast %parallel_loop3A_223 : i32 to index
        %parallel_loop3A_243 = arith.constant 16 : index
        %parallel_loop3A_244 = tpu.vector_load %arg10[%parallel_loop3A_242, %parallel_loop3A_243] {strides = array<i32>} : memref<80x128xf32, #tpu.memory_space<vmem>>, vector<1x16xf32>,
        %parallel_loop3A_245 = vector.shape_cast %parallel_loop3A_244 : vector<1x16xf32> to vector<16xf32>
        %parallel_loop3A_246 = arith.addf %parallel_loop3A_241, %parallel_loop3A_245 : vector<16xf32>
        %parallel_loop3A_247 = arith.index_cast %parallel_loop3A_223 : i32 to index
        %parallel_loop3A_248 = arith.constant 16 : index
        %parallel_loop3A_249 = tpu.vector_load %arg15[%parallel_loop3A_247, %parallel_loop3A_248] {strides = array<i32>} : memref<80x128xf32, #tpu.memory_space<vmem>>, vector<1x16xf32>,
        %parallel_loop3A_250 = vector.shape_cast %parallel_loop3A_249 : vector<1x16xf32> to vector<16xf32>
        %parallel_loop3A_251 = vector.shape_cast %parallel_loop3A_246 : vector<16xf32> to vector<1x16xf32>
        tpu.vector_store %arg15[%parallel_loop3A_247, %parallel_loop3A_248], %parallel_loop3A_251 {strides = array<i32>} : memref<80x128xf32, #tpu.memory_space<vmem>>, vector<1x16xf32>,
        %parallel_loop3A_252 = arith.index_cast %parallel_loop3A_223 : i32 to index
        %parallel_loop3A_253 = arith.constant 32 : index
        %parallel_loop3A_254 = tpu.vector_load %arg9[%parallel_loop3A_252, %parallel_loop3A_253] {strides = array<i32>} : memref<80x128xf32, #tpu.memory_space<vmem>>, vector<1x16xf32>,
        %parallel_loop3A_255 = vector.shape_cast %parallel_loop3A_254 : vector<1x16xf32> to vector<16xf32>
        %parallel_loop3A_256 = arith.index_cast %parallel_loop3A_223 : i32 to index
        %parallel_loop3A_257 = arith.constant 32 : index
        %parallel_loop3A_258 = tpu.vector_load %arg10[%parallel_loop3A_256, %parallel_loop3A_257] {strides = array<i32>} : memref<80x128xf32, #tpu.memory_space<vmem>>, vector<1x16xf32>,
        %parallel_loop3A_259 = vector.shape_cast %parallel_loop3A_258 : vector<1x16xf32> to vector<16xf32>
        %parallel_loop3A_260 = arith.addf %parallel_loop3A_255, %parallel_loop3A_259 : vector<16xf32>
        %parallel_loop3A_261 = arith.index_cast %parallel_loop3A_223 : i32 to index
        %parallel_loop3A_262 = arith.constant 32 : index
        %parallel_loop3A_263 = tpu.vector_load %arg15[%parallel_loop3A_261, %parallel_loop3A_262] {strides = array<i32>} : memref<80x128xf32, #tpu.memory_space<vmem>>, vector<1x16xf32>,
        %parallel_loop3A_264 = vector.shape_cast %parallel_loop3A_263 : vector<1x16xf32> to vector<16xf32>
        %parallel_loop3A_265 = vector.shape_cast %parallel_loop3A_260 : vector<16xf32> to vector<1x16xf32>
        tpu.vector_store %arg15[%parallel_loop3A_261, %parallel_loop3A_262], %parallel_loop3A_265 {strides = array<i32>} : memref<80x128xf32, #tpu.memory_space<vmem>>, vector<1x16xf32>,
        %parallel_loop3A_266 = arith.index_cast %parallel_loop3A_223 : i32 to index
        %parallel_loop3A_267 = arith.constant 48 : index
        %parallel_loop3A_268 = tpu.vector_load %arg9[%parallel_loop3A_266, %parallel_loop3A_267] {strides = array<i32>} : memref<80x128xf32, #tpu.memory_space<vmem>>, vector<1x16xf32>,
        %parallel_loop3A_269 = vector.shape_cast %parallel_loop3A_268 : vector<1x16xf32> to vector<16xf32>
        %parallel_loop3A_270 = arith.index_cast %parallel_loop3A_223 : i32 to index
        %parallel_loop3A_271 = arith.constant 48 : index
        %parallel_loop3A_272 = tpu.vector_load %arg10[%parallel_loop3A_270, %parallel_loop3A_271] {strides = array<i32>} : memref<80x128xf32, #tpu.memory_space<vmem>>, vector<1x16xf32>,
        %parallel_loop3A_273 = vector.shape_cast %parallel_loop3A_272 : vector<1x16xf32> to vector<16xf32>
        %parallel_loop3A_274 = arith.addf %parallel_loop3A_269, %parallel_loop3A_273 : vector<16xf32>
        %parallel_loop3A_275 = arith.index_cast %parallel_loop3A_223 : i32 to index
        %parallel_loop3A_276 = arith.constant 48 : index
        %parallel_loop3A_277 = tpu.vector_load %arg15[%parallel_loop3A_275, %parallel_loop3A_276] {strides = array<i32>} : memref<80x128xf32, #tpu.memory_space<vmem>>, vector<1x16xf32>,
        %parallel_loop3A_278 = vector.shape_cast %parallel_loop3A_277 : vector<1x16xf32> to vector<16xf32>
        %parallel_loop3A_279 = vector.shape_cast %parallel_loop3A_274 : vector<16xf32> to vector<1x16xf32>
        tpu.vector_store %arg15[%parallel_loop3A_275, %parallel_loop3A_276], %parallel_loop3A_279 {strides = array<i32>} : memref<80x128xf32, #tpu.memory_space<vmem>>, vector<1x16xf32>,
        %parallel_loop3A_280 = arith.index_cast %parallel_loop3A_223 : i32 to index
        %parallel_loop3A_281 = arith.constant 64 : index
        %parallel_loop3A_282 = tpu.vector_load %arg9[%parallel_loop3A_280, %parallel_loop3A_281] {strides = array<i32>} : memref<80x128xf32, #tpu.memory_space<vmem>>, vector<1x16xf32>,
        %parallel_loop3A_283 = vector.shape_cast %parallel_loop3A_282 : vector<1x16xf32> to vector<16xf32>
        %parallel_loop3A_284 = arith.index_cast %parallel_loop3A_223 : i32 to index
        %parallel_loop3A_285 = arith.constant 64 : index
        %parallel_loop3A_286 = tpu.vector_load %arg10[%parallel_loop3A_284, %parallel_loop3A_285] {strides = array<i32>} : memref<80x128xf32, #tpu.memory_space<vmem>>, vector<1x16xf32>,
        %parallel_loop3A_287 = vector.shape_cast %parallel_loop3A_286 : vector<1x16xf32> to vector<16xf32>
        %parallel_loop3A_288 = arith.addf %parallel_loop3A_283, %parallel_loop3A_287 : vector<16xf32>
        %parallel_loop3A_289 = arith.index_cast %parallel_loop3A_223 : i32 to index
        %parallel_loop3A_290 = arith.constant 64 : index
        %parallel_loop3A_291 = tpu.vector_load %arg15[%parallel_loop3A_289, %parallel_loop3A_290] {strides = array<i32>} : memref<80x128xf32, #tpu.memory_space<vmem>>, vector<1x16xf32>,
        %parallel_loop3A_292 = vector.shape_cast %parallel_loop3A_291 : vector<1x16xf32> to vector<16xf32>
        %parallel_loop3A_293 = vector.shape_cast %parallel_loop3A_288 : vector<16xf32> to vector<1x16xf32>
        tpu.vector_store %arg15[%parallel_loop3A_289, %parallel_loop3A_290], %parallel_loop3A_293 {strides = array<i32>} : memref<80x128xf32, #tpu.memory_space<vmem>>, vector<1x16xf32>,
        %parallel_loop3A_294 = arith.index_cast %parallel_loop3A_223 : i32 to index
        %parallel_loop3A_295 = arith.constant 80 : index
        %parallel_loop3A_296 = tpu.vector_load %arg9[%parallel_loop3A_294, %parallel_loop3A_295] {strides = array<i32>} : memref<80x128xf32, #tpu.memory_space<vmem>>, vector<1x16xf32>,
        %parallel_loop3A_297 = vector.shape_cast %parallel_loop3A_296 : vector<1x16xf32> to vector<16xf32>
        %parallel_loop3A_298 = arith.index_cast %parallel_loop3A_223 : i32 to index
        %parallel_loop3A_299 = arith.constant 80 : index
        %parallel_loop3A_300 = tpu.vector_load %arg10[%parallel_loop3A_298, %parallel_loop3A_299] {strides = array<i32>} : memref<80x128xf32, #tpu.memory_space<vmem>>, vector<1x16xf32>,
        %parallel_loop3A_301 = vector.shape_cast %parallel_loop3A_300 : vector<1x16xf32> to vector<16xf32>
        %parallel_loop3A_302 = arith.addf %parallel_loop3A_297, %parallel_loop3A_301 : vector<16xf32>
        %parallel_loop3A_303 = arith.index_cast %parallel_loop3A_223 : i32 to index
        %parallel_loop3A_304 = arith.constant 80 : index
        %parallel_loop3A_305 = tpu.vector_load %arg15[%parallel_loop3A_303, %parallel_loop3A_304] {strides = array<i32>} : memref<80x128xf32, #tpu.memory_space<vmem>>, vector<1x16xf32>,
        %parallel_loop3A_306 = vector.shape_cast %parallel_loop3A_305 : vector<1x16xf32> to vector<16xf32>
        %parallel_loop3A_307 = vector.shape_cast %parallel_loop3A_302 : vector<16xf32> to vector<1x16xf32>
        tpu.vector_store %arg15[%parallel_loop3A_303, %parallel_loop3A_304], %parallel_loop3A_307 {strides = array<i32>} : memref<80x128xf32, #tpu.memory_space<vmem>>, vector<1x16xf32>,
        %parallel_loop3A_308 = arith.index_cast %parallel_loop3A_223 : i32 to index
        %parallel_loop3A_309 = arith.constant 96 : index
        %parallel_loop3A_310 = tpu.vector_load %arg9[%parallel_loop3A_308, %parallel_loop3A_309] {strides = array<i32>} : memref<80x128xf32, #tpu.memory_space<vmem>>, vector<1x16xf32>,
        %parallel_loop3A_311 = vector.shape_cast %parallel_loop3A_310 : vector<1x16xf32> to vector<16xf32>
        %parallel_loop3A_312 = arith.index_cast %parallel_loop3A_223 : i32 to index
        %parallel_loop3A_313 = arith.constant 96 : index
        %parallel_loop3A_314 = tpu.vector_load %arg10[%parallel_loop3A_312, %parallel_loop3A_313] {strides = array<i32>} : memref<80x128xf32, #tpu.memory_space<vmem>>, vector<1x16xf32>,
        %parallel_loop3A_315 = vector.shape_cast %parallel_loop3A_314 : vector<1x16xf32> to vector<16xf32>
        %parallel_loop3A_316 = arith.addf %parallel_loop3A_311, %parallel_loop3A_315 : vector<16xf32>
        %parallel_loop3A_317 = arith.index_cast %parallel_loop3A_223 : i32 to index
        %parallel_loop3A_318 = arith.constant 96 : index
        %parallel_loop3A_319 = tpu.vector_load %arg15[%parallel_loop3A_317, %parallel_loop3A_318] {strides = array<i32>} : memref<80x128xf32, #tpu.memory_space<vmem>>, vector<1x16xf32>,
        %parallel_loop3A_320 = vector.shape_cast %parallel_loop3A_319 : vector<1x16xf32> to vector<16xf32>
        %parallel_loop3A_321 = vector.shape_cast %parallel_loop3A_316 : vector<16xf32> to vector<1x16xf32>
        tpu.vector_store %arg15[%parallel_loop3A_317, %parallel_loop3A_318], %parallel_loop3A_321 {strides = array<i32>} : memref<80x128xf32, #tpu.memory_space<vmem>>, vector<1x16xf32>,
        %parallel_loop3A_322 = arith.index_cast %parallel_loop3A_223 : i32 to index
        %parallel_loop3A_323 = arith.constant 112 : index
        %parallel_loop3A_324 = tpu.vector_load %arg9[%parallel_loop3A_322, %parallel_loop3A_323] {strides = array<i32>} : memref<80x128xf32, #tpu.memory_space<vmem>>, vector<1x16xf32>,
        %parallel_loop3A_325 = vector.shape_cast %parallel_loop3A_324 : vector<1x16xf32> to vector<16xf32>
        %parallel_loop3A_326 = arith.index_cast %parallel_loop3A_223 : i32 to index
        %parallel_loop3A_327 = arith.constant 112 : index
        %parallel_loop3A_328 = tpu.vector_load %arg10[%parallel_loop3A_326, %parallel_loop3A_327] {strides = array<i32>} : memref<80x128xf32, #tpu.memory_space<vmem>>, vector<1x16xf32>,
        %parallel_loop3A_329 = vector.shape_cast %parallel_loop3A_328 : vector<1x16xf32> to vector<16xf32>
        %parallel_loop3A_330 = arith.addf %parallel_loop3A_325, %parallel_loop3A_329 : vector<16xf32>
        %parallel_loop3A_331 = arith.index_cast %parallel_loop3A_223 : i32 to index
        %parallel_loop3A_332 = arith.constant 112 : index
        %parallel_loop3A_333 = tpu.vector_load %arg15[%parallel_loop3A_331, %parallel_loop3A_332] {strides = array<i32>} : memref<80x128xf32, #tpu.memory_space<vmem>>, vector<1x16xf32>,
        %parallel_loop3A_334 = vector.shape_cast %parallel_loop3A_333 : vector<1x16xf32> to vector<16xf32>
        %parallel_loop3A_335 = vector.shape_cast %parallel_loop3A_330 : vector<16xf32> to vector<1x16xf32>
        tpu.vector_store %arg15[%parallel_loop3A_331, %parallel_loop3A_332], %parallel_loop3A_335 {strides = array<i32>} : memref<80x128xf32, #tpu.memory_space<vmem>>, vector<1x16xf32>,
      } {sc.loop_unroll_factor = 4 : i64, sc.parallel_access}
      %add3A_139 = arith.constant 3 : i32
      %add3A_140 = arith.addi %mul3A_117, %add3A_139 : i32
      %lt3A = arith.constant 125 : i32
      %lt3A_141 = arith.cmpi slt, %add3A_140, %lt3A : i32
      %convert_element_type3A_142 = arith.extui %lt3A_141 : i1 to i32
      %cond3A_143 = arith.constant 0 : i32
      %cond3A_144 = arith.cmpi ne, %convert_element_type3A_142, %cond3A_143 : i32
      scf.if %cond3A_144 {
        %add3A_223 = arith.constant 3 : i32
        %add3A_224 = arith.addi %mul3A_117, %add3A_223 : i32
        %dma_start3A_225 = arith.constant 0 : i32
        %dma_start3A_226 = tpu.memref_slice %arg7[%add3A_224, %dma_start3A_225] : memref<125x80xi32, #tpu.memory_space<vmem>> -> memref<1x80xi32, #tpu.memory_space<vmem>>
        %dma_start3A_227 = tpu.memref_squeeze %dma_start3A_226 : memref<1x80xi32, #tpu.memory_space<vmem>> -> memref<80xi32, #tpu.memory_space<vmem>>
        %dma_start3A_228 = arith.constant 0 : i32
        %dma_start3A_229 = arith.constant 0 : i32
        %dma_start3A_230 = tpu.memref_slice %arg2[%dma_start3A_228, %dma_start3A_229] : memref<10000x128xf32, #tpu.memory_space<hbm>> -> memref<10000x128xf32, #tpu.memory_space<hbm>>
        tpu.enqueue_indirect_dma source(%dma_start3A_230 : memref<10000x128xf32, #tpu.memory_space<hbm>>) target(%arg9 : memref<80x128xf32, #tpu.memory_space<vmem>>) offsets(%dma_start3A_227 : memref<80xi32, #tpu.memory_space<vmem>>) semaphore(%arg18 : memref<!tpu.dma_semaphore, #tpu.memory_space<semaphore_mem>>)
        %dma_start3A_231 = arith.constant 0 : i32
        %dma_start3A_232 = tpu.memref_slice %arg8[%add3A_224, %dma_start3A_231] : memref<125x80xi32, #tpu.memory_space<vmem>> -> memref<1x80xi32, #tpu.memory_space<vmem>>
        %dma_start3A_233 = tpu.memref_squeeze %dma_start3A_232 : memref<1x80xi32, #tpu.memory_space<vmem>> -> memref<80xi32, #tpu.memory_space<vmem>>
        %dma_start3A_234 = arith.constant 0 : i32
        %dma_start3A_235 = arith.constant 0 : i32
        %dma_start3A_236 = tpu.memref_slice %arg3[%dma_start3A_234, %dma_start3A_235] : memref<10000x128xf32, #tpu.memory_space<hbm>> -> memref<10000x128xf32, #tpu.memory_space<hbm>>
        tpu.enqueue_indirect_dma source(%dma_start3A_236 : memref<10000x128xf32, #tpu.memory_space<hbm>>) target(%arg10 : memref<80x128xf32, #tpu.memory_space<vmem>>) offsets(%dma_start3A_233 : memref<80xi32, #tpu.memory_space<vmem>>) semaphore(%arg19 : memref<!tpu.dma_semaphore, #tpu.memory_space<semaphore_mem>>)
      } else {
      }
      %dma_start3A_145 = arith.constant 0 : i32
      %dma_start3A_146 = tpu.memref_slice %arg6[%multiple_of3A_133, %dma_start3A_145] : memref<320000x128xf32, #tpu.memory_space<hbm>> -> memref<80x128xf32, #tpu.memory_space<hbm>>
      %dma_start3A_147 = arith.constant 0 : i32
      %dma_start3A_148 = tpu.memref_slice %arg6[%multiple_of3A_133, %dma_start3A_147] : memref<320000x128xf32, #tpu.memory_space<hbm>> -> memref<80x128xf32, #tpu.memory_space<hbm>>
      tpu.enqueue_dma source(%arg15 : memref<80x128xf32, #tpu.memory_space<vmem>>) target(%dma_start3A_148 : memref<80x128xf32, #tpu.memory_space<hbm>>) target_semaphore(%arg24 : memref<!tpu.dma_semaphore, #tpu.memory_space<semaphore_mem>>)
      %add3A_149 = arith.constant 1 : i32
      %add3A_150 = arith.addi %mul3A_117, %add3A_149 : i32
      %dma_wait3A_151 = arith.constant 0 : i32
      %dma_wait3A_152 = tpu.memref_slice %arg7[%add3A_150, %dma_wait3A_151] : memref<125x80xi32, #tpu.memory_space<vmem>> -> memref<1x80xi32, #tpu.memory_space<vmem>>
      %dma_wait3A_153 = tpu.memref_squeeze %dma_wait3A_152 : memref<1x80xi32, #tpu.memory_space<vmem>> -> memref<80xi32, #tpu.memory_space<vmem>>
      %dma_wait3A_154 = arith.constant 0 : i32
      %dma_wait3A_155 = arith.constant 0 : i32
      %dma_wait3A_156 = tpu.memref_slice %arg2[%dma_wait3A_154, %dma_wait3A_155] : memref<10000x128xf32, #tpu.memory_space<hbm>> -> memref<10000x128xf32, #tpu.memory_space<hbm>>
      tpu.wait_indirect_dma semaphore(%arg20 : memref<!tpu.dma_semaphore, #tpu.memory_space<semaphore_mem>>) src(%dma_wait3A_156 : memref<10000x128xf32, #tpu.memory_space<hbm>>) dst(%arg11 : memref<80x128xf32, #tpu.memory_space<vmem>>)
      %dma_wait3A_157 = arith.constant 0 : i32
      %dma_wait3A_158 = tpu.memref_slice %arg8[%add3A_150, %dma_wait3A_157] : memref<125x80xi32, #tpu.memory_space<vmem>> -> memref<1x80xi32, #tpu.memory_space<vmem>>
      %dma_wait3A_159 = tpu.memref_squeeze %dma_wait3A_158 : memref<1x80xi32, #tpu.memory_space<vmem>> -> memref<80xi32, #tpu.memory_space<vmem>>
      %dma_wait3A_160 = arith.constant 0 : i32
      %dma_wait3A_161 = arith.constant 0 : i32
      %dma_wait3A_162 = tpu.memref_slice %arg3[%dma_wait3A_160, %dma_wait3A_161] : memref<10000x128xf32, #tpu.memory_space<hbm>> -> memref<10000x128xf32, #tpu.memory_space<hbm>>
      tpu.wait_indirect_dma semaphore(%arg21 : memref<!tpu.dma_semaphore, #tpu.memory_space<semaphore_mem>>) src(%dma_wait3A_162 : memref<10000x128xf32, #tpu.memory_space<hbm>>) dst(%arg12 : memref<80x128xf32, #tpu.memory_space<vmem>>)
      %mul3A_163 = arith.constant 80 : i32
      %mul3A_164 = arith.muli %add3A_150, %mul3A_163 : i32
      %add3A_165 = arith.addi %mul3A_2, %mul3A_164 : i32
      %multiple_of3A_166 = tpu.assume_multiple %add3A_165, 8 : i32
      %ge3A_167 = arith.constant 3 : i32
      %ge3A_168 = arith.cmpi sge, %add3A_150, %ge3A_167 : i32
      %convert_element_type3A_169 = arith.extui %ge3A_168 : i1 to i32
      %cond3A_170 = arith.constant 0 : i32
      %cond3A_171 = arith.cmpi ne, %convert_element_type3A_169, %cond3A_170 : i32
      scf.if %cond3A_171 {
        %dma_wait3A_223 = arith.constant 0 : i32
        %dma_wait3A_224 = tpu.memref_slice %arg6[%multiple_of3A_166, %dma_wait3A_223] : memref<320000x128xf32, #tpu.memory_space<hbm>> -> memref<80x128xf32, #tpu.memory_space<hbm>>
        %dma_wait3A_225 = arith.constant 0 : i32
        %dma_wait3A_226 = tpu.memref_slice %arg6[%multiple_of3A_166, %dma_wait3A_225] : memref<320000x128xf32, #tpu.memory_space<hbm>> -> memref<80x128xf32, #tpu.memory_space<hbm>>
        tpu.wait_dma2 semaphore(%arg25 : memref<!tpu.dma_semaphore, #tpu.memory_space<semaphore_mem>>) src(%arg16 : memref<80x128xf32, #tpu.memory_space<vmem>>) dst(%dma_wait3A_226 : memref<80x128xf32, #tpu.memory_space<hbm>>)
      } else {
      }
      %parallel_loop3A_172 = arith.constant 0 : i32
      %parallel_loop3A_173 = arith.constant 80 : i32
      %parallel_loop3A_174 = arith.constant 1 : i32
      scf.for %parallel_loop3A_223 = %parallel_loop3A_172 to %parallel_loop3A_173 step %parallel_loop3A_174  : i32 {
        %parallel_loop3A_224 = arith.index_cast %parallel_loop3A_223 : i32 to index
        %parallel_loop3A_225 = arith.constant 0 : index
        %parallel_loop3A_226 = tpu.vector_load %arg11[%parallel_loop3A_224, %parallel_loop3A_225] {strides = array<i32>} : memref<80x128xf32, #tpu.memory_space<vmem>>, vector<1x16xf32>,
        %parallel_loop3A_227 = vector.shape_cast %parallel_loop3A_226 : vector<1x16xf32> to vector<16xf32>
        %parallel_loop3A_228 = arith.index_cast %parallel_loop3A_223 : i32 to index
        %parallel_loop3A_229 = arith.constant 0 : index
        %parallel_loop3A_230 = tpu.vector_load %arg12[%parallel_loop3A_228, %parallel_loop3A_229] {strides = array<i32>} : memref<80x128xf32, #tpu.memory_space<vmem>>, vector<1x16xf32>,
        %parallel_loop3A_231 = vector.shape_cast %parallel_loop3A_230 : vector<1x16xf32> to vector<16xf32>
        %parallel_loop3A_232 = arith.addf %parallel_loop3A_227, %parallel_loop3A_231 : vector<16xf32>
        %parallel_loop3A_233 = arith.index_cast %parallel_loop3A_223 : i32 to index
        %parallel_loop3A_234 = arith.constant 0 : index
        %parallel_loop3A_235 = tpu.vector_load %arg16[%parallel_loop3A_233, %parallel_loop3A_234] {strides = array<i32>} : memref<80x128xf32, #tpu.memory_space<vmem>>, vector<1x16xf32>,
        %parallel_loop3A_236 = vector.shape_cast %parallel_loop3A_235 : vector<1x16xf32> to vector<16xf32>
        %parallel_loop3A_237 = vector.shape_cast %parallel_loop3A_232 : vector<16xf32> to vector<1x16xf32>
        tpu.vector_store %arg16[%parallel_loop3A_233, %parallel_loop3A_234], %parallel_loop3A_237 {strides = array<i32>} : memref<80x128xf32, #tpu.memory_space<vmem>>, vector<1x16xf32>,
        %parallel_loop3A_238 = arith.index_cast %parallel_loop3A_223 : i32 to index
        %parallel_loop3A_239 = arith.constant 16 : index
        %parallel_loop3A_240 = tpu.vector_load %arg11[%parallel_loop3A_238, %parallel_loop3A_239] {strides = array<i32>} : memref<80x128xf32, #tpu.memory_space<vmem>>, vector<1x16xf32>,
        %parallel_loop3A_241 = vector.shape_cast %parallel_loop3A_240 : vector<1x16xf32> to vector<16xf32>
        %parallel_loop3A_242 = arith.index_cast %parallel_loop3A_223 : i32 to index
        %parallel_loop3A_243 = arith.constant 16 : index
        %parallel_loop3A_244 = tpu.vector_load %arg12[%parallel_loop3A_242, %parallel_loop3A_243] {strides = array<i32>} : memref<80x128xf32, #tpu.memory_space<vmem>>, vector<1x16xf32>,
        %parallel_loop3A_245 = vector.shape_cast %parallel_loop3A_244 : vector<1x16xf32> to vector<16xf32>
        %parallel_loop3A_246 = arith.addf %parallel_loop3A_241, %parallel_loop3A_245 : vector<16xf32>
        %parallel_loop3A_247 = arith.index_cast %parallel_loop3A_223 : i32 to index
        %parallel_loop3A_248 = arith.constant 16 : index
        %parallel_loop3A_249 = tpu.vector_load %arg16[%parallel_loop3A_247, %parallel_loop3A_248] {strides = array<i32>} : memref<80x128xf32, #tpu.memory_space<vmem>>, vector<1x16xf32>,
        %parallel_loop3A_250 = vector.shape_cast %parallel_loop3A_249 : vector<1x16xf32> to vector<16xf32>
        %parallel_loop3A_251 = vector.shape_cast %parallel_loop3A_246 : vector<16xf32> to vector<1x16xf32>
        tpu.vector_store %arg16[%parallel_loop3A_247, %parallel_loop3A_248], %parallel_loop3A_251 {strides = array<i32>} : memref<80x128xf32, #tpu.memory_space<vmem>>, vector<1x16xf32>,
        %parallel_loop3A_252 = arith.index_cast %parallel_loop3A_223 : i32 to index
        %parallel_loop3A_253 = arith.constant 32 : index
        %parallel_loop3A_254 = tpu.vector_load %arg11[%parallel_loop3A_252, %parallel_loop3A_253] {strides = array<i32>} : memref<80x128xf32, #tpu.memory_space<vmem>>, vector<1x16xf32>,
        %parallel_loop3A_255 = vector.shape_cast %parallel_loop3A_254 : vector<1x16xf32> to vector<16xf32>
        %parallel_loop3A_256 = arith.index_cast %parallel_loop3A_223 : i32 to index
        %parallel_loop3A_257 = arith.constant 32 : index
        %parallel_loop3A_258 = tpu.vector_load %arg12[%parallel_loop3A_256, %parallel_loop3A_257] {strides = array<i32>} : memref<80x128xf32, #tpu.memory_space<vmem>>, vector<1x16xf32>,
        %parallel_loop3A_259 = vector.shape_cast %parallel_loop3A_258 : vector<1x16xf32> to vector<16xf32>
        %parallel_loop3A_260 = arith.addf %parallel_loop3A_255, %parallel_loop3A_259 : vector<16xf32>
        %parallel_loop3A_261 = arith.index_cast %parallel_loop3A_223 : i32 to index
        %parallel_loop3A_262 = arith.constant 32 : index
        %parallel_loop3A_263 = tpu.vector_load %arg16[%parallel_loop3A_261, %parallel_loop3A_262] {strides = array<i32>} : memref<80x128xf32, #tpu.memory_space<vmem>>, vector<1x16xf32>,
        %parallel_loop3A_264 = vector.shape_cast %parallel_loop3A_263 : vector<1x16xf32> to vector<16xf32>
        %parallel_loop3A_265 = vector.shape_cast %parallel_loop3A_260 : vector<16xf32> to vector<1x16xf32>
        tpu.vector_store %arg16[%parallel_loop3A_261, %parallel_loop3A_262], %parallel_loop3A_265 {strides = array<i32>} : memref<80x128xf32, #tpu.memory_space<vmem>>, vector<1x16xf32>,
        %parallel_loop3A_266 = arith.index_cast %parallel_loop3A_223 : i32 to index
        %parallel_loop3A_267 = arith.constant 48 : index
        %parallel_loop3A_268 = tpu.vector_load %arg11[%parallel_loop3A_266, %parallel_loop3A_267] {strides = array<i32>} : memref<80x128xf32, #tpu.memory_space<vmem>>, vector<1x16xf32>,
        %parallel_loop3A_269 = vector.shape_cast %parallel_loop3A_268 : vector<1x16xf32> to vector<16xf32>
        %parallel_loop3A_270 = arith.index_cast %parallel_loop3A_223 : i32 to index
        %parallel_loop3A_271 = arith.constant 48 : index
        %parallel_loop3A_272 = tpu.vector_load %arg12[%parallel_loop3A_270, %parallel_loop3A_271] {strides = array<i32>} : memref<80x128xf32, #tpu.memory_space<vmem>>, vector<1x16xf32>,
        %parallel_loop3A_273 = vector.shape_cast %parallel_loop3A_272 : vector<1x16xf32> to vector<16xf32>
        %parallel_loop3A_274 = arith.addf %parallel_loop3A_269, %parallel_loop3A_273 : vector<16xf32>
        %parallel_loop3A_275 = arith.index_cast %parallel_loop3A_223 : i32 to index
        %parallel_loop3A_276 = arith.constant 48 : index
        %parallel_loop3A_277 = tpu.vector_load %arg16[%parallel_loop3A_275, %parallel_loop3A_276] {strides = array<i32>} : memref<80x128xf32, #tpu.memory_space<vmem>>, vector<1x16xf32>,
        %parallel_loop3A_278 = vector.shape_cast %parallel_loop3A_277 : vector<1x16xf32> to vector<16xf32>
        %parallel_loop3A_279 = vector.shape_cast %parallel_loop3A_274 : vector<16xf32> to vector<1x16xf32>
        tpu.vector_store %arg16[%parallel_loop3A_275, %parallel_loop3A_276], %parallel_loop3A_279 {strides = array<i32>} : memref<80x128xf32, #tpu.memory_space<vmem>>, vector<1x16xf32>,
        %parallel_loop3A_280 = arith.index_cast %parallel_loop3A_223 : i32 to index
        %parallel_loop3A_281 = arith.constant 64 : index
        %parallel_loop3A_282 = tpu.vector_load %arg11[%parallel_loop3A_280, %parallel_loop3A_281] {strides = array<i32>} : memref<80x128xf32, #tpu.memory_space<vmem>>, vector<1x16xf32>,
        %parallel_loop3A_283 = vector.shape_cast %parallel_loop3A_282 : vector<1x16xf32> to vector<16xf32>
        %parallel_loop3A_284 = arith.index_cast %parallel_loop3A_223 : i32 to index
        %parallel_loop3A_285 = arith.constant 64 : index
        %parallel_loop3A_286 = tpu.vector_load %arg12[%parallel_loop3A_284, %parallel_loop3A_285] {strides = array<i32>} : memref<80x128xf32, #tpu.memory_space<vmem>>, vector<1x16xf32>,
        %parallel_loop3A_287 = vector.shape_cast %parallel_loop3A_286 : vector<1x16xf32> to vector<16xf32>
        %parallel_loop3A_288 = arith.addf %parallel_loop3A_283, %parallel_loop3A_287 : vector<16xf32>
        %parallel_loop3A_289 = arith.index_cast %parallel_loop3A_223 : i32 to index
        %parallel_loop3A_290 = arith.constant 64 : index
        %parallel_loop3A_291 = tpu.vector_load %arg16[%parallel_loop3A_289, %parallel_loop3A_290] {strides = array<i32>} : memref<80x128xf32, #tpu.memory_space<vmem>>, vector<1x16xf32>,
        %parallel_loop3A_292 = vector.shape_cast %parallel_loop3A_291 : vector<1x16xf32> to vector<16xf32>
        %parallel_loop3A_293 = vector.shape_cast %parallel_loop3A_288 : vector<16xf32> to vector<1x16xf32>
        tpu.vector_store %arg16[%parallel_loop3A_289, %parallel_loop3A_290], %parallel_loop3A_293 {strides = array<i32>} : memref<80x128xf32, #tpu.memory_space<vmem>>, vector<1x16xf32>,
        %parallel_loop3A_294 = arith.index_cast %parallel_loop3A_223 : i32 to index
        %parallel_loop3A_295 = arith.constant 80 : index
        %parallel_loop3A_296 = tpu.vector_load %arg11[%parallel_loop3A_294, %parallel_loop3A_295] {strides = array<i32>} : memref<80x128xf32, #tpu.memory_space<vmem>>, vector<1x16xf32>,
        %parallel_loop3A_297 = vector.shape_cast %parallel_loop3A_296 : vector<1x16xf32> to vector<16xf32>
        %parallel_loop3A_298 = arith.index_cast %parallel_loop3A_223 : i32 to index
        %parallel_loop3A_299 = arith.constant 80 : index
        %parallel_loop3A_300 = tpu.vector_load %arg12[%parallel_loop3A_298, %parallel_loop3A_299] {strides = array<i32>} : memref<80x128xf32, #tpu.memory_space<vmem>>, vector<1x16xf32>,
        %parallel_loop3A_301 = vector.shape_cast %parallel_loop3A_300 : vector<1x16xf32> to vector<16xf32>
        %parallel_loop3A_302 = arith.addf %parallel_loop3A_297, %parallel_loop3A_301 : vector<16xf32>
        %parallel_loop3A_303 = arith.index_cast %parallel_loop3A_223 : i32 to index
        %parallel_loop3A_304 = arith.constant 80 : index
        %parallel_loop3A_305 = tpu.vector_load %arg16[%parallel_loop3A_303, %parallel_loop3A_304] {strides = array<i32>} : memref<80x128xf32, #tpu.memory_space<vmem>>, vector<1x16xf32>,
        %parallel_loop3A_306 = vector.shape_cast %parallel_loop3A_305 : vector<1x16xf32> to vector<16xf32>
        %parallel_loop3A_307 = vector.shape_cast %parallel_loop3A_302 : vector<16xf32> to vector<1x16xf32>
        tpu.vector_store %arg16[%parallel_loop3A_303, %parallel_loop3A_304], %parallel_loop3A_307 {strides = array<i32>} : memref<80x128xf32, #tpu.memory_space<vmem>>, vector<1x16xf32>,
        %parallel_loop3A_308 = arith.index_cast %parallel_loop3A_223 : i32 to index
        %parallel_loop3A_309 = arith.constant 96 : index
        %parallel_loop3A_310 = tpu.vector_load %arg11[%parallel_loop3A_308, %parallel_loop3A_309] {strides = array<i32>} : memref<80x128xf32, #tpu.memory_space<vmem>>, vector<1x16xf32>,
        %parallel_loop3A_311 = vector.shape_cast %parallel_loop3A_310 : vector<1x16xf32> to vector<16xf32>
        %parallel_loop3A_312 = arith.index_cast %parallel_loop3A_223 : i32 to index
        %parallel_loop3A_313 = arith.constant 96 : index
        %parallel_loop3A_314 = tpu.vector_load %arg12[%parallel_loop3A_312, %parallel_loop3A_313] {strides = array<i32>} : memref<80x128xf32, #tpu.memory_space<vmem>>, vector<1x16xf32>,
        %parallel_loop3A_315 = vector.shape_cast %parallel_loop3A_314 : vector<1x16xf32> to vector<16xf32>
        %parallel_loop3A_316 = arith.addf %parallel_loop3A_311, %parallel_loop3A_315 : vector<16xf32>
        %parallel_loop3A_317 = arith.index_cast %parallel_loop3A_223 : i32 to index
        %parallel_loop3A_318 = arith.constant 96 : index
        %parallel_loop3A_319 = tpu.vector_load %arg16[%parallel_loop3A_317, %parallel_loop3A_318] {strides = array<i32>} : memref<80x128xf32, #tpu.memory_space<vmem>>, vector<1x16xf32>,
        %parallel_loop3A_320 = vector.shape_cast %parallel_loop3A_319 : vector<1x16xf32> to vector<16xf32>
        %parallel_loop3A_321 = vector.shape_cast %parallel_loop3A_316 : vector<16xf32> to vector<1x16xf32>
        tpu.vector_store %arg16[%parallel_loop3A_317, %parallel_loop3A_318], %parallel_loop3A_321 {strides = array<i32>} : memref<80x128xf32, #tpu.memory_space<vmem>>, vector<1x16xf32>,
        %parallel_loop3A_322 = arith.index_cast %parallel_loop3A_223 : i32 to index
        %parallel_loop3A_323 = arith.constant 112 : index
        %parallel_loop3A_324 = tpu.vector_load %arg11[%parallel_loop3A_322, %parallel_loop3A_323] {strides = array<i32>} : memref<80x128xf32, #tpu.memory_space<vmem>>, vector<1x16xf32>,
        %parallel_loop3A_325 = vector.shape_cast %parallel_loop3A_324 : vector<1x16xf32> to vector<16xf32>
        %parallel_loop3A_326 = arith.index_cast %parallel_loop3A_223 : i32 to index
        %parallel_loop3A_327 = arith.constant 112 : index
        %parallel_loop3A_328 = tpu.vector_load %arg12[%parallel_loop3A_326, %parallel_loop3A_327] {strides = array<i32>} : memref<80x128xf32, #tpu.memory_space<vmem>>, vector<1x16xf32>,
        %parallel_loop3A_329 = vector.shape_cast %parallel_loop3A_328 : vector<1x16xf32> to vector<16xf32>
        %parallel_loop3A_330 = arith.addf %parallel_loop3A_325, %parallel_loop3A_329 : vector<16xf32>
        %parallel_loop3A_331 = arith.index_cast %parallel_loop3A_223 : i32 to index
        %parallel_loop3A_332 = arith.constant 112 : index
        %parallel_loop3A_333 = tpu.vector_load %arg16[%parallel_loop3A_331, %parallel_loop3A_332] {strides = array<i32>} : memref<80x128xf32, #tpu.memory_space<vmem>>, vector<1x16xf32>,
        %parallel_loop3A_334 = vector.shape_cast %parallel_loop3A_333 : vector<1x16xf32> to vector<16xf32>
        %parallel_loop3A_335 = vector.shape_cast %parallel_loop3A_330 : vector<16xf32> to vector<1x16xf32>
        tpu.vector_store %arg16[%parallel_loop3A_331, %parallel_loop3A_332], %parallel_loop3A_335 {strides = array<i32>} : memref<80x128xf32, #tpu.memory_space<vmem>>, vector<1x16xf32>,
      } {sc.loop_unroll_factor = 4 : i64, sc.parallel_access}
      %add3A_175 = arith.constant 3 : i32
      %add3A_176 = arith.addi %add3A_150, %add3A_175 : i32
      %lt3A_177 = arith.constant 125 : i32
      %lt3A_178 = arith.cmpi slt, %add3A_176, %lt3A_177 : i32
      %convert_element_type3A_179 = arith.extui %lt3A_178 : i1 to i32
      %cond3A_180 = arith.constant 0 : i32
      %cond3A_181 = arith.cmpi ne, %convert_element_type3A_179, %cond3A_180 : i32
      scf.if %cond3A_181 {
        %add3A_223 = arith.constant 3 : i32
        %add3A_224 = arith.addi %add3A_150, %add3A_223 : i32
        %dma_start3A_225 = arith.constant 0 : i32
        %dma_start3A_226 = tpu.memref_slice %arg7[%add3A_224, %dma_start3A_225] : memref<125x80xi32, #tpu.memory_space<vmem>> -> memref<1x80xi32, #tpu.memory_space<vmem>>
        %dma_start3A_227 = tpu.memref_squeeze %dma_start3A_226 : memref<1x80xi32, #tpu.memory_space<vmem>> -> memref<80xi32, #tpu.memory_space<vmem>>
        %dma_start3A_228 = arith.constant 0 : i32
        %dma_start3A_229 = arith.constant 0 : i32
        %dma_start3A_230 = tpu.memref_slice %arg2[%dma_start3A_228, %dma_start3A_229] : memref<10000x128xf32, #tpu.memory_space<hbm>> -> memref<10000x128xf32, #tpu.memory_space<hbm>>
        tpu.enqueue_indirect_dma source(%dma_start3A_230 : memref<10000x128xf32, #tpu.memory_space<hbm>>) target(%arg11 : memref<80x128xf32, #tpu.memory_space<vmem>>) offsets(%dma_start3A_227 : memref<80xi32, #tpu.memory_space<vmem>>) semaphore(%arg20 : memref<!tpu.dma_semaphore, #tpu.memory_space<semaphore_mem>>)
        %dma_start3A_231 = arith.constant 0 : i32
        %dma_start3A_232 = tpu.memref_slice %arg8[%add3A_224, %dma_start3A_231] : memref<125x80xi32, #tpu.memory_space<vmem>> -> memref<1x80xi32, #tpu.memory_space<vmem>>
        %dma_start3A_233 = tpu.memref_squeeze %dma_start3A_232 : memref<1x80xi32, #tpu.memory_space<vmem>> -> memref<80xi32, #tpu.memory_space<vmem>>
        %dma_start3A_234 = arith.constant 0 : i32
        %dma_start3A_235 = arith.constant 0 : i32
        %dma_start3A_236 = tpu.memref_slice %arg3[%dma_start3A_234, %dma_start3A_235] : memref<10000x128xf32, #tpu.memory_space<hbm>> -> memref<10000x128xf32, #tpu.memory_space<hbm>>
        tpu.enqueue_indirect_dma source(%dma_start3A_236 : memref<10000x128xf32, #tpu.memory_space<hbm>>) target(%arg12 : memref<80x128xf32, #tpu.memory_space<vmem>>) offsets(%dma_start3A_233 : memref<80xi32, #tpu.memory_space<vmem>>) semaphore(%arg21 : memref<!tpu.dma_semaphore, #tpu.memory_space<semaphore_mem>>)
      } else {
      }
      %dma_start3A_182 = arith.constant 0 : i32
      %dma_start3A_183 = tpu.memref_slice %arg6[%multiple_of3A_166, %dma_start3A_182] : memref<320000x128xf32, #tpu.memory_space<hbm>> -> memref<80x128xf32, #tpu.memory_space<hbm>>
      %dma_start3A_184 = arith.constant 0 : i32
      %dma_start3A_185 = tpu.memref_slice %arg6[%multiple_of3A_166, %dma_start3A_184] : memref<320000x128xf32, #tpu.memory_space<hbm>> -> memref<80x128xf32, #tpu.memory_space<hbm>>
      tpu.enqueue_dma source(%arg16 : memref<80x128xf32, #tpu.memory_space<vmem>>) target(%dma_start3A_185 : memref<80x128xf32, #tpu.memory_space<hbm>>) target_semaphore(%arg25 : memref<!tpu.dma_semaphore, #tpu.memory_space<semaphore_mem>>)
      %add3A_186 = arith.constant 2 : i32
      %add3A_187 = arith.addi %mul3A_117, %add3A_186 : i32
      %dma_wait3A_188 = arith.constant 0 : i32
      %dma_wait3A_189 = tpu.memref_slice %arg7[%add3A_187, %dma_wait3A_188] : memref<125x80xi32, #tpu.memory_space<vmem>> -> memref<1x80xi32, #tpu.memory_space<vmem>>
      %dma_wait3A_190 = tpu.memref_squeeze %dma_wait3A_189 : memref<1x80xi32, #tpu.memory_space<vmem>> -> memref<80xi32, #tpu.memory_space<vmem>>
      %dma_wait3A_191 = arith.constant 0 : i32
      %dma_wait3A_192 = arith.constant 0 : i32
      %dma_wait3A_193 = tpu.memref_slice %arg2[%dma_wait3A_191, %dma_wait3A_192] : memref<10000x128xf32, #tpu.memory_space<hbm>> -> memref<10000x128xf32, #tpu.memory_space<hbm>>
      tpu.wait_indirect_dma semaphore(%arg22 : memref<!tpu.dma_semaphore, #tpu.memory_space<semaphore_mem>>) src(%dma_wait3A_193 : memref<10000x128xf32, #tpu.memory_space<hbm>>) dst(%arg13 : memref<80x128xf32, #tpu.memory_space<vmem>>)
      %dma_wait3A_194 = arith.constant 0 : i32
      %dma_wait3A_195 = tpu.memref_slice %arg8[%add3A_187, %dma_wait3A_194] : memref<125x80xi32, #tpu.memory_space<vmem>> -> memref<1x80xi32, #tpu.memory_space<vmem>>
      %dma_wait3A_196 = tpu.memref_squeeze %dma_wait3A_195 : memref<1x80xi32, #tpu.memory_space<vmem>> -> memref<80xi32, #tpu.memory_space<vmem>>
      %dma_wait3A_197 = arith.constant 0 : i32
      %dma_wait3A_198 = arith.constant 0 : i32
      %dma_wait3A_199 = tpu.memref_slice %arg3[%dma_wait3A_197, %dma_wait3A_198] : memref<10000x128xf32, #tpu.memory_space<hbm>> -> memref<10000x128xf32, #tpu.memory_space<hbm>>
      tpu.wait_indirect_dma semaphore(%arg23 : memref<!tpu.dma_semaphore, #tpu.memory_space<semaphore_mem>>) src(%dma_wait3A_199 : memref<10000x128xf32, #tpu.memory_space<hbm>>) dst(%arg14 : memref<80x128xf32, #tpu.memory_space<vmem>>)
      %mul3A_200 = arith.constant 80 : i32
      %mul3A_201 = arith.muli %add3A_187, %mul3A_200 : i32
      %add3A_202 = arith.addi %mul3A_2, %mul3A_201 : i32
      %multiple_of3A_203 = tpu.assume_multiple %add3A_202, 8 : i32
      %ge3A_204 = arith.constant 3 : i32
      %ge3A_205 = arith.cmpi sge, %add3A_187, %ge3A_204 : i32
      %convert_element_type3A_206 = arith.extui %ge3A_205 : i1 to i32
      %cond3A_207 = arith.constant 0 : i32
      %cond3A_208 = arith.cmpi ne, %convert_element_type3A_206, %cond3A_207 : i32
      scf.if %cond3A_208 {
        %dma_wait3A_223 = arith.constant 0 : i32
        %dma_wait3A_224 = tpu.memref_slice %arg6[%multiple_of3A_203, %dma_wait3A_223] : memref<320000x128xf32, #tpu.memory_space<hbm>> -> memref<80x128xf32, #tpu.memory_space<hbm>>
        %dma_wait3A_225 = arith.constant 0 : i32
        %dma_wait3A_226 = tpu.memref_slice %arg6[%multiple_of3A_203, %dma_wait3A_225] : memref<320000x128xf32, #tpu.memory_space<hbm>> -> memref<80x128xf32, #tpu.memory_space<hbm>>
        tpu.wait_dma2 semaphore(%arg26 : memref<!tpu.dma_semaphore, #tpu.memory_space<semaphore_mem>>) src(%arg17 : memref<80x128xf32, #tpu.memory_space<vmem>>) dst(%dma_wait3A_226 : memref<80x128xf32, #tpu.memory_space<hbm>>)
      } else {
      }
      %parallel_loop3A_209 = arith.constant 0 : i32
      %parallel_loop3A_210 = arith.constant 80 : i32
      %parallel_loop3A_211 = arith.constant 1 : i32
      scf.for %parallel_loop3A_223 = %parallel_loop3A_209 to %parallel_loop3A_210 step %parallel_loop3A_211  : i32 {
        %parallel_loop3A_224 = arith.index_cast %parallel_loop3A_223 : i32 to index
        %parallel_loop3A_225 = arith.constant 0 : index
        %parallel_loop3A_226 = tpu.vector_load %arg13[%parallel_loop3A_224, %parallel_loop3A_225] {strides = array<i32>} : memref<80x128xf32, #tpu.memory_space<vmem>>, vector<1x16xf32>,
        %parallel_loop3A_227 = vector.shape_cast %parallel_loop3A_226 : vector<1x16xf32> to vector<16xf32>
        %parallel_loop3A_228 = arith.index_cast %parallel_loop3A_223 : i32 to index
        %parallel_loop3A_229 = arith.constant 0 : index
        %parallel_loop3A_230 = tpu.vector_load %arg14[%parallel_loop3A_228, %parallel_loop3A_229] {strides = array<i32>} : memref<80x128xf32, #tpu.memory_space<vmem>>, vector<1x16xf32>,
        %parallel_loop3A_231 = vector.shape_cast %parallel_loop3A_230 : vector<1x16xf32> to vector<16xf32>
        %parallel_loop3A_232 = arith.addf %parallel_loop3A_227, %parallel_loop3A_231 : vector<16xf32>
        %parallel_loop3A_233 = arith.index_cast %parallel_loop3A_223 : i32 to index
        %parallel_loop3A_234 = arith.constant 0 : index
        %parallel_loop3A_235 = tpu.vector_load %arg17[%parallel_loop3A_233, %parallel_loop3A_234] {strides = array<i32>} : memref<80x128xf32, #tpu.memory_space<vmem>>, vector<1x16xf32>,
        %parallel_loop3A_236 = vector.shape_cast %parallel_loop3A_235 : vector<1x16xf32> to vector<16xf32>
        %parallel_loop3A_237 = vector.shape_cast %parallel_loop3A_232 : vector<16xf32> to vector<1x16xf32>
        tpu.vector_store %arg17[%parallel_loop3A_233, %parallel_loop3A_234], %parallel_loop3A_237 {strides = array<i32>} : memref<80x128xf32, #tpu.memory_space<vmem>>, vector<1x16xf32>,
        %parallel_loop3A_238 = arith.index_cast %parallel_loop3A_223 : i32 to index
        %parallel_loop3A_239 = arith.constant 16 : index
        %parallel_loop3A_240 = tpu.vector_load %arg13[%parallel_loop3A_238, %parallel_loop3A_239] {strides = array<i32>} : memref<80x128xf32, #tpu.memory_space<vmem>>, vector<1x16xf32>,
        %parallel_loop3A_241 = vector.shape_cast %parallel_loop3A_240 : vector<1x16xf32> to vector<16xf32>
        %parallel_loop3A_242 = arith.index_cast %parallel_loop3A_223 : i32 to index
        %parallel_loop3A_243 = arith.constant 16 : index
        %parallel_loop3A_244 = tpu.vector_load %arg14[%parallel_loop3A_242, %parallel_loop3A_243] {strides = array<i32>} : memref<80x128xf32, #tpu.memory_space<vmem>>, vector<1x16xf32>,
        %parallel_loop3A_245 = vector.shape_cast %parallel_loop3A_244 : vector<1x16xf32> to vector<16xf32>
        %parallel_loop3A_246 = arith.addf %parallel_loop3A_241, %parallel_loop3A_245 : vector<16xf32>
        %parallel_loop3A_247 = arith.index_cast %parallel_loop3A_223 : i32 to index
        %parallel_loop3A_248 = arith.constant 16 : index
        %parallel_loop3A_249 = tpu.vector_load %arg17[%parallel_loop3A_247, %parallel_loop3A_248] {strides = array<i32>} : memref<80x128xf32, #tpu.memory_space<vmem>>, vector<1x16xf32>,
        %parallel_loop3A_250 = vector.shape_cast %parallel_loop3A_249 : vector<1x16xf32> to vector<16xf32>
        %parallel_loop3A_251 = vector.shape_cast %parallel_loop3A_246 : vector<16xf32> to vector<1x16xf32>
        tpu.vector_store %arg17[%parallel_loop3A_247, %parallel_loop3A_248], %parallel_loop3A_251 {strides = array<i32>} : memref<80x128xf32, #tpu.memory_space<vmem>>, vector<1x16xf32>,
        %parallel_loop3A_252 = arith.index_cast %parallel_loop3A_223 : i32 to index
        %parallel_loop3A_253 = arith.constant 32 : index
        %parallel_loop3A_254 = tpu.vector_load %arg13[%parallel_loop3A_252, %parallel_loop3A_253] {strides = array<i32>} : memref<80x128xf32, #tpu.memory_space<vmem>>, vector<1x16xf32>,
        %parallel_loop3A_255 = vector.shape_cast %parallel_loop3A_254 : vector<1x16xf32> to vector<16xf32>
        %parallel_loop3A_256 = arith.index_cast %parallel_loop3A_223 : i32 to index
        %parallel_loop3A_257 = arith.constant 32 : index
        %parallel_loop3A_258 = tpu.vector_load %arg14[%parallel_loop3A_256, %parallel_loop3A_257] {strides = array<i32>} : memref<80x128xf32, #tpu.memory_space<vmem>>, vector<1x16xf32>,
        %parallel_loop3A_259 = vector.shape_cast %parallel_loop3A_258 : vector<1x16xf32> to vector<16xf32>
        %parallel_loop3A_260 = arith.addf %parallel_loop3A_255, %parallel_loop3A_259 : vector<16xf32>
        %parallel_loop3A_261 = arith.index_cast %parallel_loop3A_223 : i32 to index
        %parallel_loop3A_262 = arith.constant 32 : index
        %parallel_loop3A_263 = tpu.vector_load %arg17[%parallel_loop3A_261, %parallel_loop3A_262] {strides = array<i32>} : memref<80x128xf32, #tpu.memory_space<vmem>>, vector<1x16xf32>,
        %parallel_loop3A_264 = vector.shape_cast %parallel_loop3A_263 : vector<1x16xf32> to vector<16xf32>
        %parallel_loop3A_265 = vector.shape_cast %parallel_loop3A_260 : vector<16xf32> to vector<1x16xf32>
        tpu.vector_store %arg17[%parallel_loop3A_261, %parallel_loop3A_262], %parallel_loop3A_265 {strides = array<i32>} : memref<80x128xf32, #tpu.memory_space<vmem>>, vector<1x16xf32>,
        %parallel_loop3A_266 = arith.index_cast %parallel_loop3A_223 : i32 to index
        %parallel_loop3A_267 = arith.constant 48 : index
        %parallel_loop3A_268 = tpu.vector_load %arg13[%parallel_loop3A_266, %parallel_loop3A_267] {strides = array<i32>} : memref<80x128xf32, #tpu.memory_space<vmem>>, vector<1x16xf32>,
        %parallel_loop3A_269 = vector.shape_cast %parallel_loop3A_268 : vector<1x16xf32> to vector<16xf32>
        %parallel_loop3A_270 = arith.index_cast %parallel_loop3A_223 : i32 to index
        %parallel_loop3A_271 = arith.constant 48 : index
        %parallel_loop3A_272 = tpu.vector_load %arg14[%parallel_loop3A_270, %parallel_loop3A_271] {strides = array<i32>} : memref<80x128xf32, #tpu.memory_space<vmem>>, vector<1x16xf32>,
        %parallel_loop3A_273 = vector.shape_cast %parallel_loop3A_272 : vector<1x16xf32> to vector<16xf32>
        %parallel_loop3A_274 = arith.addf %parallel_loop3A_269, %parallel_loop3A_273 : vector<16xf32>
        %parallel_loop3A_275 = arith.index_cast %parallel_loop3A_223 : i32 to index
        %parallel_loop3A_276 = arith.constant 48 : index
        %parallel_loop3A_277 = tpu.vector_load %arg17[%parallel_loop3A_275, %parallel_loop3A_276] {strides = array<i32>} : memref<80x128xf32, #tpu.memory_space<vmem>>, vector<1x16xf32>,
        %parallel_loop3A_278 = vector.shape_cast %parallel_loop3A_277 : vector<1x16xf32> to vector<16xf32>
        %parallel_loop3A_279 = vector.shape_cast %parallel_loop3A_274 : vector<16xf32> to vector<1x16xf32>
        tpu.vector_store %arg17[%parallel_loop3A_275, %parallel_loop3A_276], %parallel_loop3A_279 {strides = array<i32>} : memref<80x128xf32, #tpu.memory_space<vmem>>, vector<1x16xf32>,
        %parallel_loop3A_280 = arith.index_cast %parallel_loop3A_223 : i32 to index
        %parallel_loop3A_281 = arith.constant 64 : index
        %parallel_loop3A_282 = tpu.vector_load %arg13[%parallel_loop3A_280, %parallel_loop3A_281] {strides = array<i32>} : memref<80x128xf32, #tpu.memory_space<vmem>>, vector<1x16xf32>,
        %parallel_loop3A_283 = vector.shape_cast %parallel_loop3A_282 : vector<1x16xf32> to vector<16xf32>
        %parallel_loop3A_284 = arith.index_cast %parallel_loop3A_223 : i32 to index
        %parallel_loop3A_285 = arith.constant 64 : index
        %parallel_loop3A_286 = tpu.vector_load %arg14[%parallel_loop3A_284, %parallel_loop3A_285] {strides = array<i32>} : memref<80x128xf32, #tpu.memory_space<vmem>>, vector<1x16xf32>,
        %parallel_loop3A_287 = vector.shape_cast %parallel_loop3A_286 : vector<1x16xf32> to vector<16xf32>
        %parallel_loop3A_288 = arith.addf %parallel_loop3A_283, %parallel_loop3A_287 : vector<16xf32>
        %parallel_loop3A_289 = arith.index_cast %parallel_loop3A_223 : i32 to index
        %parallel_loop3A_290 = arith.constant 64 : index
        %parallel_loop3A_291 = tpu.vector_load %arg17[%parallel_loop3A_289, %parallel_loop3A_290] {strides = array<i32>} : memref<80x128xf32, #tpu.memory_space<vmem>>, vector<1x16xf32>,
        %parallel_loop3A_292 = vector.shape_cast %parallel_loop3A_291 : vector<1x16xf32> to vector<16xf32>
        %parallel_loop3A_293 = vector.shape_cast %parallel_loop3A_288 : vector<16xf32> to vector<1x16xf32>
        tpu.vector_store %arg17[%parallel_loop3A_289, %parallel_loop3A_290], %parallel_loop3A_293 {strides = array<i32>} : memref<80x128xf32, #tpu.memory_space<vmem>>, vector<1x16xf32>,
        %parallel_loop3A_294 = arith.index_cast %parallel_loop3A_223 : i32 to index
        %parallel_loop3A_295 = arith.constant 80 : index
        %parallel_loop3A_296 = tpu.vector_load %arg13[%parallel_loop3A_294, %parallel_loop3A_295] {strides = array<i32>} : memref<80x128xf32, #tpu.memory_space<vmem>>, vector<1x16xf32>,
        %parallel_loop3A_297 = vector.shape_cast %parallel_loop3A_296 : vector<1x16xf32> to vector<16xf32>
        %parallel_loop3A_298 = arith.index_cast %parallel_loop3A_223 : i32 to index
        %parallel_loop3A_299 = arith.constant 80 : index
        %parallel_loop3A_300 = tpu.vector_load %arg14[%parallel_loop3A_298, %parallel_loop3A_299] {strides = array<i32>} : memref<80x128xf32, #tpu.memory_space<vmem>>, vector<1x16xf32>,
        %parallel_loop3A_301 = vector.shape_cast %parallel_loop3A_300 : vector<1x16xf32> to vector<16xf32>
        %parallel_loop3A_302 = arith.addf %parallel_loop3A_297, %parallel_loop3A_301 : vector<16xf32>
        %parallel_loop3A_303 = arith.index_cast %parallel_loop3A_223 : i32 to index
        %parallel_loop3A_304 = arith.constant 80 : index
        %parallel_loop3A_305 = tpu.vector_load %arg17[%parallel_loop3A_303, %parallel_loop3A_304] {strides = array<i32>} : memref<80x128xf32, #tpu.memory_space<vmem>>, vector<1x16xf32>,
        %parallel_loop3A_306 = vector.shape_cast %parallel_loop3A_305 : vector<1x16xf32> to vector<16xf32>
        %parallel_loop3A_307 = vector.shape_cast %parallel_loop3A_302 : vector<16xf32> to vector<1x16xf32>
        tpu.vector_store %arg17[%parallel_loop3A_303, %parallel_loop3A_304], %parallel_loop3A_307 {strides = array<i32>} : memref<80x128xf32, #tpu.memory_space<vmem>>, vector<1x16xf32>,
        %parallel_loop3A_308 = arith.index_cast %parallel_loop3A_223 : i32 to index
        %parallel_loop3A_309 = arith.constant 96 : index
        %parallel_loop3A_310 = tpu.vector_load %arg13[%parallel_loop3A_308, %parallel_loop3A_309] {strides = array<i32>} : memref<80x128xf32, #tpu.memory_space<vmem>>, vector<1x16xf32>,
        %parallel_loop3A_311 = vector.shape_cast %parallel_loop3A_310 : vector<1x16xf32> to vector<16xf32>
        %parallel_loop3A_312 = arith.index_cast %parallel_loop3A_223 : i32 to index
        %parallel_loop3A_313 = arith.constant 96 : index
        %parallel_loop3A_314 = tpu.vector_load %arg14[%parallel_loop3A_312, %parallel_loop3A_313] {strides = array<i32>} : memref<80x128xf32, #tpu.memory_space<vmem>>, vector<1x16xf32>,
        %parallel_loop3A_315 = vector.shape_cast %parallel_loop3A_314 : vector<1x16xf32> to vector<16xf32>
        %parallel_loop3A_316 = arith.addf %parallel_loop3A_311, %parallel_loop3A_315 : vector<16xf32>
        %parallel_loop3A_317 = arith.index_cast %parallel_loop3A_223 : i32 to index
        %parallel_loop3A_318 = arith.constant 96 : index
        %parallel_loop3A_319 = tpu.vector_load %arg17[%parallel_loop3A_317, %parallel_loop3A_318] {strides = array<i32>} : memref<80x128xf32, #tpu.memory_space<vmem>>, vector<1x16xf32>,
        %parallel_loop3A_320 = vector.shape_cast %parallel_loop3A_319 : vector<1x16xf32> to vector<16xf32>
        %parallel_loop3A_321 = vector.shape_cast %parallel_loop3A_316 : vector<16xf32> to vector<1x16xf32>
        tpu.vector_store %arg17[%parallel_loop3A_317, %parallel_loop3A_318], %parallel_loop3A_321 {strides = array<i32>} : memref<80x128xf32, #tpu.memory_space<vmem>>, vector<1x16xf32>,
        %parallel_loop3A_322 = arith.index_cast %parallel_loop3A_223 : i32 to index
        %parallel_loop3A_323 = arith.constant 112 : index
        %parallel_loop3A_324 = tpu.vector_load %arg13[%parallel_loop3A_322, %parallel_loop3A_323] {strides = array<i32>} : memref<80x128xf32, #tpu.memory_space<vmem>>, vector<1x16xf32>,
        %parallel_loop3A_325 = vector.shape_cast %parallel_loop3A_324 : vector<1x16xf32> to vector<16xf32>
        %parallel_loop3A_326 = arith.index_cast %parallel_loop3A_223 : i32 to index
        %parallel_loop3A_327 = arith.constant 112 : index
        %parallel_loop3A_328 = tpu.vector_load %arg14[%parallel_loop3A_326, %parallel_loop3A_327] {strides = array<i32>} : memref<80x128xf32, #tpu.memory_space<vmem>>, vector<1x16xf32>,
        %parallel_loop3A_329 = vector.shape_cast %parallel_loop3A_328 : vector<1x16xf32> to vector<16xf32>
        %parallel_loop3A_330 = arith.addf %parallel_loop3A_325, %parallel_loop3A_329 : vector<16xf32>
        %parallel_loop3A_331 = arith.index_cast %parallel_loop3A_223 : i32 to index
        %parallel_loop3A_332 = arith.constant 112 : index
        %parallel_loop3A_333 = tpu.vector_load %arg17[%parallel_loop3A_331, %parallel_loop3A_332] {strides = array<i32>} : memref<80x128xf32, #tpu.memory_space<vmem>>, vector<1x16xf32>,
        %parallel_loop3A_334 = vector.shape_cast %parallel_loop3A_333 : vector<1x16xf32> to vector<16xf32>
        %parallel_loop3A_335 = vector.shape_cast %parallel_loop3A_330 : vector<16xf32> to vector<1x16xf32>
        tpu.vector_store %arg17[%parallel_loop3A_331, %parallel_loop3A_332], %parallel_loop3A_335 {strides = array<i32>} : memref<80x128xf32, #tpu.memory_space<vmem>>, vector<1x16xf32>,
      } {sc.loop_unroll_factor = 4 : i64, sc.parallel_access}
      %add3A_212 = arith.constant 3 : i32
      %add3A_213 = arith.addi %add3A_187, %add3A_212 : i32
      %lt3A_214 = arith.constant 125 : i32
      %lt3A_215 = arith.cmpi slt, %add3A_213, %lt3A_214 : i32
      %convert_element_type3A_216 = arith.extui %lt3A_215 : i1 to i32
      %cond3A_217 = arith.constant 0 : i32
      %cond3A_218 = arith.cmpi ne, %convert_element_type3A_216, %cond3A_217 : i32
      scf.if %cond3A_218 {
        %add3A_223 = arith.constant 3 : i32
        %add3A_224 = arith.addi %add3A_187, %add3A_223 : i32
        %dma_start3A_225 = arith.constant 0 : i32
        %dma_start3A_226 = tpu.memref_slice %arg7[%add3A_224, %dma_start3A_225] : memref<125x80xi32, #tpu.memory_space<vmem>> -> memref<1x80xi32, #tpu.memory_space<vmem>>
        %dma_start3A_227 = tpu.memref_squeeze %dma_start3A_226 : memref<1x80xi32, #tpu.memory_space<vmem>> -> memref<80xi32, #tpu.memory_space<vmem>>
        %dma_start3A_228 = arith.constant 0 : i32
        %dma_start3A_229 = arith.constant 0 : i32
        %dma_start3A_230 = tpu.memref_slice %arg2[%dma_start3A_228, %dma_start3A_229] : memref<10000x128xf32, #tpu.memory_space<hbm>> -> memref<10000x128xf32, #tpu.memory_space<hbm>>
        tpu.enqueue_indirect_dma source(%dma_start3A_230 : memref<10000x128xf32, #tpu.memory_space<hbm>>) target(%arg13 : memref<80x128xf32, #tpu.memory_space<vmem>>) offsets(%dma_start3A_227 : memref<80xi32, #tpu.memory_space<vmem>>) semaphore(%arg22 : memref<!tpu.dma_semaphore, #tpu.memory_space<semaphore_mem>>)
        %dma_start3A_231 = arith.constant 0 : i32
        %dma_start3A_232 = tpu.memref_slice %arg8[%add3A_224, %dma_start3A_231] : memref<125x80xi32, #tpu.memory_space<vmem>> -> memref<1x80xi32, #tpu.memory_space<vmem>>
        %dma_start3A_233 = tpu.memref_squeeze %dma_start3A_232 : memref<1x80xi32, #tpu.memory_space<vmem>> -> memref<80xi32, #tpu.memory_space<vmem>>
        %dma_start3A_234 = arith.constant 0 : i32
        %dma_start3A_235 = arith.constant 0 : i32
        %dma_start3A_236 = tpu.memref_slice %arg3[%dma_start3A_234, %dma_start3A_235] : memref<10000x128xf32, #tpu.memory_space<hbm>> -> memref<10000x128xf32, #tpu.memory_space<hbm>>
        tpu.enqueue_indirect_dma source(%dma_start3A_236 : memref<10000x128xf32, #tpu.memory_space<hbm>>) target(%arg14 : memref<80x128xf32, #tpu.memory_space<vmem>>) offsets(%dma_start3A_233 : memref<80xi32, #tpu.memory_space<vmem>>) semaphore(%arg23 : memref<!tpu.dma_semaphore, #tpu.memory_space<semaphore_mem>>)
      } else {
      }
      %dma_start3A_219 = arith.constant 0 : i32
      %dma_start3A_220 = tpu.memref_slice %arg6[%multiple_of3A_203, %dma_start3A_219] : memref<320000x128xf32, #tpu.memory_space<hbm>> -> memref<80x128xf32, #tpu.memory_space<hbm>>
      %dma_start3A_221 = arith.constant 0 : i32
      %dma_start3A_222 = tpu.memref_slice %arg6[%multiple_of3A_203, %dma_start3A_221] : memref<320000x128xf32, #tpu.memory_space<hbm>> -> memref<80x128xf32, #tpu.memory_space<hbm>>
      tpu.enqueue_dma source(%arg17 : memref<80x128xf32, #tpu.memory_space<vmem>>) target(%dma_start3A_222 : memref<80x128xf32, #tpu.memory_space<hbm>>) target_semaphore(%arg26 : memref<!tpu.dma_semaphore, #tpu.memory_space<semaphore_mem>>)
    }
    %scan3A_48 = arith.constant 41 : i32
    %dma_wait3A = arith.constant 123 : i32
    %dma_wait3A_49 = arith.constant 0 : i32
    %dma_wait3A_50 = tpu.memref_slice %arg7[%dma_wait3A, %dma_wait3A_49] : memref<125x80xi32, #tpu.memory_space<vmem>> -> memref<1x80xi32, #tpu.memory_space<vmem>>
    %dma_wait3A_51 = tpu.memref_squeeze %dma_wait3A_50 : memref<1x80xi32, #tpu.memory_space<vmem>> -> memref<80xi32, #tpu.memory_space<vmem>>
    %dma_wait3A_52 = arith.constant 0 : i32
    %dma_wait3A_53 = arith.constant 0 : i32
    %dma_wait3A_54 = tpu.memref_slice %arg2[%dma_wait3A_52, %dma_wait3A_53] : memref<10000x128xf32, #tpu.memory_space<hbm>> -> memref<10000x128xf32, #tpu.memory_space<hbm>>
    tpu.wait_indirect_dma semaphore(%arg18 : memref<!tpu.dma_semaphore, #tpu.memory_space<semaphore_mem>>) src(%dma_wait3A_54 : memref<10000x128xf32, #tpu.memory_space<hbm>>) dst(%arg9 : memref<80x128xf32, #tpu.memory_space<vmem>>)
    %dma_wait3A_55 = arith.constant 123 : i32
    %dma_wait3A_56 = arith.constant 0 : i32
    %dma_wait3A_57 = tpu.memref_slice %arg8[%dma_wait3A_55, %dma_wait3A_56] : memref<125x80xi32, #tpu.memory_space<vmem>> -> memref<1x80xi32, #tpu.memory_space<vmem>>
    %dma_wait3A_58 = tpu.memref_squeeze %dma_wait3A_57 : memref<1x80xi32, #tpu.memory_space<vmem>> -> memref<80xi32, #tpu.memory_space<vmem>>
    %dma_wait3A_59 = arith.constant 0 : i32
    %dma_wait3A_60 = arith.constant 0 : i32
    %dma_wait3A_61 = tpu.memref_slice %arg3[%dma_wait3A_59, %dma_wait3A_60] : memref<10000x128xf32, #tpu.memory_space<hbm>> -> memref<10000x128xf32, #tpu.memory_space<hbm>>
    tpu.wait_indirect_dma semaphore(%arg19 : memref<!tpu.dma_semaphore, #tpu.memory_space<semaphore_mem>>) src(%dma_wait3A_61 : memref<10000x128xf32, #tpu.memory_space<hbm>>) dst(%arg10 : memref<80x128xf32, #tpu.memory_space<vmem>>)
    %add3A_62 = arith.constant 9840 : i32
    %add3A_63 = arith.addi %mul3A_2, %add3A_62 : i32
    %multiple_of3A = tpu.assume_multiple %add3A_63, 8 : i32
    %dma_wait3A_64 = arith.constant 0 : i32
    %dma_wait3A_65 = tpu.memref_slice %arg6[%multiple_of3A, %dma_wait3A_64] : memref<320000x128xf32, #tpu.memory_space<hbm>> -> memref<80x128xf32, #tpu.memory_space<hbm>>
    %dma_wait3A_66 = arith.constant 0 : i32
    %dma_wait3A_67 = tpu.memref_slice %arg6[%multiple_of3A, %dma_wait3A_66] : memref<320000x128xf32, #tpu.memory_space<hbm>> -> memref<80x128xf32, #tpu.memory_space<hbm>>
    tpu.wait_dma2 semaphore(%arg24 : memref<!tpu.dma_semaphore, #tpu.memory_space<semaphore_mem>>) src(%arg15 : memref<80x128xf32, #tpu.memory_space<vmem>>) dst(%dma_wait3A_67 : memref<80x128xf32, #tpu.memory_space<hbm>>)
    %parallel_loop3A = arith.constant 0 : i32
    %parallel_loop3A_68 = arith.constant 80 : i32
    %parallel_loop3A_69 = arith.constant 1 : i32
    scf.for %parallel_loop3A_115 = %parallel_loop3A to %parallel_loop3A_68 step %parallel_loop3A_69  : i32 {
      %parallel_loop3A_116 = arith.index_cast %parallel_loop3A_115 : i32 to index
      %parallel_loop3A_117 = arith.constant 0 : index
      %parallel_loop3A_118 = tpu.vector_load %arg9[%parallel_loop3A_116, %parallel_loop3A_117] {strides = array<i32>} : memref<80x128xf32, #tpu.memory_space<vmem>>, vector<1x16xf32>,
      %parallel_loop3A_119 = vector.shape_cast %parallel_loop3A_118 : vector<1x16xf32> to vector<16xf32>
      %parallel_loop3A_120 = arith.index_cast %parallel_loop3A_115 : i32 to index
      %parallel_loop3A_121 = arith.constant 0 : index
      %parallel_loop3A_122 = tpu.vector_load %arg10[%parallel_loop3A_120, %parallel_loop3A_121] {strides = array<i32>} : memref<80x128xf32, #tpu.memory_space<vmem>>, vector<1x16xf32>,
      %parallel_loop3A_123 = vector.shape_cast %parallel_loop3A_122 : vector<1x16xf32> to vector<16xf32>
      %parallel_loop3A_124 = arith.addf %parallel_loop3A_119, %parallel_loop3A_123 : vector<16xf32>
      %parallel_loop3A_125 = arith.index_cast %parallel_loop3A_115 : i32 to index
      %parallel_loop3A_126 = arith.constant 0 : index
      %parallel_loop3A_127 = tpu.vector_load %arg15[%parallel_loop3A_125, %parallel_loop3A_126] {strides = array<i32>} : memref<80x128xf32, #tpu.memory_space<vmem>>, vector<1x16xf32>,
      %parallel_loop3A_128 = vector.shape_cast %parallel_loop3A_127 : vector<1x16xf32> to vector<16xf32>
      %parallel_loop3A_129 = vector.shape_cast %parallel_loop3A_124 : vector<16xf32> to vector<1x16xf32>
      tpu.vector_store %arg15[%parallel_loop3A_125, %parallel_loop3A_126], %parallel_loop3A_129 {strides = array<i32>} : memref<80x128xf32, #tpu.memory_space<vmem>>, vector<1x16xf32>,
      %parallel_loop3A_130 = arith.index_cast %parallel_loop3A_115 : i32 to index
      %parallel_loop3A_131 = arith.constant 16 : index
      %parallel_loop3A_132 = tpu.vector_load %arg9[%parallel_loop3A_130, %parallel_loop3A_131] {strides = array<i32>} : memref<80x128xf32, #tpu.memory_space<vmem>>, vector<1x16xf32>,
      %parallel_loop3A_133 = vector.shape_cast %parallel_loop3A_132 : vector<1x16xf32> to vector<16xf32>
      %parallel_loop3A_134 = arith.index_cast %parallel_loop3A_115 : i32 to index
      %parallel_loop3A_135 = arith.constant 16 : index
      %parallel_loop3A_136 = tpu.vector_load %arg10[%parallel_loop3A_134, %parallel_loop3A_135] {strides = array<i32>} : memref<80x128xf32, #tpu.memory_space<vmem>>, vector<1x16xf32>,
      %parallel_loop3A_137 = vector.shape_cast %parallel_loop3A_136 : vector<1x16xf32> to vector<16xf32>
      %parallel_loop3A_138 = arith.addf %parallel_loop3A_133, %parallel_loop3A_137 : vector<16xf32>
      %parallel_loop3A_139 = arith.index_cast %parallel_loop3A_115 : i32 to index
      %parallel_loop3A_140 = arith.constant 16 : index
      %parallel_loop3A_141 = tpu.vector_load %arg15[%parallel_loop3A_139, %parallel_loop3A_140] {strides = array<i32>} : memref<80x128xf32, #tpu.memory_space<vmem>>, vector<1x16xf32>,
      %parallel_loop3A_142 = vector.shape_cast %parallel_loop3A_141 : vector<1x16xf32> to vector<16xf32>
      %parallel_loop3A_143 = vector.shape_cast %parallel_loop3A_138 : vector<16xf32> to vector<1x16xf32>
      tpu.vector_store %arg15[%parallel_loop3A_139, %parallel_loop3A_140], %parallel_loop3A_143 {strides = array<i32>} : memref<80x128xf32, #tpu.memory_space<vmem>>, vector<1x16xf32>,
      %parallel_loop3A_144 = arith.index_cast %parallel_loop3A_115 : i32 to index
      %parallel_loop3A_145 = arith.constant 32 : index
      %parallel_loop3A_146 = tpu.vector_load %arg9[%parallel_loop3A_144, %parallel_loop3A_145] {strides = array<i32>} : memref<80x128xf32, #tpu.memory_space<vmem>>, vector<1x16xf32>,
      %parallel_loop3A_147 = vector.shape_cast %parallel_loop3A_146 : vector<1x16xf32> to vector<16xf32>
      %parallel_loop3A_148 = arith.index_cast %parallel_loop3A_115 : i32 to index
      %parallel_loop3A_149 = arith.constant 32 : index
      %parallel_loop3A_150 = tpu.vector_load %arg10[%parallel_loop3A_148, %parallel_loop3A_149] {strides = array<i32>} : memref<80x128xf32, #tpu.memory_space<vmem>>, vector<1x16xf32>,
      %parallel_loop3A_151 = vector.shape_cast %parallel_loop3A_150 : vector<1x16xf32> to vector<16xf32>
      %parallel_loop3A_152 = arith.addf %parallel_loop3A_147, %parallel_loop3A_151 : vector<16xf32>
      %parallel_loop3A_153 = arith.index_cast %parallel_loop3A_115 : i32 to index
      %parallel_loop3A_154 = arith.constant 32 : index
      %parallel_loop3A_155 = tpu.vector_load %arg15[%parallel_loop3A_153, %parallel_loop3A_154] {strides = array<i32>} : memref<80x128xf32, #tpu.memory_space<vmem>>, vector<1x16xf32>,
      %parallel_loop3A_156 = vector.shape_cast %parallel_loop3A_155 : vector<1x16xf32> to vector<16xf32>
      %parallel_loop3A_157 = vector.shape_cast %parallel_loop3A_152 : vector<16xf32> to vector<1x16xf32>
      tpu.vector_store %arg15[%parallel_loop3A_153, %parallel_loop3A_154], %parallel_loop3A_157 {strides = array<i32>} : memref<80x128xf32, #tpu.memory_space<vmem>>, vector<1x16xf32>,
      %parallel_loop3A_158 = arith.index_cast %parallel_loop3A_115 : i32 to index
      %parallel_loop3A_159 = arith.constant 48 : index
      %parallel_loop3A_160 = tpu.vector_load %arg9[%parallel_loop3A_158, %parallel_loop3A_159] {strides = array<i32>} : memref<80x128xf32, #tpu.memory_space<vmem>>, vector<1x16xf32>,
      %parallel_loop3A_161 = vector.shape_cast %parallel_loop3A_160 : vector<1x16xf32> to vector<16xf32>
      %parallel_loop3A_162 = arith.index_cast %parallel_loop3A_115 : i32 to index
      %parallel_loop3A_163 = arith.constant 48 : index
      %parallel_loop3A_164 = tpu.vector_load %arg10[%parallel_loop3A_162, %parallel_loop3A_163] {strides = array<i32>} : memref<80x128xf32, #tpu.memory_space<vmem>>, vector<1x16xf32>,
      %parallel_loop3A_165 = vector.shape_cast %parallel_loop3A_164 : vector<1x16xf32> to vector<16xf32>
      %parallel_loop3A_166 = arith.addf %parallel_loop3A_161, %parallel_loop3A_165 : vector<16xf32>
      %parallel_loop3A_167 = arith.index_cast %parallel_loop3A_115 : i32 to index
      %parallel_loop3A_168 = arith.constant 48 : index
      %parallel_loop3A_169 = tpu.vector_load %arg15[%parallel_loop3A_167, %parallel_loop3A_168] {strides = array<i32>} : memref<80x128xf32, #tpu.memory_space<vmem>>, vector<1x16xf32>,
      %parallel_loop3A_170 = vector.shape_cast %parallel_loop3A_169 : vector<1x16xf32> to vector<16xf32>
      %parallel_loop3A_171 = vector.shape_cast %parallel_loop3A_166 : vector<16xf32> to vector<1x16xf32>
      tpu.vector_store %arg15[%parallel_loop3A_167, %parallel_loop3A_168], %parallel_loop3A_171 {strides = array<i32>} : memref<80x128xf32, #tpu.memory_space<vmem>>, vector<1x16xf32>,
      %parallel_loop3A_172 = arith.index_cast %parallel_loop3A_115 : i32 to index
      %parallel_loop3A_173 = arith.constant 64 : index
      %parallel_loop3A_174 = tpu.vector_load %arg9[%parallel_loop3A_172, %parallel_loop3A_173] {strides = array<i32>} : memref<80x128xf32, #tpu.memory_space<vmem>>, vector<1x16xf32>,
      %parallel_loop3A_175 = vector.shape_cast %parallel_loop3A_174 : vector<1x16xf32> to vector<16xf32>
      %parallel_loop3A_176 = arith.index_cast %parallel_loop3A_115 : i32 to index
      %parallel_loop3A_177 = arith.constant 64 : index
      %parallel_loop3A_178 = tpu.vector_load %arg10[%parallel_loop3A_176, %parallel_loop3A_177] {strides = array<i32>} : memref<80x128xf32, #tpu.memory_space<vmem>>, vector<1x16xf32>,
      %parallel_loop3A_179 = vector.shape_cast %parallel_loop3A_178 : vector<1x16xf32> to vector<16xf32>
      %parallel_loop3A_180 = arith.addf %parallel_loop3A_175, %parallel_loop3A_179 : vector<16xf32>
      %parallel_loop3A_181 = arith.index_cast %parallel_loop3A_115 : i32 to index
      %parallel_loop3A_182 = arith.constant 64 : index
      %parallel_loop3A_183 = tpu.vector_load %arg15[%parallel_loop3A_181, %parallel_loop3A_182] {strides = array<i32>} : memref<80x128xf32, #tpu.memory_space<vmem>>, vector<1x16xf32>,
      %parallel_loop3A_184 = vector.shape_cast %parallel_loop3A_183 : vector<1x16xf32> to vector<16xf32>
      %parallel_loop3A_185 = vector.shape_cast %parallel_loop3A_180 : vector<16xf32> to vector<1x16xf32>
      tpu.vector_store %arg15[%parallel_loop3A_181, %parallel_loop3A_182], %parallel_loop3A_185 {strides = array<i32>} : memref<80x128xf32, #tpu.memory_space<vmem>>, vector<1x16xf32>,
      %parallel_loop3A_186 = arith.index_cast %parallel_loop3A_115 : i32 to index
      %parallel_loop3A_187 = arith.constant 80 : index
      %parallel_loop3A_188 = tpu.vector_load %arg9[%parallel_loop3A_186, %parallel_loop3A_187] {strides = array<i32>} : memref<80x128xf32, #tpu.memory_space<vmem>>, vector<1x16xf32>,
      %parallel_loop3A_189 = vector.shape_cast %parallel_loop3A_188 : vector<1x16xf32> to vector<16xf32>
      %parallel_loop3A_190 = arith.index_cast %parallel_loop3A_115 : i32 to index
      %parallel_loop3A_191 = arith.constant 80 : index
      %parallel_loop3A_192 = tpu.vector_load %arg10[%parallel_loop3A_190, %parallel_loop3A_191] {strides = array<i32>} : memref<80x128xf32, #tpu.memory_space<vmem>>, vector<1x16xf32>,
      %parallel_loop3A_193 = vector.shape_cast %parallel_loop3A_192 : vector<1x16xf32> to vector<16xf32>
      %parallel_loop3A_194 = arith.addf %parallel_loop3A_189, %parallel_loop3A_193 : vector<16xf32>
      %parallel_loop3A_195 = arith.index_cast %parallel_loop3A_115 : i32 to index
      %parallel_loop3A_196 = arith.constant 80 : index
      %parallel_loop3A_197 = tpu.vector_load %arg15[%parallel_loop3A_195, %parallel_loop3A_196] {strides = array<i32>} : memref<80x128xf32, #tpu.memory_space<vmem>>, vector<1x16xf32>,
      %parallel_loop3A_198 = vector.shape_cast %parallel_loop3A_197 : vector<1x16xf32> to vector<16xf32>
      %parallel_loop3A_199 = vector.shape_cast %parallel_loop3A_194 : vector<16xf32> to vector<1x16xf32>
      tpu.vector_store %arg15[%parallel_loop3A_195, %parallel_loop3A_196], %parallel_loop3A_199 {strides = array<i32>} : memref<80x128xf32, #tpu.memory_space<vmem>>, vector<1x16xf32>,
      %parallel_loop3A_200 = arith.index_cast %parallel_loop3A_115 : i32 to index
      %parallel_loop3A_201 = arith.constant 96 : index
      %parallel_loop3A_202 = tpu.vector_load %arg9[%parallel_loop3A_200, %parallel_loop3A_201] {strides = array<i32>} : memref<80x128xf32, #tpu.memory_space<vmem>>, vector<1x16xf32>,
      %parallel_loop3A_203 = vector.shape_cast %parallel_loop3A_202 : vector<1x16xf32> to vector<16xf32>
      %parallel_loop3A_204 = arith.index_cast %parallel_loop3A_115 : i32 to index
      %parallel_loop3A_205 = arith.constant 96 : index
      %parallel_loop3A_206 = tpu.vector_load %arg10[%parallel_loop3A_204, %parallel_loop3A_205] {strides = array<i32>} : memref<80x128xf32, #tpu.memory_space<vmem>>, vector<1x16xf32>,
      %parallel_loop3A_207 = vector.shape_cast %parallel_loop3A_206 : vector<1x16xf32> to vector<16xf32>
      %parallel_loop3A_208 = arith.addf %parallel_loop3A_203, %parallel_loop3A_207 : vector<16xf32>
      %parallel_loop3A_209 = arith.index_cast %parallel_loop3A_115 : i32 to index
      %parallel_loop3A_210 = arith.constant 96 : index
      %parallel_loop3A_211 = tpu.vector_load %arg15[%parallel_loop3A_209, %parallel_loop3A_210] {strides = array<i32>} : memref<80x128xf32, #tpu.memory_space<vmem>>, vector<1x16xf32>,
      %parallel_loop3A_212 = vector.shape_cast %parallel_loop3A_211 : vector<1x16xf32> to vector<16xf32>
      %parallel_loop3A_213 = vector.shape_cast %parallel_loop3A_208 : vector<16xf32> to vector<1x16xf32>
      tpu.vector_store %arg15[%parallel_loop3A_209, %parallel_loop3A_210], %parallel_loop3A_213 {strides = array<i32>} : memref<80x128xf32, #tpu.memory_space<vmem>>, vector<1x16xf32>,
      %parallel_loop3A_214 = arith.index_cast %parallel_loop3A_115 : i32 to index
      %parallel_loop3A_215 = arith.constant 112 : index
      %parallel_loop3A_216 = tpu.vector_load %arg9[%parallel_loop3A_214, %parallel_loop3A_215] {strides = array<i32>} : memref<80x128xf32, #tpu.memory_space<vmem>>, vector<1x16xf32>,
      %parallel_loop3A_217 = vector.shape_cast %parallel_loop3A_216 : vector<1x16xf32> to vector<16xf32>
      %parallel_loop3A_218 = arith.index_cast %parallel_loop3A_115 : i32 to index
      %parallel_loop3A_219 = arith.constant 112 : index
      %parallel_loop3A_220 = tpu.vector_load %arg10[%parallel_loop3A_218, %parallel_loop3A_219] {strides = array<i32>} : memref<80x128xf32, #tpu.memory_space<vmem>>, vector<1x16xf32>,
      %parallel_loop3A_221 = vector.shape_cast %parallel_loop3A_220 : vector<1x16xf32> to vector<16xf32>
      %parallel_loop3A_222 = arith.addf %parallel_loop3A_217, %parallel_loop3A_221 : vector<16xf32>
      %parallel_loop3A_223 = arith.index_cast %parallel_loop3A_115 : i32 to index
      %parallel_loop3A_224 = arith.constant 112 : index
      %parallel_loop3A_225 = tpu.vector_load %arg15[%parallel_loop3A_223, %parallel_loop3A_224] {strides = array<i32>} : memref<80x128xf32, #tpu.memory_space<vmem>>, vector<1x16xf32>,
      %parallel_loop3A_226 = vector.shape_cast %parallel_loop3A_225 : vector<1x16xf32> to vector<16xf32>
      %parallel_loop3A_227 = vector.shape_cast %parallel_loop3A_222 : vector<16xf32> to vector<1x16xf32>
      tpu.vector_store %arg15[%parallel_loop3A_223, %parallel_loop3A_224], %parallel_loop3A_227 {strides = array<i32>} : memref<80x128xf32, #tpu.memory_space<vmem>>, vector<1x16xf32>,
    } {sc.loop_unroll_factor = 4 : i64, sc.parallel_access}
    %dma_start3A_70 = arith.constant 0 : i32
    %dma_start3A_71 = tpu.memref_slice %arg6[%multiple_of3A, %dma_start3A_70] : memref<320000x128xf32, #tpu.memory_space<hbm>> -> memref<80x128xf32, #tpu.memory_space<hbm>>
    %dma_start3A_72 = arith.constant 0 : i32
    %dma_start3A_73 = tpu.memref_slice %arg6[%multiple_of3A, %dma_start3A_72] : memref<320000x128xf32, #tpu.memory_space<hbm>> -> memref<80x128xf32, #tpu.memory_space<hbm>>
    tpu.enqueue_dma source(%arg15 : memref<80x128xf32, #tpu.memory_space<vmem>>) target(%dma_start3A_73 : memref<80x128xf32, #tpu.memory_space<hbm>>) target_semaphore(%arg24 : memref<!tpu.dma_semaphore, #tpu.memory_space<semaphore_mem>>)
    %dma_wait3A_74 = arith.constant 124 : i32
    %dma_wait3A_75 = arith.constant 0 : i32
    %dma_wait3A_76 = tpu.memref_slice %arg7[%dma_wait3A_74, %dma_wait3A_75] : memref<125x80xi32, #tpu.memory_space<vmem>> -> memref<1x80xi32, #tpu.memory_space<vmem>>
    %dma_wait3A_77 = tpu.memref_squeeze %dma_wait3A_76 : memref<1x80xi32, #tpu.memory_space<vmem>> -> memref<80xi32, #tpu.memory_space<vmem>>
    %dma_wait3A_78 = arith.constant 0 : i32
    %dma_wait3A_79 = arith.constant 0 : i32
    %dma_wait3A_80 = tpu.memref_slice %arg2[%dma_wait3A_78, %dma_wait3A_79] : memref<10000x128xf32, #tpu.memory_space<hbm>> -> memref<10000x128xf32, #tpu.memory_space<hbm>>
    tpu.wait_indirect_dma semaphore(%arg20 : memref<!tpu.dma_semaphore, #tpu.memory_space<semaphore_mem>>) src(%dma_wait3A_80 : memref<10000x128xf32, #tpu.memory_space<hbm>>) dst(%arg11 : memref<80x128xf32, #tpu.memory_space<vmem>>)
    %dma_wait3A_81 = arith.constant 124 : i32
    %dma_wait3A_82 = arith.constant 0 : i32
    %dma_wait3A_83 = tpu.memref_slice %arg8[%dma_wait3A_81, %dma_wait3A_82] : memref<125x80xi32, #tpu.memory_space<vmem>> -> memref<1x80xi32, #tpu.memory_space<vmem>>
    %dma_wait3A_84 = tpu.memref_squeeze %dma_wait3A_83 : memref<1x80xi32, #tpu.memory_space<vmem>> -> memref<80xi32, #tpu.memory_space<vmem>>
    %dma_wait3A_85 = arith.constant 0 : i32
    %dma_wait3A_86 = arith.constant 0 : i32
    %dma_wait3A_87 = tpu.memref_slice %arg3[%dma_wait3A_85, %dma_wait3A_86] : memref<10000x128xf32, #tpu.memory_space<hbm>> -> memref<10000x128xf32, #tpu.memory_space<hbm>>
    tpu.wait_indirect_dma semaphore(%arg21 : memref<!tpu.dma_semaphore, #tpu.memory_space<semaphore_mem>>) src(%dma_wait3A_87 : memref<10000x128xf32, #tpu.memory_space<hbm>>) dst(%arg12 : memref<80x128xf32, #tpu.memory_space<vmem>>)
    %add3A_88 = arith.constant 9920 : i32
    %add3A_89 = arith.addi %mul3A_2, %add3A_88 : i32
    %multiple_of3A_90 = tpu.assume_multiple %add3A_89, 8 : i32
    %dma_wait3A_91 = arith.constant 0 : i32
    %dma_wait3A_92 = tpu.memref_slice %arg6[%multiple_of3A_90, %dma_wait3A_91] : memref<320000x128xf32, #tpu.memory_space<hbm>> -> memref<80x128xf32, #tpu.memory_space<hbm>>
    %dma_wait3A_93 = arith.constant 0 : i32
    %dma_wait3A_94 = tpu.memref_slice %arg6[%multiple_of3A_90, %dma_wait3A_93] : memref<320000x128xf32, #tpu.memory_space<hbm>> -> memref<80x128xf32, #tpu.memory_space<hbm>>
    tpu.wait_dma2 semaphore(%arg25 : memref<!tpu.dma_semaphore, #tpu.memory_space<semaphore_mem>>) src(%arg16 : memref<80x128xf32, #tpu.memory_space<vmem>>) dst(%dma_wait3A_94 : memref<80x128xf32, #tpu.memory_space<hbm>>)
    %parallel_loop3A_95 = arith.constant 0 : i32
    %parallel_loop3A_96 = arith.constant 80 : i32
    %parallel_loop3A_97 = arith.constant 1 : i32
    scf.for %parallel_loop3A_115 = %parallel_loop3A_95 to %parallel_loop3A_96 step %parallel_loop3A_97  : i32 {
      %parallel_loop3A_116 = arith.index_cast %parallel_loop3A_115 : i32 to index
      %parallel_loop3A_117 = arith.constant 0 : index
      %parallel_loop3A_118 = tpu.vector_load %arg11[%parallel_loop3A_116, %parallel_loop3A_117] {strides = array<i32>} : memref<80x128xf32, #tpu.memory_space<vmem>>, vector<1x16xf32>,
      %parallel_loop3A_119 = vector.shape_cast %parallel_loop3A_118 : vector<1x16xf32> to vector<16xf32>
      %parallel_loop3A_120 = arith.index_cast %parallel_loop3A_115 : i32 to index
      %parallel_loop3A_121 = arith.constant 0 : index
      %parallel_loop3A_122 = tpu.vector_load %arg12[%parallel_loop3A_120, %parallel_loop3A_121] {strides = array<i32>} : memref<80x128xf32, #tpu.memory_space<vmem>>, vector<1x16xf32>,
      %parallel_loop3A_123 = vector.shape_cast %parallel_loop3A_122 : vector<1x16xf32> to vector<16xf32>
      %parallel_loop3A_124 = arith.addf %parallel_loop3A_119, %parallel_loop3A_123 : vector<16xf32>
      %parallel_loop3A_125 = arith.index_cast %parallel_loop3A_115 : i32 to index
      %parallel_loop3A_126 = arith.constant 0 : index
      %parallel_loop3A_127 = tpu.vector_load %arg16[%parallel_loop3A_125, %parallel_loop3A_126] {strides = array<i32>} : memref<80x128xf32, #tpu.memory_space<vmem>>, vector<1x16xf32>,
      %parallel_loop3A_128 = vector.shape_cast %parallel_loop3A_127 : vector<1x16xf32> to vector<16xf32>
      %parallel_loop3A_129 = vector.shape_cast %parallel_loop3A_124 : vector<16xf32> to vector<1x16xf32>
      tpu.vector_store %arg16[%parallel_loop3A_125, %parallel_loop3A_126], %parallel_loop3A_129 {strides = array<i32>} : memref<80x128xf32, #tpu.memory_space<vmem>>, vector<1x16xf32>,
      %parallel_loop3A_130 = arith.index_cast %parallel_loop3A_115 : i32 to index
      %parallel_loop3A_131 = arith.constant 16 : index
      %parallel_loop3A_132 = tpu.vector_load %arg11[%parallel_loop3A_130, %parallel_loop3A_131] {strides = array<i32>} : memref<80x128xf32, #tpu.memory_space<vmem>>, vector<1x16xf32>,
      %parallel_loop3A_133 = vector.shape_cast %parallel_loop3A_132 : vector<1x16xf32> to vector<16xf32>
      %parallel_loop3A_134 = arith.index_cast %parallel_loop3A_115 : i32 to index
      %parallel_loop3A_135 = arith.constant 16 : index
      %parallel_loop3A_136 = tpu.vector_load %arg12[%parallel_loop3A_134, %parallel_loop3A_135] {strides = array<i32>} : memref<80x128xf32, #tpu.memory_space<vmem>>, vector<1x16xf32>,
      %parallel_loop3A_137 = vector.shape_cast %parallel_loop3A_136 : vector<1x16xf32> to vector<16xf32>
      %parallel_loop3A_138 = arith.addf %parallel_loop3A_133, %parallel_loop3A_137 : vector<16xf32>
      %parallel_loop3A_139 = arith.index_cast %parallel_loop3A_115 : i32 to index
      %parallel_loop3A_140 = arith.constant 16 : index
      %parallel_loop3A_141 = tpu.vector_load %arg16[%parallel_loop3A_139, %parallel_loop3A_140] {strides = array<i32>} : memref<80x128xf32, #tpu.memory_space<vmem>>, vector<1x16xf32>,
      %parallel_loop3A_142 = vector.shape_cast %parallel_loop3A_141 : vector<1x16xf32> to vector<16xf32>
      %parallel_loop3A_143 = vector.shape_cast %parallel_loop3A_138 : vector<16xf32> to vector<1x16xf32>
      tpu.vector_store %arg16[%parallel_loop3A_139, %parallel_loop3A_140], %parallel_loop3A_143 {strides = array<i32>} : memref<80x128xf32, #tpu.memory_space<vmem>>, vector<1x16xf32>,
      %parallel_loop3A_144 = arith.index_cast %parallel_loop3A_115 : i32 to index
      %parallel_loop3A_145 = arith.constant 32 : index
      %parallel_loop3A_146 = tpu.vector_load %arg11[%parallel_loop3A_144, %parallel_loop3A_145] {strides = array<i32>} : memref<80x128xf32, #tpu.memory_space<vmem>>, vector<1x16xf32>,
      %parallel_loop3A_147 = vector.shape_cast %parallel_loop3A_146 : vector<1x16xf32> to vector<16xf32>
      %parallel_loop3A_148 = arith.index_cast %parallel_loop3A_115 : i32 to index
      %parallel_loop3A_149 = arith.constant 32 : index
      %parallel_loop3A_150 = tpu.vector_load %arg12[%parallel_loop3A_148, %parallel_loop3A_149] {strides = array<i32>} : memref<80x128xf32, #tpu.memory_space<vmem>>, vector<1x16xf32>,
      %parallel_loop3A_151 = vector.shape_cast %parallel_loop3A_150 : vector<1x16xf32> to vector<16xf32>
      %parallel_loop3A_152 = arith.addf %parallel_loop3A_147, %parallel_loop3A_151 : vector<16xf32>
      %parallel_loop3A_153 = arith.index_cast %parallel_loop3A_115 : i32 to index
      %parallel_loop3A_154 = arith.constant 32 : index
      %parallel_loop3A_155 = tpu.vector_load %arg16[%parallel_loop3A_153, %parallel_loop3A_154] {strides = array<i32>} : memref<80x128xf32, #tpu.memory_space<vmem>>, vector<1x16xf32>,
      %parallel_loop3A_156 = vector.shape_cast %parallel_loop3A_155 : vector<1x16xf32> to vector<16xf32>
      %parallel_loop3A_157 = vector.shape_cast %parallel_loop3A_152 : vector<16xf32> to vector<1x16xf32>
      tpu.vector_store %arg16[%parallel_loop3A_153, %parallel_loop3A_154], %parallel_loop3A_157 {strides = array<i32>} : memref<80x128xf32, #tpu.memory_space<vmem>>, vector<1x16xf32>,
      %parallel_loop3A_158 = arith.index_cast %parallel_loop3A_115 : i32 to index
      %parallel_loop3A_159 = arith.constant 48 : index
      %parallel_loop3A_160 = tpu.vector_load %arg11[%parallel_loop3A_158, %parallel_loop3A_159] {strides = array<i32>} : memref<80x128xf32, #tpu.memory_space<vmem>>, vector<1x16xf32>,
      %parallel_loop3A_161 = vector.shape_cast %parallel_loop3A_160 : vector<1x16xf32> to vector<16xf32>
      %parallel_loop3A_162 = arith.index_cast %parallel_loop3A_115 : i32 to index
      %parallel_loop3A_163 = arith.constant 48 : index
      %parallel_loop3A_164 = tpu.vector_load %arg12[%parallel_loop3A_162, %parallel_loop3A_163] {strides = array<i32>} : memref<80x128xf32, #tpu.memory_space<vmem>>, vector<1x16xf32>,
      %parallel_loop3A_165 = vector.shape_cast %parallel_loop3A_164 : vector<1x16xf32> to vector<16xf32>
      %parallel_loop3A_166 = arith.addf %parallel_loop3A_161, %parallel_loop3A_165 : vector<16xf32>
      %parallel_loop3A_167 = arith.index_cast %parallel_loop3A_115 : i32 to index
      %parallel_loop3A_168 = arith.constant 48 : index
      %parallel_loop3A_169 = tpu.vector_load %arg16[%parallel_loop3A_167, %parallel_loop3A_168] {strides = array<i32>} : memref<80x128xf32, #tpu.memory_space<vmem>>, vector<1x16xf32>,
      %parallel_loop3A_170 = vector.shape_cast %parallel_loop3A_169 : vector<1x16xf32> to vector<16xf32>
      %parallel_loop3A_171 = vector.shape_cast %parallel_loop3A_166 : vector<16xf32> to vector<1x16xf32>
      tpu.vector_store %arg16[%parallel_loop3A_167, %parallel_loop3A_168], %parallel_loop3A_171 {strides = array<i32>} : memref<80x128xf32, #tpu.memory_space<vmem>>, vector<1x16xf32>,
      %parallel_loop3A_172 = arith.index_cast %parallel_loop3A_115 : i32 to index
      %parallel_loop3A_173 = arith.constant 64 : index
      %parallel_loop3A_174 = tpu.vector_load %arg11[%parallel_loop3A_172, %parallel_loop3A_173] {strides = array<i32>} : memref<80x128xf32, #tpu.memory_space<vmem>>, vector<1x16xf32>,
      %parallel_loop3A_175 = vector.shape_cast %parallel_loop3A_174 : vector<1x16xf32> to vector<16xf32>
      %parallel_loop3A_176 = arith.index_cast %parallel_loop3A_115 : i32 to index
      %parallel_loop3A_177 = arith.constant 64 : index
      %parallel_loop3A_178 = tpu.vector_load %arg12[%parallel_loop3A_176, %parallel_loop3A_177] {strides = array<i32>} : memref<80x128xf32, #tpu.memory_space<vmem>>, vector<1x16xf32>,
      %parallel_loop3A_179 = vector.shape_cast %parallel_loop3A_178 : vector<1x16xf32> to vector<16xf32>
      %parallel_loop3A_180 = arith.addf %parallel_loop3A_175, %parallel_loop3A_179 : vector<16xf32>
      %parallel_loop3A_181 = arith.index_cast %parallel_loop3A_115 : i32 to index
      %parallel_loop3A_182 = arith.constant 64 : index
      %parallel_loop3A_183 = tpu.vector_load %arg16[%parallel_loop3A_181, %parallel_loop3A_182] {strides = array<i32>} : memref<80x128xf32, #tpu.memory_space<vmem>>, vector<1x16xf32>,
      %parallel_loop3A_184 = vector.shape_cast %parallel_loop3A_183 : vector<1x16xf32> to vector<16xf32>
      %parallel_loop3A_185 = vector.shape_cast %parallel_loop3A_180 : vector<16xf32> to vector<1x16xf32>
      tpu.vector_store %arg16[%parallel_loop3A_181, %parallel_loop3A_182], %parallel_loop3A_185 {strides = array<i32>} : memref<80x128xf32, #tpu.memory_space<vmem>>, vector<1x16xf32>,
      %parallel_loop3A_186 = arith.index_cast %parallel_loop3A_115 : i32 to index
      %parallel_loop3A_187 = arith.constant 80 : index
      %parallel_loop3A_188 = tpu.vector_load %arg11[%parallel_loop3A_186, %parallel_loop3A_187] {strides = array<i32>} : memref<80x128xf32, #tpu.memory_space<vmem>>, vector<1x16xf32>,
      %parallel_loop3A_189 = vector.shape_cast %parallel_loop3A_188 : vector<1x16xf32> to vector<16xf32>
      %parallel_loop3A_190 = arith.index_cast %parallel_loop3A_115 : i32 to index
      %parallel_loop3A_191 = arith.constant 80 : index
      %parallel_loop3A_192 = tpu.vector_load %arg12[%parallel_loop3A_190, %parallel_loop3A_191] {strides = array<i32>} : memref<80x128xf32, #tpu.memory_space<vmem>>, vector<1x16xf32>,
      %parallel_loop3A_193 = vector.shape_cast %parallel_loop3A_192 : vector<1x16xf32> to vector<16xf32>
      %parallel_loop3A_194 = arith.addf %parallel_loop3A_189, %parallel_loop3A_193 : vector<16xf32>
      %parallel_loop3A_195 = arith.index_cast %parallel_loop3A_115 : i32 to index
      %parallel_loop3A_196 = arith.constant 80 : index
      %parallel_loop3A_197 = tpu.vector_load %arg16[%parallel_loop3A_195, %parallel_loop3A_196] {strides = array<i32>} : memref<80x128xf32, #tpu.memory_space<vmem>>, vector<1x16xf32>,
      %parallel_loop3A_198 = vector.shape_cast %parallel_loop3A_197 : vector<1x16xf32> to vector<16xf32>
      %parallel_loop3A_199 = vector.shape_cast %parallel_loop3A_194 : vector<16xf32> to vector<1x16xf32>
      tpu.vector_store %arg16[%parallel_loop3A_195, %parallel_loop3A_196], %parallel_loop3A_199 {strides = array<i32>} : memref<80x128xf32, #tpu.memory_space<vmem>>, vector<1x16xf32>,
      %parallel_loop3A_200 = arith.index_cast %parallel_loop3A_115 : i32 to index
      %parallel_loop3A_201 = arith.constant 96 : index
      %parallel_loop3A_202 = tpu.vector_load %arg11[%parallel_loop3A_200, %parallel_loop3A_201] {strides = array<i32>} : memref<80x128xf32, #tpu.memory_space<vmem>>, vector<1x16xf32>,
      %parallel_loop3A_203 = vector.shape_cast %parallel_loop3A_202 : vector<1x16xf32> to vector<16xf32>
      %parallel_loop3A_204 = arith.index_cast %parallel_loop3A_115 : i32 to index
      %parallel_loop3A_205 = arith.constant 96 : index
      %parallel_loop3A_206 = tpu.vector_load %arg12[%parallel_loop3A_204, %parallel_loop3A_205] {strides = array<i32>} : memref<80x128xf32, #tpu.memory_space<vmem>>, vector<1x16xf32>,
      %parallel_loop3A_207 = vector.shape_cast %parallel_loop3A_206 : vector<1x16xf32> to vector<16xf32>
      %parallel_loop3A_208 = arith.addf %parallel_loop3A_203, %parallel_loop3A_207 : vector<16xf32>
      %parallel_loop3A_209 = arith.index_cast %parallel_loop3A_115 : i32 to index
      %parallel_loop3A_210 = arith.constant 96 : index
      %parallel_loop3A_211 = tpu.vector_load %arg16[%parallel_loop3A_209, %parallel_loop3A_210] {strides = array<i32>} : memref<80x128xf32, #tpu.memory_space<vmem>>, vector<1x16xf32>,
      %parallel_loop3A_212 = vector.shape_cast %parallel_loop3A_211 : vector<1x16xf32> to vector<16xf32>
      %parallel_loop3A_213 = vector.shape_cast %parallel_loop3A_208 : vector<16xf32> to vector<1x16xf32>
      tpu.vector_store %arg16[%parallel_loop3A_209, %parallel_loop3A_210], %parallel_loop3A_213 {strides = array<i32>} : memref<80x128xf32, #tpu.memory_space<vmem>>, vector<1x16xf32>,
      %parallel_loop3A_214 = arith.index_cast %parallel_loop3A_115 : i32 to index
      %parallel_loop3A_215 = arith.constant 112 : index
      %parallel_loop3A_216 = tpu.vector_load %arg11[%parallel_loop3A_214, %parallel_loop3A_215] {strides = array<i32>} : memref<80x128xf32, #tpu.memory_space<vmem>>, vector<1x16xf32>,
      %parallel_loop3A_217 = vector.shape_cast %parallel_loop3A_216 : vector<1x16xf32> to vector<16xf32>
      %parallel_loop3A_218 = arith.index_cast %parallel_loop3A_115 : i32 to index
      %parallel_loop3A_219 = arith.constant 112 : index
      %parallel_loop3A_220 = tpu.vector_load %arg12[%parallel_loop3A_218, %parallel_loop3A_219] {strides = array<i32>} : memref<80x128xf32, #tpu.memory_space<vmem>>, vector<1x16xf32>,
      %parallel_loop3A_221 = vector.shape_cast %parallel_loop3A_220 : vector<1x16xf32> to vector<16xf32>
      %parallel_loop3A_222 = arith.addf %parallel_loop3A_217, %parallel_loop3A_221 : vector<16xf32>
      %parallel_loop3A_223 = arith.index_cast %parallel_loop3A_115 : i32 to index
      %parallel_loop3A_224 = arith.constant 112 : index
      %parallel_loop3A_225 = tpu.vector_load %arg16[%parallel_loop3A_223, %parallel_loop3A_224] {strides = array<i32>} : memref<80x128xf32, #tpu.memory_space<vmem>>, vector<1x16xf32>,
      %parallel_loop3A_226 = vector.shape_cast %parallel_loop3A_225 : vector<1x16xf32> to vector<16xf32>
      %parallel_loop3A_227 = vector.shape_cast %parallel_loop3A_222 : vector<16xf32> to vector<1x16xf32>
      tpu.vector_store %arg16[%parallel_loop3A_223, %parallel_loop3A_224], %parallel_loop3A_227 {strides = array<i32>} : memref<80x128xf32, #tpu.memory_space<vmem>>, vector<1x16xf32>,
    } {sc.loop_unroll_factor = 4 : i64, sc.parallel_access}
    %dma_start3A_98 = arith.constant 0 : i32
    %dma_start3A_99 = tpu.memref_slice %arg6[%multiple_of3A_90, %dma_start3A_98] : memref<320000x128xf32, #tpu.memory_space<hbm>> -> memref<80x128xf32, #tpu.memory_space<hbm>>
    %dma_start3A_100 = arith.constant 0 : i32
    %dma_start3A_101 = tpu.memref_slice %arg6[%multiple_of3A_90, %dma_start3A_100] : memref<320000x128xf32, #tpu.memory_space<hbm>> -> memref<80x128xf32, #tpu.memory_space<hbm>>
    tpu.enqueue_dma source(%arg16 : memref<80x128xf32, #tpu.memory_space<vmem>>) target(%dma_start3A_101 : memref<80x128xf32, #tpu.memory_space<hbm>>) target_semaphore(%arg25 : memref<!tpu.dma_semaphore, #tpu.memory_space<semaphore_mem>>)
    %multiple_of3A_102 = tpu.assume_multiple %mul3A_2, 8 : i32
    %dma_wait3A_103 = arith.constant 0 : i32
    %dma_wait3A_104 = tpu.memref_slice %arg6[%multiple_of3A_102, %dma_wait3A_103] : memref<320000x128xf32, #tpu.memory_space<hbm>> -> memref<80x128xf32, #tpu.memory_space<hbm>>
    %dma_wait3A_105 = arith.constant 0 : i32
    %dma_wait3A_106 = tpu.memref_slice %arg6[%multiple_of3A_102, %dma_wait3A_105] : memref<320000x128xf32, #tpu.memory_space<hbm>> -> memref<80x128xf32, #tpu.memory_space<hbm>>
    tpu.wait_dma2 semaphore(%arg24 : memref<!tpu.dma_semaphore, #tpu.memory_space<semaphore_mem>>) src(%arg15 : memref<80x128xf32, #tpu.memory_space<vmem>>) dst(%dma_wait3A_106 : memref<80x128xf32, #tpu.memory_space<hbm>>)
    %dma_wait3A_107 = arith.constant 0 : i32
    %dma_wait3A_108 = tpu.memref_slice %arg6[%multiple_of3A_102, %dma_wait3A_107] : memref<320000x128xf32, #tpu.memory_space<hbm>> -> memref<80x128xf32, #tpu.memory_space<hbm>>
    %dma_wait3A_109 = arith.constant 0 : i32
    %dma_wait3A_110 = tpu.memref_slice %arg6[%multiple_of3A_102, %dma_wait3A_109] : memref<320000x128xf32, #tpu.memory_space<hbm>> -> memref<80x128xf32, #tpu.memory_space<hbm>>
    tpu.wait_dma2 semaphore(%arg25 : memref<!tpu.dma_semaphore, #tpu.memory_space<semaphore_mem>>) src(%arg16 : memref<80x128xf32, #tpu.memory_space<vmem>>) dst(%dma_wait3A_110 : memref<80x128xf32, #tpu.memory_space<hbm>>)
    %dma_wait3A_111 = arith.constant 0 : i32
    %dma_wait3A_112 = tpu.memref_slice %arg6[%multiple_of3A_102, %dma_wait3A_111] : memref<320000x128xf32, #tpu.memory_space<hbm>> -> memref<80x128xf32, #tpu.memory_space<hbm>>
    %dma_wait3A_113 = arith.constant 0 : i32
    %dma_wait3A_114 = tpu.memref_slice %arg6[%multiple_of3A_102, %dma_wait3A_113] : memref<320000x128xf32, #tpu.memory_space<hbm>> -> memref<80x128xf32, #tpu.memory_space<hbm>>
    tpu.wait_dma2 semaphore(%arg26 : memref<!tpu.dma_semaphore, #tpu.memory_space<semaphore_mem>>) src(%arg17 : memref<80x128xf32, #tpu.memory_space<vmem>>) dst(%dma_wait3A_114 : memref<80x128xf32, #tpu.memory_space<hbm>>)
    return
  }
}

module attributes {stable_mosaic.version = 14 : i64} {
  func.func @_proj_body(%arg0: memref<10000x128xf32, #tpu.memory_space<vmem>>, %arg1: memref<128x128xf32, #tpu.memory_space<vmem>>, %arg2: memref<128x128xf32, #tpu.memory_space<vmem>>, %arg3: memref<10000x128xf32, #tpu.memory_space<vmem>>, %arg4: memref<10000x128xf32, #tpu.memory_space<vmem>>) attributes {dimension_semantics = [], scalar_prefetch = 0 : i64, scratch_operands = 0 : i64, tpu.core_type = #tpu.core_type<tc>} {
    %get3A = arith.constant 0 : index
    %get3A_0 = arith.constant 0 : index
    %get3A_1 = vector.load %arg0[%get3A, %get3A_0] : memref<10000x128xf32, #tpu.memory_space<vmem>>, vector<10000x128xf32>
    %get3A_2 = arith.constant 0 : index
    %get3A_3 = arith.constant 0 : index
    %get3A_4 = vector.load %arg1[%get3A_2, %get3A_3] : memref<128x128xf32, #tpu.memory_space<vmem>>, vector<128x128xf32>
    %dot_general3A = arith.constant dense<0.000000e+00> : vector<10000x128xf32>
    %dot_general3A_5 = tpu.matmul %get3A_1, %get3A_4, %dot_general3A {dimension_numbers = #tpu.dot_dimension_numbers<[1], [0], [0], [1], [0, 0, 1, 1], [], []>, transpose_lhs_hint = false} : vector<10000x128xf32>, vector<128x128xf32>, vector<10000x128xf32> -> vector<10000x128xf32>
    %swap3A = arith.constant 0 : index
    %swap3A_6 = arith.constant 0 : index
    %swap3A_7 = vector.load %arg3[%swap3A, %swap3A_6] : memref<10000x128xf32, #tpu.memory_space<vmem>>, vector<10000x128xf32>
    tpu.vector_store %arg3[%swap3A, %swap3A_6], %dot_general3A_5 {strides = array<i32>} : memref<10000x128xf32, #tpu.memory_space<vmem>>, vector<10000x128xf32>,
    %get3A_8 = arith.constant 0 : index
    %get3A_9 = arith.constant 0 : index
    %get3A_10 = vector.load %arg2[%get3A_8, %get3A_9] : memref<128x128xf32, #tpu.memory_space<vmem>>, vector<128x128xf32>
    %dot_general3A_11 = arith.constant dense<0.000000e+00> : vector<10000x128xf32>
    %dot_general3A_12 = tpu.matmul %get3A_1, %get3A_10, %dot_general3A_11 {dimension_numbers = #tpu.dot_dimension_numbers<[1], [0], [0], [1], [0, 0, 1, 1], [], []>, transpose_lhs_hint = false} : vector<10000x128xf32>, vector<128x128xf32>, vector<10000x128xf32> -> vector<10000x128xf32>
    %swap3A_13 = arith.constant 0 : index
    %swap3A_14 = arith.constant 0 : index
    %swap3A_15 = vector.load %arg4[%swap3A_13, %swap3A_14] : memref<10000x128xf32, #tpu.memory_space<vmem>>, vector<10000x128xf32>
    tpu.vector_store %arg4[%swap3A_13, %swap3A_14], %dot_general3A_12 {strides = array<i32>} : memref<10000x128xf32, #tpu.memory_space<vmem>>, vector<10000x128xf32>,
    return
  }
}

module attributes {stable_mosaic.version = 14 : i64} {
  func.func @_edge_body(%arg0: i32, %arg1: memref<1600x128xf32, #tpu.memory_space<vmem>>, %arg2: memref<1600x128xf32, #tpu.memory_space<vmem>>, %arg3: memref<128x128xf32, #tpu.memory_space<vmem>>, %arg4: memref<1x128xf32, #tpu.memory_space<vmem>>, %arg5: memref<128x128xf32, #tpu.memory_space<vmem>>, %arg6: memref<1x128xf32, #tpu.memory_space<vmem>>, %arg7: memref<1x128xf32, #tpu.memory_space<vmem>>, %arg8: memref<1x128xf32, #tpu.memory_space<vmem>>, %arg9: memref<1600x128xf32, #tpu.memory_space<vmem>>, %arg10: memref<1600x128xf32, #tpu.memory_space<vmem>>) attributes {dimension_semantics = [#tpu.dimension_semantics<arbitrary>], iteration_bounds = array<i64: 200>, scalar_prefetch = 0 : i64, scratch_operands = 0 : i64, tpu.core_type = #tpu.core_type<tc>, window_params = [{transform_indices = @transform_0, window_bounds = array<i64: 1600, 128>}, {transform_indices = @transform_1, window_bounds = array<i64: 1600, 128>}, {pipeline_mode = #tpu.pipeline_mode<synchronous>, transform_indices = @transform_2, window_bounds = array<i64: 128, 128>}, {pipeline_mode = #tpu.pipeline_mode<synchronous>, transform_indices = @transform_3, window_bounds = array<i64: 1, 128>}, {pipeline_mode = #tpu.pipeline_mode<synchronous>, transform_indices = @transform_4, window_bounds = array<i64: 128, 128>}, {pipeline_mode = #tpu.pipeline_mode<synchronous>, transform_indices = @transform_5, window_bounds = array<i64: 1, 128>}, {pipeline_mode = #tpu.pipeline_mode<synchronous>, transform_indices = @transform_6, window_bounds = array<i64: 1, 128>}, {pipeline_mode = #tpu.pipeline_mode<synchronous>, transform_indices = @transform_7, window_bounds = array<i64: 1, 128>}, {transform_indices = @transform_8, window_bounds = array<i64: 1600, 128>}, {transform_indices = @transform_9, window_bounds = array<i64: 1600, 128>}]} {
    %get3A = arith.constant 0 : index
    %get3A_0 = arith.constant 0 : index
    %get3A_1 = vector.load %arg2[%get3A, %get3A_0] : memref<1600x128xf32, #tpu.memory_space<vmem>>, vector<1600x128xf32>
    %get3A_2 = arith.constant 0 : index
    %get3A_3 = arith.constant 0 : index
    %get3A_4 = vector.load %arg1[%get3A_2, %get3A_3] : memref<1600x128xf32, #tpu.memory_space<vmem>>, vector<1600x128xf32>
    %get3A_5 = arith.constant 0 : index
    %get3A_6 = arith.constant 0 : index
    %get3A_7 = vector.load %arg4[%get3A_5, %get3A_6] : memref<1x128xf32, #tpu.memory_space<vmem>>, vector<1x128xf32>
    %add3A = vector.broadcast %get3A_7 : vector<1x128xf32> to vector<1600x128xf32>
    %add3A_8 = arith.addf %get3A_4, %add3A : vector<1600x128xf32>
    %get3A_9 = arith.constant 0 : index
    %get3A_10 = arith.constant 0 : index
    %get3A_11 = vector.load %arg3[%get3A_9, %get3A_10] : memref<128x128xf32, #tpu.memory_space<vmem>>, vector<128x128xf32>
    %dot_general3A = arith.constant dense<0.000000e+00> : vector<1600x128xf32>
    %dot_general3A_12 = tpu.matmul %get3A_1, %get3A_11, %dot_general3A {dimension_numbers = #tpu.dot_dimension_numbers<[1], [0], [0], [1], [0, 0, 1, 1], [], []>, transpose_lhs_hint = false} : vector<1600x128xf32>, vector<128x128xf32>, vector<1600x128xf32> -> vector<1600x128xf32>
    %add3A_13 = arith.addf %add3A_8, %dot_general3A_12 : vector<1600x128xf32>
    %max3A = arith.constant 0.000000e+00 : f32
    %max3A_14 = vector.broadcast %max3A : f32 to vector<1600x128xf32>
    %max3A_15 = arith.maximumf %add3A_13, %max3A_14 : vector<1600x128xf32>
    %get3A_16 = arith.constant 0 : index
    %get3A_17 = arith.constant 0 : index
    %get3A_18 = vector.load %arg5[%get3A_16, %get3A_17] : memref<128x128xf32, #tpu.memory_space<vmem>>, vector<128x128xf32>
    %dot_general3A_19 = arith.constant dense<0.000000e+00> : vector<1600x128xf32>
    %dot_general3A_20 = tpu.matmul %max3A_15, %get3A_18, %dot_general3A_19 {dimension_numbers = #tpu.dot_dimension_numbers<[1], [0], [0], [1], [0, 0, 1, 1], [], []>, transpose_lhs_hint = false} : vector<1600x128xf32>, vector<128x128xf32>, vector<1600x128xf32> -> vector<1600x128xf32>
    %get3A_21 = arith.constant 0 : index
    %get3A_22 = arith.constant 0 : index
    %get3A_23 = vector.load %arg6[%get3A_21, %get3A_22] : memref<1x128xf32, #tpu.memory_space<vmem>>, vector<1x128xf32>
    %add3A_24 = vector.broadcast %get3A_23 : vector<1x128xf32> to vector<1600x128xf32>
    %add3A_25 = arith.addf %dot_general3A_20, %add3A_24 : vector<1600x128xf32>
    %reduce_sum3A = arith.constant dense<0.000000e+00> : vector<1600xf32>
    %reduce_sum3A_26 = vector.multi_reduction <add>, %add3A_25, %reduce_sum3A [1] : vector<1600x128xf32> to vector<1600xf32>
    %broadcast_in_dim3A = vector.shape_cast %reduce_sum3A_26 : vector<1600xf32> to vector<1600x1xf32>
    %div3A = arith.constant 1.280000e+02 : f32
    %div3A_27 = vector.broadcast %div3A : f32 to vector<1600x1xf32>
    %div3A_28 = arith.divf %broadcast_in_dim3A, %div3A_27 : vector<1600x1xf32>
    %sub3A = vector.broadcast %div3A_28 : vector<1600x1xf32> to vector<1600x128xf32>
    %sub3A_29 = arith.subf %add3A_25, %sub3A : vector<1600x128xf32>
    %mul3A = arith.mulf %sub3A_29, %sub3A_29 : vector<1600x128xf32>
    %reduce_sum3A_30 = arith.constant dense<0.000000e+00> : vector<1600xf32>
    %reduce_sum3A_31 = vector.multi_reduction <add>, %mul3A, %reduce_sum3A_30 [1] : vector<1600x128xf32> to vector<1600xf32>
    %broadcast_in_dim3A_32 = vector.shape_cast %reduce_sum3A_31 : vector<1600xf32> to vector<1600x1xf32>
    %div3A_33 = arith.constant 1.280000e+02 : f32
    %div3A_34 = vector.broadcast %div3A_33 : f32 to vector<1600x1xf32>
    %div3A_35 = arith.divf %broadcast_in_dim3A_32, %div3A_34 : vector<1600x1xf32>
    %get3A_36 = arith.constant 0 : index
    %get3A_37 = arith.constant 0 : index
    %get3A_38 = vector.load %arg7[%get3A_36, %get3A_37] : memref<1x128xf32, #tpu.memory_space<vmem>>, vector<1x128xf32>
    %mul3A_39 = vector.broadcast %get3A_38 : vector<1x128xf32> to vector<1600x128xf32>
    %mul3A_40 = arith.mulf %mul3A_39, %sub3A_29 : vector<1600x128xf32>
    %add3A_41 = arith.constant 9.99999974E-6 : f32
    %add3A_42 = vector.broadcast %add3A_41 : f32 to vector<1600x1xf32>
    %add3A_43 = arith.addf %div3A_35, %add3A_42 : vector<1600x1xf32>
    %rsqrt3A = math.rsqrt %add3A_43 : vector<1600x1xf32>
    %mul3A_44 = vector.broadcast %rsqrt3A : vector<1600x1xf32> to vector<1600x128xf32>
    %mul3A_45 = arith.mulf %mul3A_40, %mul3A_44 : vector<1600x128xf32>
    %get3A_46 = arith.constant 0 : index
    %get3A_47 = arith.constant 0 : index
    %get3A_48 = vector.load %arg8[%get3A_46, %get3A_47] : memref<1x128xf32, #tpu.memory_space<vmem>>, vector<1x128xf32>
    %add3A_49 = vector.broadcast %get3A_48 : vector<1x128xf32> to vector<1600x128xf32>
    %add3A_50 = arith.addf %mul3A_45, %add3A_49 : vector<1600x128xf32>
    %swap3A = arith.constant 0 : index
    %swap3A_51 = arith.constant 0 : index
    %swap3A_52 = vector.load %arg9[%swap3A, %swap3A_51] : memref<1600x128xf32, #tpu.memory_space<vmem>>, vector<1600x128xf32>
    tpu.vector_store %arg9[%swap3A, %swap3A_51], %add3A_50 {strides = array<i32>} : memref<1600x128xf32, #tpu.memory_space<vmem>>, vector<1600x128xf32>,
    %add3A_53 = arith.addf %add3A_50, %get3A_1 : vector<1600x128xf32>
    %swap3A_54 = arith.constant 0 : index
    %swap3A_55 = arith.constant 0 : index
    %swap3A_56 = vector.load %arg10[%swap3A_54, %swap3A_55] : memref<1600x128xf32, #tpu.memory_space<vmem>>, vector<1600x128xf32>
    tpu.vector_store %arg10[%swap3A_54, %swap3A_55], %add3A_53 {strides = array<i32>} : memref<1600x128xf32, #tpu.memory_space<vmem>>, vector<1600x128xf32>,
    return
  }
  func.func @transform_0(%arg0: i32) -> (i32, i32) {
    %c0_i32 = arith.constant 0 : i32
    %c0_i32_0 = arith.constant 0 : i32
    return %arg0, %c0_i32 : i32, i32
  }
  func.func @transform_1(%arg0: i32) -> (i32, i32) {
    %c0_i32 = arith.constant 0 : i32
    %c0_i32_0 = arith.constant 0 : i32
    return %arg0, %c0_i32 : i32, i32
  }
  func.func @transform_2(%arg0: i32) -> (i32, i32) {
    %c0_i32 = arith.constant 0 : i32
    %c0_i32_0 = arith.constant 0 : i32
    %c0_i32_1 = arith.constant 0 : i32
    return %c0_i32, %c0_i32_0 : i32, i32
  }
  func.func @transform_3(%arg0: i32) -> (i32, i32) {
    %c0_i32 = arith.constant 0 : i32
    %c0_i32_0 = arith.constant 0 : i32
    %c0_i32_1 = arith.constant 0 : i32
    return %c0_i32, %c0_i32_0 : i32, i32
  }
  func.func @transform_4(%arg0: i32) -> (i32, i32) {
    %c0_i32 = arith.constant 0 : i32
    %c0_i32_0 = arith.constant 0 : i32
    %c0_i32_1 = arith.constant 0 : i32
    return %c0_i32, %c0_i32_0 : i32, i32
  }
  func.func @transform_5(%arg0: i32) -> (i32, i32) {
    %c0_i32 = arith.constant 0 : i32
    %c0_i32_0 = arith.constant 0 : i32
    %c0_i32_1 = arith.constant 0 : i32
    return %c0_i32, %c0_i32_0 : i32, i32
  }
  func.func @transform_6(%arg0: i32) -> (i32, i32) {
    %c0_i32 = arith.constant 0 : i32
    %c0_i32_0 = arith.constant 0 : i32
    %c0_i32_1 = arith.constant 0 : i32
    return %c0_i32, %c0_i32_0 : i32, i32
  }
  func.func @transform_7(%arg0: i32) -> (i32, i32) {
    %c0_i32 = arith.constant 0 : i32
    %c0_i32_0 = arith.constant 0 : i32
    %c0_i32_1 = arith.constant 0 : i32
    return %c0_i32, %c0_i32_0 : i32, i32
  }
  func.func @transform_8(%arg0: i32) -> (i32, i32) {
    %c0_i32 = arith.constant 0 : i32
    %c0_i32_0 = arith.constant 0 : i32
    return %arg0, %c0_i32 : i32, i32
  }
  func.func @transform_9(%arg0: i32) -> (i32, i32) {
    %c0_i32 = arith.constant 0 : i32
    %c0_i32_0 = arith.constant 0 : i32
    return %arg0, %c0_i32 : i32, i32
  }
}

module attributes {stable_mosaic.version = 14 : i64} {
  func.func @_node_body(%arg0: memref<10000x128xf32, #tpu.memory_space<vmem>>, %arg1: memref<10000x128xf32, #tpu.memory_space<vmem>>, %arg2: memref<10000x128xf32, #tpu.memory_space<vmem>>, %arg3: memref<128x128xf32, #tpu.memory_space<vmem>>, %arg4: memref<128x128xf32, #tpu.memory_space<vmem>>, %arg5: memref<1x128xf32, #tpu.memory_space<vmem>>, %arg6: memref<128x128xf32, #tpu.memory_space<vmem>>, %arg7: memref<1x128xf32, #tpu.memory_space<vmem>>, %arg8: memref<1x128xf32, #tpu.memory_space<vmem>>, %arg9: memref<1x128xf32, #tpu.memory_space<vmem>>, %arg10: memref<10000x128xf32, #tpu.memory_space<vmem>>) attributes {dimension_semantics = [], scalar_prefetch = 0 : i64, scratch_operands = 0 : i64, tpu.core_type = #tpu.core_type<tc>} {
    %get3A = arith.constant 0 : index
    %get3A_0 = arith.constant 0 : index
    %get3A_1 = vector.load %arg0[%get3A, %get3A_0] : memref<10000x128xf32, #tpu.memory_space<vmem>>, vector<10000x128xf32>
    %get3A_2 = arith.constant 0 : index
    %get3A_3 = arith.constant 0 : index
    %get3A_4 = vector.load %arg1[%get3A_2, %get3A_3] : memref<10000x128xf32, #tpu.memory_space<vmem>>, vector<10000x128xf32>
    %get3A_5 = arith.constant 0 : index
    %get3A_6 = arith.constant 0 : index
    %get3A_7 = vector.load %arg2[%get3A_5, %get3A_6] : memref<10000x128xf32, #tpu.memory_space<vmem>>, vector<10000x128xf32>
    %add3A = arith.addf %get3A_4, %get3A_7 : vector<10000x128xf32>
    %get3A_8 = arith.constant 0 : index
    %get3A_9 = arith.constant 0 : index
    %get3A_10 = vector.load %arg3[%get3A_8, %get3A_9] : memref<128x128xf32, #tpu.memory_space<vmem>>, vector<128x128xf32>
    %dot_general3A = arith.constant dense<0.000000e+00> : vector<10000x128xf32>
    %dot_general3A_11 = tpu.matmul %get3A_1, %get3A_10, %dot_general3A {dimension_numbers = #tpu.dot_dimension_numbers<[1], [0], [0], [1], [0, 0, 1, 1], [], []>, transpose_lhs_hint = false} : vector<10000x128xf32>, vector<128x128xf32>, vector<10000x128xf32> -> vector<10000x128xf32>
    %get3A_12 = arith.constant 0 : index
    %get3A_13 = arith.constant 0 : index
    %get3A_14 = vector.load %arg4[%get3A_12, %get3A_13] : memref<128x128xf32, #tpu.memory_space<vmem>>, vector<128x128xf32>
    %dot_general3A_15 = arith.constant dense<0.000000e+00> : vector<10000x128xf32>
    %dot_general3A_16 = tpu.matmul %add3A, %get3A_14, %dot_general3A_15 {dimension_numbers = #tpu.dot_dimension_numbers<[1], [0], [0], [1], [0, 0, 1, 1], [], []>, transpose_lhs_hint = false} : vector<10000x128xf32>, vector<128x128xf32>, vector<10000x128xf32> -> vector<10000x128xf32>
    %add3A_17 = arith.addf %dot_general3A_11, %dot_general3A_16 : vector<10000x128xf32>
    %get3A_18 = arith.constant 0 : index
    %get3A_19 = arith.constant 0 : index
    %get3A_20 = vector.load %arg5[%get3A_18, %get3A_19] : memref<1x128xf32, #tpu.memory_space<vmem>>, vector<1x128xf32>
    %add3A_21 = vector.broadcast %get3A_20 : vector<1x128xf32> to vector<10000x128xf32>
    %add3A_22 = arith.addf %add3A_17, %add3A_21 : vector<10000x128xf32>
    %max3A = arith.constant 0.000000e+00 : f32
    %max3A_23 = vector.broadcast %max3A : f32 to vector<10000x128xf32>
    %max3A_24 = arith.maximumf %add3A_22, %max3A_23 : vector<10000x128xf32>
    %get3A_25 = arith.constant 0 : index
    %get3A_26 = arith.constant 0 : index
    %get3A_27 = vector.load %arg6[%get3A_25, %get3A_26] : memref<128x128xf32, #tpu.memory_space<vmem>>, vector<128x128xf32>
    %dot_general3A_28 = arith.constant dense<0.000000e+00> : vector<10000x128xf32>
    %dot_general3A_29 = tpu.matmul %max3A_24, %get3A_27, %dot_general3A_28 {dimension_numbers = #tpu.dot_dimension_numbers<[1], [0], [0], [1], [0, 0, 1, 1], [], []>, transpose_lhs_hint = false} : vector<10000x128xf32>, vector<128x128xf32>, vector<10000x128xf32> -> vector<10000x128xf32>
    %get3A_30 = arith.constant 0 : index
    %get3A_31 = arith.constant 0 : index
    %get3A_32 = vector.load %arg7[%get3A_30, %get3A_31] : memref<1x128xf32, #tpu.memory_space<vmem>>, vector<1x128xf32>
    %add3A_33 = vector.broadcast %get3A_32 : vector<1x128xf32> to vector<10000x128xf32>
    %add3A_34 = arith.addf %dot_general3A_29, %add3A_33 : vector<10000x128xf32>
    %reduce_sum3A = arith.constant dense<0.000000e+00> : vector<10000xf32>
    %reduce_sum3A_35 = vector.multi_reduction <add>, %add3A_34, %reduce_sum3A [1] : vector<10000x128xf32> to vector<10000xf32>
    %broadcast_in_dim3A = vector.shape_cast %reduce_sum3A_35 : vector<10000xf32> to vector<10000x1xf32>
    %div3A = arith.constant 1.280000e+02 : f32
    %div3A_36 = vector.broadcast %div3A : f32 to vector<10000x1xf32>
    %div3A_37 = arith.divf %broadcast_in_dim3A, %div3A_36 : vector<10000x1xf32>
    %sub3A = vector.broadcast %div3A_37 : vector<10000x1xf32> to vector<10000x128xf32>
    %sub3A_38 = arith.subf %add3A_34, %sub3A : vector<10000x128xf32>
    %mul3A = arith.mulf %sub3A_38, %sub3A_38 : vector<10000x128xf32>
    %reduce_sum3A_39 = arith.constant dense<0.000000e+00> : vector<10000xf32>
    %reduce_sum3A_40 = vector.multi_reduction <add>, %mul3A, %reduce_sum3A_39 [1] : vector<10000x128xf32> to vector<10000xf32>
    %broadcast_in_dim3A_41 = vector.shape_cast %reduce_sum3A_40 : vector<10000xf32> to vector<10000x1xf32>
    %div3A_42 = arith.constant 1.280000e+02 : f32
    %div3A_43 = vector.broadcast %div3A_42 : f32 to vector<10000x1xf32>
    %div3A_44 = arith.divf %broadcast_in_dim3A_41, %div3A_43 : vector<10000x1xf32>
    %get3A_45 = arith.constant 0 : index
    %get3A_46 = arith.constant 0 : index
    %get3A_47 = vector.load %arg8[%get3A_45, %get3A_46] : memref<1x128xf32, #tpu.memory_space<vmem>>, vector<1x128xf32>
    %mul3A_48 = vector.broadcast %get3A_47 : vector<1x128xf32> to vector<10000x128xf32>
    %mul3A_49 = arith.mulf %mul3A_48, %sub3A_38 : vector<10000x128xf32>
    %add3A_50 = arith.constant 9.99999974E-6 : f32
    %add3A_51 = vector.broadcast %add3A_50 : f32 to vector<10000x1xf32>
    %add3A_52 = arith.addf %div3A_44, %add3A_51 : vector<10000x1xf32>
    %rsqrt3A = math.rsqrt %add3A_52 : vector<10000x1xf32>
    %mul3A_53 = vector.broadcast %rsqrt3A : vector<10000x1xf32> to vector<10000x128xf32>
    %mul3A_54 = arith.mulf %mul3A_49, %mul3A_53 : vector<10000x128xf32>
    %get3A_55 = arith.constant 0 : index
    %get3A_56 = arith.constant 0 : index
    %get3A_57 = vector.load %arg9[%get3A_55, %get3A_56] : memref<1x128xf32, #tpu.memory_space<vmem>>, vector<1x128xf32>
    %add3A_58 = vector.broadcast %get3A_57 : vector<1x128xf32> to vector<10000x128xf32>
    %add3A_59 = arith.addf %mul3A_54, %add3A_58 : vector<10000x128xf32>
    %add3A_60 = arith.addf %add3A_59, %get3A_1 : vector<10000x128xf32>
    %swap3A = arith.constant 0 : index
    %swap3A_61 = arith.constant 0 : index
    %swap3A_62 = vector.load %arg10[%swap3A, %swap3A_61] : memref<10000x128xf32, #tpu.memory_space<vmem>>, vector<10000x128xf32>
    tpu.vector_store %arg10[%swap3A, %swap3A_61], %add3A_60 {strides = array<i32>} : memref<10000x128xf32, #tpu.memory_space<vmem>>, vector<10000x128xf32>,
    return
  }
}

</mosaic_0001>

<sc_bundles>
// kernel: kernel.10.cloned.1.call-start
scs
__scs_entry_jumppad:
0x0: {  	(pc) =	sbr.rel $0x88, $3  }
0x1: {  	(tag) =	ssettag $0x0;
	lr =	simm.s32 $0x1  }
0x2: {  	[smem:$0x3F91] =	sst lr;
	_ =	strace $0xD0000000  }
0x3: {  	_ = 	snop  }
0x4: {  	_ = 	snop  }
0x5: {  	_ = 	snop  }
0x6: {  	_ = 	snop  }
0x7: {  	_ = 	snop  }
__scs_overlays_trampoline_lowered:
0x8: {  	[smem:$0x3FA0] =	sst s0  }
0x9: {  	[smem:$0x3FA1] =	sst s1  }
0xa: {  	[smem:$0x3FA2] =	sst s2  }
0xb: {  	[smem:$0x3FA3] =	sst s3  }
0xc: {  	[smem:$0x3FA4] =	sst s4  }
0xd: {  	[smem:$0x3FA5] =	sst s5  }
0xe: {  	[smem:$0x3FA6] =	sst s6  }
0xf: {  	[smem:$0x3FA7] =	sst s7  }
0x10: {  	[smem:$0x3FA8] =	sst s8  }
0x11: {  	[smem:$0x3FA9] =	sst s9;
	s0 =	simm.s32 @!p0 $0x0  }
0x12: {  	s1 =	sld [smem:$0x3F8F];
	s0 =	simm.s32 @p0 $0x1  }
0x13: {  	[smem:$0x3FAA] =	sst s0;
	s0 =	simm.s32 @!p1 $0x0  }
0x14: {  	s2 =	sld [smem:$0x3F8E];
	s0 =	simm.s32 @p1 $0x1  }
0x15: {  	[smem:$0x3FAB] =	sst s0;
	s0 =	simm.s32 @!p2 $0x0  }
0x16: {  	s3 =	sld [smem:$0x3FDB];
	s0 =	simm.s32 @p2 $0x1  }
0x17: {  	s4 =	simm.s32 $0x1BF5;
	[smem:$0x3FAD] =	sst s0  }
0x18: {  	s0 =	sld [smem:$0x3F90];
	_ =	swait.ge [sflag:s4], $0x0  }
0x19: {  	s7 =	sld [smem:$0x3F91]  }
0x1a: {  	s8 =	sadd.s32 $0xFFFFE003, lr  }
0x1b: {  	s9 =	sadd.s32 $0xFFFFFEF7, lr;
	s5 =	simm.s32 $0xFFFFFFFF;
	p2 =	slt.u32 s8, $0xFFFFF086  }
0x1c: {  	p1 =	slt.u32 s9, $0xF7A;
	s5 =	simm.s32 @!p2 $0x0  }
0x1d: {  	s5 =	simm.s32 @p1 $0x1;
	p0 =	seq.s32 s7, s2  }
0x1e: {  	s7 =	smul.u32 @!p0 $0xF7A, s2;
	p2 =	seq.s32 @!p0 s5, $0x0  }
0x1f: {  	s9 =	smul.u32 $0xF7A, s1;
	s8 =	simm.s32 @!p0 $0x1BF5;
	p2 =	por !p2, p0  }
0x20: {  	[sflag:s8] =	ssyncset.s32 @!p0 $0xFFFFF086;
	s6 =	sadd.s32 @!p0 s3, s7;
	s7 =	simm.s32 @!p0 $0x108  }
0x21: {  	s3 =	sadd.s32 s3, s9;
	s6 =	sadd.s32 @!p0 $0x88, s6;
	s7 =	simm.s32 @p2 $0x1082  }
0x22: {  	[simem:s7], [sflag:s8] =	dma.local @!p0 [hbm:s6], $0xF7A  }
0x23: {  	s9 =	sor.u32 $0xD0000000, s2;
	s6 =	simm.s32 $0x108;
	_ =	swait.ge @!p0 [sflag:s8], $0x0  }
0x24: {  	s3 =	sadd.s32 $0x88, s3;
	s6 =	simm.s32 @!p1 $0x1082;
	[sflag:s4] =	ssyncset.s32 $0xFFFFF086  }
0x25: {  	[simem:s6], [sflag:s4] =	dma.local [hbm:s3], $0xF7A  }
0x26: {  	[smem:$0x3F91] =	sst s1;
	(tag) =	ssettag s2;
	_ =	strace s9  }
0x27: {  	s1 =	sld [smem:$0x3FA1]  }
0x28: {  	s2 =	sld [smem:$0x3FA2]  }
0x29: {  	s4 =	sld [smem:$0x3FA4]  }
0x2a: {  	p0 =	seq.s32 s5, $0x0;
	s5 =	sld [smem:$0x3FA5]  }
0x2b: {  	s6 =	sld [smem:$0x3FA6]  }
0x2c: {  	s7 =	sld [smem:$0x3FA7]  }
0x2d: {  	s3 =	simm.s32 $0x108;
	s8 =	sld [smem:$0x3FA8]  }
0x2e: {  	s3 =	simm.s32 @!p0 $0x1082;
	s9 =	sld [smem:$0x3FA9]  }
0x2f: {  	lr =	sadd.s32 s0, s3;
	s0 =	sld [smem:$0x3FA0]  }
0x30: {  	s3 =	sld [smem:$0x3FA3]  }
0x31: {  	[smem:$0x3FAC] =	sst s10  }
0x32: {  	s10 =	sld [smem:$0x3FAA];
	_ =	sdelay $0x3  }
0x33: {  	p0 =	seq.s32 s10, $0x1;
	s10 =	sld [smem:$0x3FAC];
	_ =	sdelay $0x3  }
0x34: {  	[smem:$0x3FAC] =	sst s10  }
0x35: {  	s10 =	sld [smem:$0x3FAB];
	_ =	sdelay $0x3  }
0x36: {  	p1 =	seq.s32 s10, $0x1;
	s10 =	sld [smem:$0x3FAC];
	_ =	sdelay $0x3  }
0x37: {  	[smem:$0x3FAC] =	sst s10  }
0x38: {  	s10 =	sld [smem:$0x3FAD]  }
0x39: {  	_ = 	snop;
	(pc) =	sbr.ind lr, $3  }
0x3a: {  	_ = 	snop  }
0x3b: {  	_ = 	snop  }
0x3c: {  	p2 =	seq.s32 s10, $0x1;
	s10 =	sld [smem:$0x3FAC]  }
0x3d: {  	_ =	shalt  }
0x3e: {  	_ =	shalt  }
0x3f: {  	_ =	shalt  }
0x40: {  	_ =	shalt  }
0x41: {  	_ =	shalt  }
0x42: {  	_ =	shalt  }
0x43: {  	_ =	shalt  }
0x44: {  	_ =	shalt  }
0x45: {  	_ =	shalt  }
0x46: {  	_ =	shalt  }
0x47: {  	_ =	shalt  }
0x48: {  	_ =	shalt  }
0x49: {  	_ =	shalt  }
0x4a: {  	_ =	shalt  }
0x4b: {  	_ =	shalt  }
0x4c: {  	_ =	shalt  }
0x4d: {  	_ =	shalt  }
0x4e: {  	_ =	shalt  }
0x4f: {  	_ =	shalt  }
0x50: {  	_ =	shalt  }
0x51: {  	_ =	shalt  }
0x52: {  	_ =	shalt  }
0x53: {  	_ =	shalt  }
0x54: {  	_ =	shalt  }
0x55: {  	_ =	shalt  }
0x56: {  	_ =	shalt  }
0x57: {  	_ =	shalt  }
0x58: {  	_ =	shalt  }
0x59: {  	_ =	shalt  }
0x5a: {  	_ =	shalt  }
0x5b: {  	_ =	shalt  }
0x5c: {  	_ =	shalt  }
0x5d: {  	_ =	shalt  }
0x5e: {  	_ =	shalt  }
0x5f: {  	_ =	shalt  }
0x60: {  	_ =	shalt  }
0x61: {  	_ =	shalt  }
0x62: {  	_ =	shalt  }
0x63: {  	_ =	shalt  }
0x64: {  	_ =	shalt  }
0x65: {  	_ =	shalt  }
0x66: {  	_ =	shalt  }
0x67: {  	_ =	shalt  }
0x68: {  	_ =	shalt  }
0x69: {  	_ =	shalt  }
0x6a: {  	_ =	shalt  }
0x6b: {  	_ =	shalt  }
0x6c: {  	_ =	shalt  }
0x6d: {  	_ =	shalt  }
0x6e: {  	_ =	shalt  }
0x6f: {  	_ =	shalt  }
0x70: {  	_ =	shalt  }
0x71: {  	_ =	shalt  }
0x72: {  	_ =	shalt  }
0x73: {  	_ =	shalt  }
0x74: {  	_ =	shalt  }
0x75: {  	_ =	shalt  }
0x76: {  	_ =	shalt  }
0x77: {  	_ =	shalt  }
0x78: {  	_ =	shalt  }
0x79: {  	_ =	shalt  }
0x7a: {  	_ =	shalt  }
0x7b: {  	_ =	shalt  }
0x7c: {  	_ =	shalt  }
0x7d: {  	_ =	shalt  }
0x7e: {  	_ =	shalt  }
0x7f: {  	_ =	shalt  }
0x80: {  	_ =	shalt  }
0x81: {  	_ =	shalt  }
0x82: {  	_ =	shalt  }
0x83: {  	_ =	shalt  }
0x84: {  	_ =	shalt  }
0x85: {  	_ =	shalt  }
0x86: {  	_ =	shalt  }
0x87: {  	_ =	shalt  }
.Lfunc_end0:
.L_simem_size_0:
called_computation.1_lowered:
.L_overlay_start_0:
0x88: {  	s2 =	sld [smem:$0x3FD9]  }
0x89: {  	s3 =	sld [smem:$0x3FFE];
	_ =	sdelay $0x1  }
0x8a: {  	s1 =	srdreg.scid  }
0x8b: {  	s0 =	sand.u32 $0x1, s1  }
0x8c: {  	s14 =	sshll.u32 s0, $0xA;
	s2 =	sadd.s32 s3, s2  }
0x8d: {  	s2 =	sadd.s32 s2, s14  }
0x8e: {  	[smem:$0x3FB8] =	sst s2  }
0x8f: {  	_ = 	snop  }
0x90: {  	s2 =	sld [smem:$0x3FD0];
	_ =	sdelay $0x2  }
0x91: {  	s15 =	simm.s32 $0xA;
	s4 =	simm.s32 $0x10  }
0x92: {  	[smem:s4], [sflag:s15] =	dma.local [hbm:s2], $0x1  }
0x93: {  	_ =	swait.eq [sflag:s15], $0x1  }
0x94: {  	[sflag:s15] =	ssyncset.done $0x0  }
0x95: {  	[sflag:s15] =	ssyncadd.s32 $0xFFFFFFFF  }
0x96: {  	s16 =	sld [smem:$0x10];
	(tm) =	ssettm $0x1  }
0x97: {  	s17 =	sld [smem:$0x3FFB];
	_ =	sdelay $0x3  }
0x98: {  	_ =	strace s17  }
0x99: {  	s3 =	sld [smem:$0x3FFC];
	_ =	sdelay $0x3  }
0x9a: {  	_ =	strace s3  }
0x9b: {  	s3 =	sld [smem:$0x3FFD];
	_ =	sdelay $0x3  }
0x9c: {  	_ =	strace s3  }
0x9d: {  	_ =	strace $0x8FFFFFFF  }
0x9e: {  	s18 =	sld [smem:$0x3FDB];
	_ =	sdelay $0x1  }
0x9f: {  	s19 =	simm.s32 $_scs_section_size  }
0xa0: {  	s5 =	simm.s32 $_size__tile_overlayer_lowered;
	s6 =	simm.s32 $_tile_overlayer_lowered  }
0xa1: {  	s22 =	simm.s32 $0x1BFF;
	s21 =	sshll.u32 s6, $0x1;
	s3 =	sadd.s32 s19, s18  }
0xa2: {  	s7 =	simm.s32 $0x0;
	s20 =	sshll.u32 s5, $0x1;
	s5 =	sadd.s32 s21, s3  }
0xa3: {  	[timem:s7], [sflag:s22] =	dma.local [hbm:s5], s20  }
0xa4: {  	_ =	swait.ge [sflag:s22], s20  }
0xa5: {  	s4 =	ssub.s32 $0x0, s20;
	[sflag:s22] =	ssyncset.done $0x0  }
0xa6: {  	[sflag:s22] =	ssyncadd.s32 s4;
	_ =	sdelay $0x1  }
0xa7: {  	s23 =	simm.s32 $0x1B8B  }
0xa8: {  	_ =	swait.ge [sflag:s23], $0x1  }
0xa9: {  	[sflag:s23] =	ssyncset.done $0x0  }
0xaa: {  	s25 =	simm.s32 $0x1B8E;
	s24 =	sld [smem:$0x3FFE];
	[sflag:s23] =	ssyncadd.s32 $0xFFFFFFFF  }
0xab: {  	s26 =	simm.s32 $execute0_lowered;
	[smem:$0x3FD2] =	sst s25  }
0xac: {  	s5 =	sshll.u32 s26, $0x1;
	_ =	strace $0x80000049;
	[dreg:$0x1] =	wrdreg $0xFFFFFFFF  }
0xad: {  	s28 =	simm.s32 $_size_execute0_lowered;
	s3 =	sadd.s32 s3, s5;
	[dreg:$0x0] =	wrdreg $0x0  }
0xae: {  	s5 =	sshll.u32 s28, $0x1;
	[dreg:$0x2] =	wrdreg s3  }
0xaf: {  	[dreg:$0x3] =	wrdreg s5  }
0xb0: {  	[dreg:$0x4] =	wrdreg $0xC0  }
0xb1: {  	_ =	task [dreg:s7], $0x5FFFF  }
0xb2: {  	[dreg:$0x1] =	wrdreg $0xFFFFFFFF  }
0xb3: {  	[dreg:$0x0] =	wrdreg $0x60  }
0xb4: {  	[dreg:$0x2] =	wrdreg s24  }
0xb5: {  	[dreg:$0x3] =	wrdreg s16  }
0xb6: {  	[dreg:$0x4] =	wrdreg $0xB8000  }
0xb7: {  	[dreg:$0x5] =	wrdreg $0x9  }
0xb8: {  	_ =	task.clear_ibuf [dreg:s7], $0x6FFFF;
	_ =	strace $0x90000049  }
0xb9: {  	s29 =	simm.s32 $0x9;
	_ =	strace $0x8000004B  }
0xba: {  	_ =	swait.ge [sflag:s29], $0x1  }
0xbb: {  	[sflag:s29] =	ssyncadd.s32 $0xFFFFFFFF  }
0xbc: {  	_ =	strace $0x9000004B  }
0xbd: {  	_ =	sfence  }
0xbe: {  	s30 =	sld [smem:$0x0];
	_ =	sdelay $0x2  }
0xbf: {  	s31 =	sshll.u32 s1, $0xD;
	s1 =	sshrl.u32 s1, $0x2  }
0xc0: {  	s3 =	sand.u32 $0x4000, s31;
	s1 =	sadd.s32 s1, s30  }
0xc1: {  	s0 =	sor.u32 s3, s0;
	s1 =	sshll.u32 s1, $0x11  }
0xc2: {  	s0 =	sor.u32 s1, s0  }
0xc3: {  	s0 =	sadd.s32 $0x8F2B, s0  }
0xc4: {  	[sflag:s0] =	ssyncadd.remote.s32 $0x1  }
0xc5: {  	_ =	sfence.sel $0xFFFF  }
0xc6: {  	[dreg:$0x0] =	wrdreg $0xFFFFFFFF;
	(pc) =	sbr.abs _section_cstart, $3  }
0xc7: {  	[dreg:$0x1] =	wrdreg $0xFFFFFFFF  }
0xc8: {  	_ =	task.clear_ibuf [dreg:s7], $0x2FFFF;
	_ =	strace $0x9FFFFFFF  }
0xc9: {  	(tm) =	ssettm $0x7FFFFFFF  }
tec
execute0_lowered:
.L_overlay_start_1:
0x0: {  	(tag) =	ssettag $0x1  }
0x1: {  	s0 =	rddreg [dreg:$0x0]  }
0x2: {  	s6 =	rddreg [dreg:$0x1]  }
0x3: {  	s1 =	rddreg [dreg:$0x2];
	s2 =	simm.s32 $0x0  }
0x4: {  	s3 =	srdreg.scid;
	s16 =	stileid.u32;
	s19 =	simm.s32 $0x4000  }
0x5: {  	s20 =	simm.s32 $0x6800;
	s21 =	simm.s32 $0x9000;
	s22 =	simm.s32 $0x1  }
0x6: {  	[smem:$0x7FF] =	sst s2;
	s9 =	sand.u32 $0x1, s3;
	s4 =	smul.u32 $0x4E000, s16  }
0x7: {  	s23 =	sshll.u32 s16, $0x1;
	s13 =	sadd.s32 $0x506000, s0;
	s11 =	smul.u32 $0x2700, s16  }
0x8: {  	s25 =	sshll.u32 s16, $0x6;
	s29 =	smul.u32 $0x4E200, s16;
	p0 =	sne.s32 s16, $0x0  }
0x9: {  	_ =	strace $0x8000004A;
	s7 =	sor.u32 s9, s23;
	s15 =	smul.u32 $0x138800, s9  }
0xa: {  	s24 =	ssub.s32 $0x2, s9;
	s18 =	smul.u32 $0x27100, s9;
	s23 =	simm.s32 $0x50  }
0xb: {  	s3 =	sshll.u32 s7, $0xB;
	s5 =	sshrl.u32 s24, $0x1;
	s4 =	sshrl.u32 s4, $0x2  }
0xc: {  	s26 =	sadd.s32 s6, s11;
	s10 =	smul.u32 $0x138800, s7;
	s6 =	sadd.s32 $0x27000, s6  }
0xd: {  	s12 =	smul.u32 $0x27100, s7;
	s31 =	sadd.s32 s29, s13;
	s8 =	sadd.s32 s3, s0  }
0xe: {  	s0 =	sadd.s32 $0x14000, s0;
	s14 =	ssub.s32 s24, s5;
	s17 =	sadd.s32 s4, s1  }
0xf: {  	[dreg:$0x4] =	wrdreg s26;
	s4 =	sor.u32 $0x1C04, s25;
	s5 =	sadd.s32 $0x138000, s1  }
0x10: {  	s28 =	sshrl.u32 s15, $0x3;
	s11 =	sadd.s32 s11, s18;
	s24 =	simm.s32 $0x2  }
0x11: {  	s25 =	simm.s32 $0x3;
	s7 =	sadd.s32 $0x4000, s8;
	s10 =	sshrl.u32 s10, $0x3  }
0x12: {  	s8 =	sadd.s32 s13, s12;
	s12 =	sadd.s32 s0, s28;
	s11 =	sadd.s32 s0, s11  }
0x13: {  	s0 =	sadd.s32 s18, s31;
	s17 =	sshrl.u32 s17, $0x3;
	s18 =	simm.s32 $0x4  }
0x14: {  	s10 =	sadd.s32 s13, s10;
	s12 =	sadd.s32 $0x27000, s12;
	s13 =	smax.u32 s14, $0x1  }
0x15: {  	s14 =	sadd.s32 $0x26700, s8;
	s15 =	sadd.s32 $0x26C00, s8;
	s30 =	sadd.s32 $0x1900, s0  }
0x16: {  	s0 =	simm.s32 $0x0;
	s9 =	sadd.s32 $0x500, s10;
	s10 =	sadd.s32 $0xA00, s10  }
.LBB2_1:
0x17: {  	s3 =	rddreg [dreg:$0x4]  }
0x18: {  	[spmem:s17], [sflag:s4] =	dma.local [hbm:s3], $0x2700  }
0x19: {  	_ =	swait.ge [sflag:s18], $0x2700  }
0x1a: {  	[sflag:s18] =	ssyncset.done $0x0  }
0x1b: {  	s26 =	sshrl.u32 @!p0 s5, $0x3;
	s16 =	simm.s32 @!p0 $0x4;
	[sflag:s18] =	ssyncadd.s32 $0xFFFFD900  }
0x1c: {  	[spmem:s26], [sflag:s4] =	dma.local @!p0 [hbm:s6], $0x100  }
0x1d: {  	_ =	swait.ge @!p0 [sflag:s16], $0x100  }
0x1e: {  	[sflag:s16] =	ssyncset.done @!p0 $0x0  }
0x1f: {  	[sflag:s16] =	ssyncadd.s32 @!p0 $0xFFFFFF00  }
0x20: {  	[tilespmem:s2], [sflag:$0x4] =	stream.linear.gather [hbm4b:s7+s2], $0x3E80, $0x38;
	[tilespmem:$0x1F080] =	vst v63  }
0x21: {  	_ =	swait.ge [sflag:s18], $0x3E80  }
0x22: {  	[sflag:s18] =	ssyncset.done $0x0  }
0x23: {  	[sflag:s18] =	ssyncadd.s32 $0xFFFFC180  }
0x24: {  	[bflag:$0x0] =	sbarrier.arrive $0xFFFF  }
0x25: {  	[tilespmem:s19], [sflag:$0x1] =	stream.linear.gather [hbm4b:s8+s2], $0x2800, $0x38;
	[tilespmem:$0x1F080] =	vst v63  }
0x26: {  	_ = 	snop  }
0x27: {  	[tilespmem:s20], [sflag:$0x2] =	stream.linear.gather [hbm4b:s9+s2], $0x2800, $0x38;
	[tilespmem:$0x1F080] =	vst v63  }
0x28: {  	_ = 	snop  }
0x29: {  	[tilespmem:s21], [sflag:$0x3] =	stream.linear.gather [hbm4b:s10+s2], $0x2800, $0x38;
	[tilespmem:$0x1F080] =	vst v63  }
0x2a: {  	_ =	swait.ge [sflag:s22], $0x2800  }
0x2b: {  	[sflag:s22] =	ssyncset.done $0x0  }
0x2c: {  	s31 =	simm.s32 $0x0;
	[sflag:s22] =	ssyncadd.s32 $0xFFFFD800  }
0x2d: {  	[spmem:s1] =	stream.indirect.scatter.add.f32 [tilespmem:s19], [sflag:$0x4], $0x80, s31, s23, $0xb8;
	[tilespmem:$0x1F080] =	vst v63  }
0x2e: {  	_ =	swait.ge [sflag:s18], $0x2800  }
0x2f: {  	[sflag:s18] =	ssyncset.done $0x0  }
0x30: {  	s3 =	sadd.s32 $0xFFFFF600, s30;
	[sflag:s18] =	ssyncadd.s32 $0xFFFFD800  }
0x31: {  	[tilespmem:s19], [sflag:$0x1] =	stream.linear.gather [hbm4b:s3+s2], $0x2800, $0x38;
	[tilespmem:$0x1F080] =	vst v63  }
0x32: {  	_ =	swait.ge [sflag:s24], $0x2800  }
0x33: {  	[sflag:s24] =	ssyncset.done $0x0  }
0x34: {  	s31 =	simm.s32 $0x80;
	[sflag:s24] =	ssyncadd.s32 $0xFFFFD800  }
0x35: {  	[spmem:s1] =	stream.indirect.scatter.add.f32 [tilespmem:s20], [sflag:$0x4], $0x80, s31, s23, $0xb8;
	[tilespmem:$0x1F080] =	vst v63  }
0x36: {  	_ =	swait.ge [sflag:s18], $0x2800  }
0x37: {  	[sflag:s18] =	ssyncset.done $0x0  }
0x38: {  	s3 =	sadd.s32 $0xFFFFFB00, s30;
	[sflag:s18] =	ssyncadd.s32 $0xFFFFD800  }
0x39: {  	[tilespmem:s20], [sflag:$0x2] =	stream.linear.gather [hbm4b:s3+s2], $0x2800, $0x38;
	[tilespmem:$0x1F080] =	vst v63  }
0x3a: {  	_ =	swait.ge [sflag:s25], $0x2800  }
0x3b: {  	[sflag:s25] =	ssyncset.done $0x0  }
0x3c: {  	s31 =	simm.s32 $0x100;
	[sflag:s25] =	ssyncadd.s32 $0xFFFFD800  }
0x3d: {  	[spmem:s1] =	stream.indirect.scatter.add.f32 [tilespmem:s21], [sflag:$0x4], $0x80, s31, s23, $0xb8;
	[tilespmem:$0x1F080] =	vst v63  }
0x3e: {  	_ =	swait.ge [sflag:s18], $0x2800  }
0x3f: {  	s28 =	simm.s32 $0x600;
	[sflag:s18] =	ssyncset.done $0x0  }
0x40: {  	s29 =	sadd.s32 $0xF00, s30;
	s16 =	smov.u32 s30;
	[sflag:s18] =	ssyncadd.s32 $0xFFFFD800  }
.LBB2_2:
0x41: {  	[tilespmem:s21], [sflag:$0x3] =	stream.linear.gather [hbm4b:s16+s2], $0x2800, $0x38;
	[tilespmem:$0x1F080] =	vst v63  }
0x42: {  	s31 =	smov.u32 s28;
	s16 =	smov.u32 s29  }
0x43: {  	p1 =	sne.s32 s28, $0xEA00;
	s28 =	sadd.s32 $0x600, s28;
	_ =	swait.ge [sflag:s22], $0x2800  }
0x44: {  	[sflag:s22] =	ssyncset.done $0x0  }
0x45: {  	s31 =	sshra.s32 s31, $0x2;
	[sflag:s22] =	ssyncadd.s32 $0xFFFFD800  }
0x46: {  	[spmem:s1] =	stream.indirect.scatter.add.f32 [tilespmem:s19], [sflag:$0x4], $0x80, s31, s23, $0xb8;
	[tilespmem:$0x1F080] =	vst v63  }
0x47: {  	_ =	swait.ge [sflag:s18], $0x2800  }
0x48: {  	[sflag:s18] =	ssyncset.done $0x0  }
0x49: {  	s3 =	sadd.s32 $0xFFFFF600, s29;
	[sflag:s18] =	ssyncadd.s32 $0xFFFFD800  }
0x4a: {  	[tilespmem:s19], [sflag:$0x1] =	stream.linear.gather [hbm4b:s3+s2], $0x2800, $0x38;
	[tilespmem:$0x1F080] =	vst v63  }
0x4b: {  	_ =	swait.ge [sflag:s24], $0x2800  }
0x4c: {  	[sflag:s24] =	ssyncset.done $0x0  }
0x4d: {  	s3 =	sadd.s32 $0x80, s31;
	[sflag:s24] =	ssyncadd.s32 $0xFFFFD800  }
0x4e: {  	[spmem:s1] =	stream.indirect.scatter.add.f32 [tilespmem:s20], [sflag:$0x4], $0x80, s3, s23, $0xb8;
	[tilespmem:$0x1F080] =	vst v63  }
0x4f: {  	_ =	swait.ge [sflag:s18], $0x2800  }
0x50: {  	[sflag:s18] =	ssyncset.done $0x0  }
0x51: {  	s3 =	sadd.s32 $0xFFFFFB00, s29;
	[sflag:s18] =	ssyncadd.s32 $0xFFFFD800  }
0x52: {  	[tilespmem:s20], [sflag:$0x2] =	stream.linear.gather [hbm4b:s3+s2], $0x2800, $0x38;
	[tilespmem:$0x1F080] =	vst v63  }
0x53: {  	_ =	swait.ge [sflag:s25], $0x2800  }
0x54: {  	[sflag:s25] =	ssyncset.done $0x0  }
.Ltmp0:
0x55: {  	s3 =	sadd.s32 $0x100, s31;
	[sflag:s25] =	ssyncadd.s32 $0xFFFFD800;
	(pc) =	sbr.rel @p1 .LBB2_2-.Ltmp0, $4  }
0x56: {  	[spmem:s1] =	stream.indirect.scatter.add.f32 [tilespmem:s21], [sflag:$0x4], $0x80, s3, s23, $0xb8;
	[tilespmem:$0x1F080] =	vst v63  }
0x57: {  	_ =	swait.ge [sflag:s18], $0x2800  }
0x58: {  	[sflag:s18] =	ssyncset.done $0x0  }
0x59: {  	s29 =	sadd.s32 $0xF00, s29;
	[sflag:s18] =	ssyncadd.s32 $0xFFFFD800  }
0x5a: {  	[tilespmem:s21], [sflag:$0x3] =	stream.linear.gather [hbm4b:s16+s2], $0x2800, $0x38;
	[tilespmem:$0x1F080] =	vst v63  }
0x5b: {  	_ =	swait.ge [sflag:s22], $0x2800  }
0x5c: {  	[sflag:s22] =	ssyncset.done $0x0  }
0x5d: {  	s3 =	simm.s32 $0x3C00;
	[sflag:s22] =	ssyncadd.s32 $0xFFFFD800  }
0x5e: {  	[spmem:s1] =	stream.indirect.scatter.add.f32 [tilespmem:s19], [sflag:$0x4], $0x80, s3, s23, $0xb8;
	[tilespmem:$0x1F080] =	vst v63  }
0x5f: {  	_ =	swait.ge [sflag:s18], $0x2800  }
0x60: {  	[sflag:s18] =	ssyncset.done $0x0  }
0x61: {  	[sflag:s18] =	ssyncadd.s32 $0xFFFFD800  }
0x62: {  	[tilespmem:s19], [sflag:$0x1] =	stream.linear.gather [hbm4b:s14+s2], $0x2800, $0x38;
	[tilespmem:$0x1F080] =	vst v63  }
0x63: {  	_ =	swait.ge [sflag:s24], $0x2800  }
0x64: {  	[sflag:s24] =	ssyncset.done $0x0  }
0x65: {  	s16 =	simm.s32 $0x3C80;
	[sflag:s24] =	ssyncadd.s32 $0xFFFFD800  }
0x66: {  	[spmem:s1] =	stream.indirect.scatter.add.f32 [tilespmem:s20], [sflag:$0x4], $0x80, s16, s23, $0xb8;
	[tilespmem:$0x1F080] =	vst v63  }
0x67: {  	_ =	swait.ge [sflag:s18], $0x2800  }
0x68: {  	[sflag:s18] =	ssyncset.done $0x0  }
0x69: {  	[sflag:s18] =	ssyncadd.s32 $0xFFFFD800  }
0x6a: {  	[tilespmem:s20], [sflag:$0x2] =	stream.linear.gather [hbm4b:s15+s2], $0x2800, $0x38;
	[tilespmem:$0x1F080] =	vst v63  }
0x6b: {  	_ =	swait.ge [sflag:s25], $0x2800  }
0x6c: {  	[sflag:s25] =	ssyncset.done $0x0  }
0x6d: {  	s28 =	simm.s32 $0x3D00;
	[sflag:s25] =	ssyncadd.s32 $0xFFFFD800  }
0x6e: {  	[spmem:s1] =	stream.indirect.scatter.add.f32 [tilespmem:s21], [sflag:$0x4], $0x80, s28, s23, $0xb8;
	[tilespmem:$0x1F080] =	vst v63  }
0x6f: {  	_ =	swait.ge [sflag:s18], $0x2800  }
0x70: {  	[sflag:s18] =	ssyncset.done $0x0  }
0x71: {  	[sflag:s18] =	ssyncadd.s32 $0xFFFFD800  }
0x72: {  	_ =	swait.ge [sflag:s22], $0x2800  }
0x73: {  	[sflag:s22] =	ssyncset.done $0x0  }
0x74: {  	s29 =	simm.s32 $0x3D80;
	[sflag:s22] =	ssyncadd.s32 $0xFFFFD800  }
0x75: {  	[spmem:s1] =	stream.indirect.scatter.add.f32 [tilespmem:s19], [sflag:$0x4], $0x80, s29, s23, $0xb8;
	[tilespmem:$0x1F080] =	vst v63  }
0x76: {  	_ =	swait.ge [sflag:s18], $0x2800  }
0x77: {  	[sflag:s18] =	ssyncset.done $0x0  }
0x78: {  	[sflag:s18] =	ssyncadd.s32 $0xFFFFD800  }
0x79: {  	_ =	swait.ge [sflag:s24], $0x2800  }
0x7a: {  	[sflag:s24] =	ssyncset.done $0x0  }
0x7b: {  	s31 =	simm.s32 $0x3E00;
	[sflag:s24] =	ssyncadd.s32 $0xFFFFD800  }
0x7c: {  	[spmem:s1] =	stream.indirect.scatter.add.f32 [tilespmem:s20], [sflag:$0x4], $0x80, s31, s23, $0xb8;
	[tilespmem:$0x1F080] =	vst v63  }
0x7d: {  	_ =	swait.ge [sflag:s18], $0x2800  }
0x7e: {  	[sflag:s18] =	ssyncset.done $0x0  }
0x7f: {  	[sflag:s18] =	ssyncadd.s32 $0xFFFFD800  }
0x80: {  	[bflag:$0x0] =	sbarrier.arrive $0xFFFF  }
0x81: {  	[hbm:s11], [sflag:s4] =	dma.local [spmem:s17], $0x2700  }
0x82: {  	s0 =	sadd.s32 $0x1, s0;
	_ =	swait.ge [sflag:s18], $0x2700  }
0x83: {  	p1 =	sne.s32 s0, s13;
	[sflag:s18] =	ssyncset.done $0x0  }
.Ltmp1:
0x84: {  	s3 =	simm.s32 @!p0 $0x4;
	[sflag:s18] =	ssyncadd.s32 $0xFFFFD900;
	(pc) =	sbr.rel @p1 .LBB2_1-.Ltmp1, $4  }
0x85: {  	[hbm:s12], [sflag:s4] =	dma.local @!p0 [spmem:s26], $0x100  }
0x86: {  	_ =	swait.ge @!p0 [sflag:s3], $0x100  }
0x87: {  	[sflag:s3] =	ssyncset.done @!p0 $0x0  }
0x88: {  	[sflag:s3] =	ssyncadd.s32 @!p0 $0xFFFFFF00  }
0x89: {  	_ =	sfence.sel $0x180000  }
0x8a: {  	[bflag:$0x0] =	sbarrier.arrive $0xFFFF  }
0x8b: {  	_ =	strace $0x9000004A  }
0x8c: {  	[bflag:$0x2] =	sbarrier.arrive $0xFFFF  }
0x8d: {  	s0 =	rddreg [dreg:$0x3]  }
0x8e: {  	s0 =	sadd.s32 @!p0 $0x100000, s0  }
0x8f: {  	[sflag:s0] =	ssyncadd.tile.s32 @!p0 $0x1;
	_ =	shalt  }
.Lfunc_end2:
_tile_overlayer_lowered:
.L_overlay_start_2:
0x90: {  	(tag) =	ssettag $0x2  }
0x91: {  	s0 =	rddreg [dreg:$0x0];
	s2 =	stileid.u32  }
0x92: {  	s1 =	rddreg [dreg:$0x1];
	p0 =	sne.s32 s2, $0x0  }
0x93: {  	s3 =	rddreg [dreg:$0x2];
	[bflag:$0x3] =	sbarrier.arrive $0xFFFF;
	s2 =	simm.s32 @!p0 $0x1C04  }
0x94: {  	[timem:s3], [sflag:s2] =	dma.local @!p0 [hbm:s0], s1  }
0x95: {  	s0 =	simm.s32 @!p0 $0x4  }
0x96: {  	_ =	swait.ge @!p0 [sflag:s0], s1  }
0x97: {  	s1 =	ssub.s32 @!p0 $0x0, s1;
	[sflag:s0] =	ssyncset.done @!p0 $0x0  }
0x98: {  	[sflag:s0] =	ssyncadd.s32 @!p0 s1  }
0x99: {  	[bflag:$0x3] =	sbarrier.arrive $0xFFFF  }
0x9a: {  	_ =	shalt  }

// kernel: kernel.7.cloned.1.call-start
scs
__scs_entry_jumppad:
0x0: {  	(pc) =	sbr.rel $0x88, $3  }
0x1: {  	(tag) =	ssettag $0x0;
	lr =	simm.s32 $0x1  }
0x2: {  	[smem:$0x3F91] =	sst lr;
	_ =	strace $0xD0000000  }
0x3: {  	_ = 	snop  }
0x4: {  	_ = 	snop  }
0x5: {  	_ = 	snop  }
0x6: {  	_ = 	snop  }
0x7: {  	_ = 	snop  }
__scs_overlays_trampoline_lowered:
0x8: {  	[smem:$0x3FA0] =	sst s0  }
0x9: {  	[smem:$0x3FA1] =	sst s1  }
0xa: {  	[smem:$0x3FA2] =	sst s2  }
0xb: {  	[smem:$0x3FA3] =	sst s3  }
0xc: {  	[smem:$0x3FA4] =	sst s4  }
0xd: {  	[smem:$0x3FA5] =	sst s5  }
0xe: {  	[smem:$0x3FA6] =	sst s6  }
0xf: {  	[smem:$0x3FA7] =	sst s7  }
0x10: {  	[smem:$0x3FA8] =	sst s8  }
0x11: {  	[smem:$0x3FA9] =	sst s9;
	s0 =	simm.s32 @!p0 $0x0  }
0x12: {  	s1 =	sld [smem:$0x3F8F];
	s0 =	simm.s32 @p0 $0x1  }
0x13: {  	[smem:$0x3FAA] =	sst s0;
	s0 =	simm.s32 @!p1 $0x0  }
0x14: {  	s2 =	sld [smem:$0x3F8E];
	s0 =	simm.s32 @p1 $0x1  }
0x15: {  	[smem:$0x3FAB] =	sst s0;
	s0 =	simm.s32 @!p2 $0x0  }
0x16: {  	s3 =	sld [smem:$0x3FDB];
	s0 =	simm.s32 @p2 $0x1  }
0x17: {  	s4 =	simm.s32 $0x1BF5;
	[smem:$0x3FAD] =	sst s0  }
0x18: {  	s0 =	sld [smem:$0x3F90];
	_ =	swait.ge [sflag:s4], $0x0  }
0x19: {  	s7 =	sld [smem:$0x3F91]  }
0x1a: {  	s8 =	sadd.s32 $0xFFFFE003, lr  }
0x1b: {  	s9 =	sadd.s32 $0xFFFFFEF7, lr;
	s5 =	simm.s32 $0xFFFFFFFF;
	p2 =	slt.u32 s8, $0xFFFFF086  }
0x1c: {  	p1 =	slt.u32 s9, $0xF7A;
	s5 =	simm.s32 @!p2 $0x0  }
0x1d: {  	s5 =	simm.s32 @p1 $0x1;
	p0 =	seq.s32 s7, s2  }
0x1e: {  	s7 =	smul.u32 @!p0 $0xF7A, s2;
	p2 =	seq.s32 @!p0 s5, $0x0  }
0x1f: {  	s9 =	smul.u32 $0xF7A, s1;
	s8 =	simm.s32 @!p0 $0x1BF5;
	p2 =	por !p2, p0  }
0x20: {  	[sflag:s8] =	ssyncset.s32 @!p0 $0xFFFFF086;
	s6 =	sadd.s32 @!p0 s3, s7;
	s7 =	simm.s32 @!p0 $0x108  }
0x21: {  	s3 =	sadd.s32 s3, s9;
	s6 =	sadd.s32 @!p0 $0x88, s6;
	s7 =	simm.s32 @p2 $0x1082  }
0x22: {  	[simem:s7], [sflag:s8] =	dma.local @!p0 [hbm:s6], $0xF7A  }
0x23: {  	s9 =	sor.u32 $0xD0000000, s2;
	s6 =	simm.s32 $0x108;
	_ =	swait.ge @!p0 [sflag:s8], $0x0  }
0x24: {  	s3 =	sadd.s32 $0x88, s3;
	s6 =	simm.s32 @!p1 $0x1082;
	[sflag:s4] =	ssyncset.s32 $0xFFFFF086  }
0x25: {  	[simem:s6], [sflag:s4] =	dma.local [hbm:s3], $0xF7A  }
0x26: {  	[smem:$0x3F91] =	sst s1;
	(tag) =	ssettag s2;
	_ =	strace s9  }
0x27: {  	s1 =	sld [smem:$0x3FA1]  }
0x28: {  	s2 =	sld [smem:$0x3FA2]  }
0x29: {  	s4 =	sld [smem:$0x3FA4]  }
0x2a: {  	p0 =	seq.s32 s5, $0x0;
	s5 =	sld [smem:$0x3FA5]  }
0x2b: {  	s6 =	sld [smem:$0x3FA6]  }
0x2c: {  	s7 =	sld [smem:$0x3FA7]  }
0x2d: {  	s3 =	simm.s32 $0x108;
	s8 =	sld [smem:$0x3FA8]  }
0x2e: {  	s3 =	simm.s32 @!p0 $0x1082;
	s9 =	sld [smem:$0x3FA9]  }
0x2f: {  	lr =	sadd.s32 s0, s3;
	s0 =	sld [smem:$0x3FA0]  }
0x30: {  	s3 =	sld [smem:$0x3FA3]  }
0x31: {  	[smem:$0x3FAC] =	sst s10  }
0x32: {  	s10 =	sld [smem:$0x3FAA];
	_ =	sdelay $0x3  }
0x33: {  	p0 =	seq.s32 s10, $0x1;
	s10 =	sld [smem:$0x3FAC];
	_ =	sdelay $0x3  }
0x34: {  	[smem:$0x3FAC] =	sst s10  }
0x35: {  	s10 =	sld [smem:$0x3FAB];
	_ =	sdelay $0x3  }
0x36: {  	p1 =	seq.s32 s10, $0x1;
	s10 =	sld [smem:$0x3FAC];
	_ =	sdelay $0x3  }
0x37: {  	[smem:$0x3FAC] =	sst s10  }
0x38: {  	s10 =	sld [smem:$0x3FAD]  }
0x39: {  	_ = 	snop;
	(pc) =	sbr.ind lr, $3  }
0x3a: {  	_ = 	snop  }
0x3b: {  	_ = 	snop  }
0x3c: {  	p2 =	seq.s32 s10, $0x1;
	s10 =	sld [smem:$0x3FAC]  }
0x3d: {  	_ =	shalt  }
0x3e: {  	_ =	shalt  }
0x3f: {  	_ =	shalt  }
0x40: {  	_ =	shalt  }
0x41: {  	_ =	shalt  }
0x42: {  	_ =	shalt  }
0x43: {  	_ =	shalt  }
0x44: {  	_ =	shalt  }
0x45: {  	_ =	shalt  }
0x46: {  	_ =	shalt  }
0x47: {  	_ =	shalt  }
0x48: {  	_ =	shalt  }
0x49: {  	_ =	shalt  }
0x4a: {  	_ =	shalt  }
0x4b: {  	_ =	shalt  }
0x4c: {  	_ =	shalt  }
0x4d: {  	_ =	shalt  }
0x4e: {  	_ =	shalt  }
0x4f: {  	_ =	shalt  }
0x50: {  	_ =	shalt  }
0x51: {  	_ =	shalt  }
0x52: {  	_ =	shalt  }
0x53: {  	_ =	shalt  }
0x54: {  	_ =	shalt  }
0x55: {  	_ =	shalt  }
0x56: {  	_ =	shalt  }
0x57: {  	_ =	shalt  }
0x58: {  	_ =	shalt  }
0x59: {  	_ =	shalt  }
0x5a: {  	_ =	shalt  }
0x5b: {  	_ =	shalt  }
0x5c: {  	_ =	shalt  }
0x5d: {  	_ =	shalt  }
0x5e: {  	_ =	shalt  }
0x5f: {  	_ =	shalt  }
0x60: {  	_ =	shalt  }
0x61: {  	_ =	shalt  }
0x62: {  	_ =	shalt  }
0x63: {  	_ =	shalt  }
0x64: {  	_ =	shalt  }
0x65: {  	_ =	shalt  }
0x66: {  	_ =	shalt  }
0x67: {  	_ =	shalt  }
0x68: {  	_ =	shalt  }
0x69: {  	_ =	shalt  }
0x6a: {  	_ =	shalt  }
0x6b: {  	_ =	shalt  }
0x6c: {  	_ =	shalt  }
0x6d: {  	_ =	shalt  }
0x6e: {  	_ =	shalt  }
0x6f: {  	_ =	shalt  }
0x70: {  	_ =	shalt  }
0x71: {  	_ =	shalt  }
0x72: {  	_ =	shalt  }
0x73: {  	_ =	shalt  }
0x74: {  	_ =	shalt  }
0x75: {  	_ =	shalt  }
0x76: {  	_ =	shalt  }
0x77: {  	_ =	shalt  }
0x78: {  	_ =	shalt  }
0x79: {  	_ =	shalt  }
0x7a: {  	_ =	shalt  }
0x7b: {  	_ =	shalt  }
0x7c: {  	_ =	shalt  }
0x7d: {  	_ =	shalt  }
0x7e: {  	_ =	shalt  }
0x7f: {  	_ =	shalt  }
0x80: {  	_ =	shalt  }
0x81: {  	_ =	shalt  }
0x82: {  	_ =	shalt  }
0x83: {  	_ =	shalt  }
0x84: {  	_ =	shalt  }
0x85: {  	_ =	shalt  }
0x86: {  	_ =	shalt  }
0x87: {  	_ =	shalt  }
.Lfunc_end0:
.L_simem_size_0:
called_computation_lowered:
.L_overlay_start_0:
0x88: {  	s2 =	sld [smem:$0x3FD9]  }
0x89: {  	s3 =	sld [smem:$0x3FFE];
	_ =	sdelay $0x1  }
0x8a: {  	s1 =	srdreg.scid  }
0x8b: {  	s0 =	sand.u32 $0x1, s1  }
0x8c: {  	s14 =	sshll.u32 s0, $0xA;
	s2 =	sadd.s32 s3, s2  }
0x8d: {  	s2 =	sadd.s32 s2, s14  }
0x8e: {  	[smem:$0x3FB8] =	sst s2  }
0x8f: {  	_ = 	snop  }
0x90: {  	s2 =	sld [smem:$0x3FD0];
	_ =	sdelay $0x2  }
0x91: {  	s15 =	simm.s32 $0xA;
	s4 =	simm.s32 $0x10  }
0x92: {  	[smem:s4], [sflag:s15] =	dma.local [hbm:s2], $0x1  }
0x93: {  	_ =	swait.eq [sflag:s15], $0x1  }
0x94: {  	[sflag:s15] =	ssyncset.done $0x0  }
0x95: {  	s16 =	sld [smem:$0x10];
	[sflag:s15] =	ssyncadd.s32 $0xFFFFFFFF  }
0x96: {  	s17 =	sld [smem:$0x11];
	(tm) =	ssettm $0x1  }
0x97: {  	s18 =	sld [smem:$0x3FFB];
	_ =	sdelay $0x3  }
0x98: {  	_ =	strace s18  }
0x99: {  	s4 =	sld [smem:$0x3FFC];
	_ =	sdelay $0x3  }
0x9a: {  	_ =	strace s4  }
0x9b: {  	s4 =	sld [smem:$0x3FFD];
	_ =	sdelay $0x3  }
0x9c: {  	_ =	strace s4  }
0x9d: {  	_ =	strace $0x8FFFFFFF  }
0x9e: {  	s19 =	sld [smem:$0x3FDB];
	_ =	sdelay $0x1  }
0x9f: {  	s5 =	simm.s32 $_scs_section_size  }
0xa0: {  	s6 =	simm.s32 $_size__tile_overlayer_lowered;
	s7 =	simm.s32 $_tile_overlayer_lowered  }
0xa1: {  	s22 =	simm.s32 $0x1BFF;
	s21 =	sshll.u32 s7, $0x1;
	s4 =	sadd.s32 s5, s19  }
0xa2: {  	s8 =	simm.s32 $0x0;
	s20 =	sshll.u32 s6, $0x1;
	s6 =	sadd.s32 s21, s4  }
0xa3: {  	[timem:s8], [sflag:s22] =	dma.local [hbm:s6], s20  }
0xa4: {  	_ =	swait.ge [sflag:s22], s20  }
0xa5: {  	s5 =	ssub.s32 $0x0, s20;
	[sflag:s22] =	ssyncset.done $0x0  }
0xa6: {  	[sflag:s22] =	ssyncadd.s32 s5;
	_ =	sdelay $0x1  }
0xa7: {  	s23 =	simm.s32 $0x1B8B  }
0xa8: {  	_ =	swait.ge [sflag:s23], $0x1  }
0xa9: {  	[sflag:s23] =	ssyncset.done $0x0  }
0xaa: {  	s25 =	simm.s32 $0x1B8E;
	s24 =	sld [smem:$0x3FFE];
	[sflag:s23] =	ssyncadd.s32 $0xFFFFFFFF  }
0xab: {  	s26 =	simm.s32 $execute0_lowered;
	[smem:$0x3FD2] =	sst s25  }
0xac: {  	s6 =	sshll.u32 s26, $0x1;
	_ =	strace $0x80000046;
	[dreg:$0x1] =	wrdreg $0xFFFFFFFF  }
0xad: {  	s28 =	simm.s32 $_size_execute0_lowered;
	s4 =	sadd.s32 s4, s6;
	[dreg:$0x0] =	wrdreg $0x0  }
0xae: {  	s6 =	sshll.u32 s28, $0x1;
	[dreg:$0x2] =	wrdreg s4  }
0xaf: {  	[dreg:$0x3] =	wrdreg s6  }
0xb0: {  	[dreg:$0x4] =	wrdreg $0xC0  }
0xb1: {  	_ =	task [dreg:s8], $0x5FFFF  }
0xb2: {  	[dreg:$0x1] =	wrdreg $0xFFFFFFFF  }
0xb3: {  	[dreg:$0x0] =	wrdreg $0x60  }
0xb4: {  	[dreg:$0x2] =	wrdreg s16  }
0xb5: {  	[dreg:$0x3] =	wrdreg s17  }
0xb6: {  	[dreg:$0x4] =	wrdreg s24  }
0xb7: {  	[dreg:$0x5] =	wrdreg $0x9  }
0xb8: {  	_ =	task.clear_ibuf [dreg:s8], $0x6FFFF;
	_ =	strace $0x90000046  }
0xb9: {  	s29 =	simm.s32 $0x9;
	_ =	strace $0x80000048  }
0xba: {  	_ =	swait.ge [sflag:s29], $0x1  }
0xbb: {  	[sflag:s29] =	ssyncadd.s32 $0xFFFFFFFF  }
0xbc: {  	_ =	strace $0x90000048  }
0xbd: {  	_ =	sfence  }
0xbe: {  	s30 =	sld [smem:$0x0];
	_ =	sdelay $0x2  }
0xbf: {  	s31 =	sshll.u32 s1, $0xD;
	s1 =	sshrl.u32 s1, $0x2  }
0xc0: {  	s3 =	sand.u32 $0x4000, s31;
	s1 =	sadd.s32 s1, s30  }
0xc1: {  	s0 =	sor.u32 s3, s0;
	s1 =	sshll.u32 s1, $0x11  }
0xc2: {  	s0 =	sor.u32 s1, s0  }
0xc3: {  	s0 =	sadd.s32 $0x8F2B, s0  }
0xc4: {  	[sflag:s0] =	ssyncadd.remote.s32 $0x1  }
0xc5: {  	_ =	sfence.sel $0xFFFF  }
0xc6: {  	[dreg:$0x0] =	wrdreg $0xFFFFFFFF;
	(pc) =	sbr.abs _section_cstart, $3  }
0xc7: {  	[dreg:$0x1] =	wrdreg $0xFFFFFFFF  }
0xc8: {  	_ =	task.clear_ibuf [dreg:s8], $0x2FFFF;
	_ =	strace $0x9FFFFFFF  }
0xc9: {  	(tm) =	ssettm $0x7FFFFFFF  }
tec
execute0_lowered:
.L_overlay_start_1:
0x0: {  	(tag) =	ssettag $0x1  }
0x1: {  	s1 =	rddreg [dreg:$0x0]  }
0x2: {  	s3 =	rddreg [dreg:$0x1]  }
0x3: {  	s0 =	rddreg [dreg:$0x2]  }
0x4: {  	s2 =	srdreg.scid;
	s5 =	stileid.u32  }
0x5: {  	s4 =	simm.s32 $0x0;
	s16 =	simm.s32 $0x50;
	s17 =	simm.s32 $0x8000  }
0x6: {  	s18 =	simm.s32 $0xA800;
	s20 =	simm.s32 $0xD000;
	s22 =	simm.s32 $0xF800  }
0x7: {  	s28 =	simm.s32 $0x1;
	s29 =	simm.s32 $0x2;
	s30 =	simm.s32 $0x17000  }
0x8: {  	s31 =	simm.s32 $0x3;
	s19 =	simm.s32 $0x5;
	s21 =	simm.s32 $0x6  }
0x9: {  	s2 =	sand.u32 $0x1, s2;
	s5 =	sshll.u32 s5, $0x1;
	[smem:$0x7FF] =	sst s4  }
0xa: {  	s11 =	simm.s32 $0x0;
	s6 =	sor.u32 s2, s5;
	_ =	strace $0x80000047  }
0xb: {  	s2 =	ssub.s32 $0x2, s2;
	s5 =	sshll.u32 s6, $0xB;
	s8 =	smul.u32 $0x138800, s6  }
0xc: {  	s23 =	sshrl.u32 s2, $0x1;
	s6 =	smul.u32 $0x2710, s6;
	s7 =	sadd.s32 s5, s0  }
0xd: {  	s5 =	sadd.s32 $0x24000, s0;
	s0 =	ssub.s32 s2, s23;
	s24 =	sadd.s32 $0x14000, s7  }
0xe: {  	s25 =	sshrl.u32 s8, $0x3;
	s7 =	sadd.s32 $0x4000, s7;
	[dreg:$0x4] =	wrdreg s24  }
0xf: {  	s0 =	smax.u32 s0, $0x1;
	[dreg:$0x5] =	wrdreg s7;
	s2 =	sadd.s32 s5, s25  }
0x10: {  	s9 =	sadd.s32 $0x50, s6;
	[dreg:$0x8] =	wrdreg s0;
	s26 =	sadd.s32 $0x26700, s2  }
0x11: {  	s10 =	sadd.s32 $0xA0, s6;
	s2 =	sadd.s32 $0x26C00, s2;
	[dreg:$0x6] =	wrdreg s26  }
0x12: {  	s0 =	simm.s32 $0x4;
	[dreg:$0x7] =	wrdreg s2;
	s2 =	simm.s32 $0x19800  }
.LBB2_1:
0x13: {  	[dreg:$0x9] =	wrdreg s11  }
0x14: {  	s7 =	rddreg [dreg:$0x4];
	s8 =	simm.s32 $0xA  }
0x15: {  	[tilespmem:s4], [sflag:$0xA] =	stream.linear.gather [hbm4b:s7+s4], $0x3E80, $0x38;
	[tilespmem:$0x1E800] =	vst v63  }
0x16: {  	_ =	swait.ge [sflag:s8], $0x3E80  }
0x17: {  	[sflag:s8] =	ssyncset.done $0x0  }
0x18: {  	s13 =	simm.s32 $0x4000;
	s12 =	rddreg [dreg:$0x5];
	[sflag:s8] =	ssyncadd.s32 $0xFFFFC180  }
0x19: {  	[tilespmem:s13], [sflag:$0xA] =	stream.linear.gather [hbm4b:s12+s4], $0x3E80, $0x38;
	[tilespmem:$0x1E800] =	vst v63  }
0x1a: {  	_ =	swait.ge [sflag:s8], $0x3E80  }
0x1b: {  	[sflag:s8] =	ssyncset.done $0x0  }
0x1c: {  	[sflag:s8] =	ssyncadd.s32 $0xFFFFC180  }
0x1d: {  	[tilespmem:s17], [sflag:$0x1] =	stream.indirect.gather [hbm4b:s1+s16], $0x80, s4, s16, $0xb8;
	[tilespmem:$0x1E800] =	vst v63  }
0x1e: {  	_ = 	snop  }
0x1f: {  	[tilespmem:s18], [sflag:$0x2] =	stream.indirect.gather [hbm4b:s3+s16], $0x80, s13, s16, $0xb8;
	[tilespmem:$0x1E800] =	vst v63  }
0x20: {  	s14 =	simm.s32 $0x80  }
0x21: {  	[tilespmem:s20], [sflag:$0x3] =	stream.indirect.gather [hbm4b:s1+s16], $0x80, s14, s16, $0xb8;
	[tilespmem:$0x1E800] =	vst v63  }
0x22: {  	s15 =	simm.s32 $0x4080  }
0x23: {  	[tilespmem:s22], [sflag:$0x4] =	stream.indirect.gather [hbm4b:s3+s16], $0x80, s15, s16, $0xb8;
	[tilespmem:$0x1E800] =	vst v63  }
0x24: {  	s23 =	simm.s32 $0x100;
	s24 =	simm.s32 $0x12000  }
0x25: {  	[tilespmem:s24], [sflag:$0x5] =	stream.indirect.gather [hbm4b:s1+s16], $0x80, s23, s16, $0xb8;
	[tilespmem:$0x1E800] =	vst v63  }
0x26: {  	s25 =	simm.s32 $0x4100;
	s26 =	simm.s32 $0x14800;
	s7 =	simm.s32 $0x0  }
0x27: {  	[tilespmem:s26], [sflag:$0x6] =	stream.indirect.gather [hbm4b:s3+s16], $0x80, s25, s16, $0xb8;
	[tilespmem:$0x1E800] =	vst v63  }
.LBB2_2:
0x28: {  	_ =	swait.ge [sflag:s28], $0x2800  }
0x29: {  	[sflag:s28] =	ssyncset.done $0x0  }
0x2a: {  	[sflag:s28] =	ssyncadd.s32 $0xFFFFD800  }
0x2b: {  	_ =	swait.ge [sflag:s29], $0x2800  }
0x2c: {  	p0 =	seq.s32 s7, $0x0;
	[sflag:s29] =	ssyncset.done $0x0  }
0x2d: {  	s8 =	simm.s32 @!p0 $0x7;
	[sflag:s29] =	ssyncadd.s32 $0xFFFFD800  }
0x2e: {  	_ =	swait.ge @!p0 [sflag:s8], $0x2800  }
0x2f: {  	[sflag:s8] =	ssyncset.done @!p0 $0x0  }
0x30: {  	[sflag:s8] =	ssyncadd.s32 @!p0 $0xFFFFD800;
	s8 =	simm.s32 $0x8100  }
0x31: {  	s12 =	simm.s32 $0xA900;
	v0 =	vld [tilespmem:s8+$0x80]  }
0x32: {  	v1 =	vld [tilespmem:s12+$0x80];
	_ =	sdelay $0x2  }
0x33: {  	v2 =	vld [tilespmem:s8+$0xFFFFFF80]  }
0x34: {  	v3 =	vld [tilespmem:s12+$0xFFFFFF80]  }
0x35: {  	v4 =	vld [tilespmem:s12+$0xFFFFFF00];
	v0 =	vadd.f32 v1, v0  }
0x36: {  	s13 =	simm.s32 $0x17100;
	v1 =	vld [tilespmem:s8+$0xFFFFFF00]  }
0x37: {  	[tilespmem:s13+$0x80] =	vst v0  }
0x38: {  	v0 =	vld [tilespmem:s8+$0x90]  }
0x39: {  	v2 =	vadd.f32 v3, v2;
	v3 =	vld [tilespmem:s12+$0x90]  }
0x3a: {  	v5 =	vld [tilespmem:s8+$0x0]  }
0x3b: {  	v6 =	vld [tilespmem:s12+$0x0];
	[tilespmem:s13+$0xFFFFFF80] =	vst v2;
	v1 =	vadd.f32 v4, v1  }
0x3c: {  	v2 =	vld [tilespmem:s8+$0xFFFFFF90]  }
0x3d: {  	v4 =	vld [tilespmem:s12+$0xFFFFFF90];
	[tilespmem:s13+$0xFFFFFF00] =	vst v1  }
0x3e: {  	v1 =	vld [tilespmem:s8+$0xFFFFFF10];
	v0 =	vadd.f32 v3, v0  }
0x3f: {  	v3 =	vld [tilespmem:s12+$0xFFFFFF10]  }
0x40: {  	v5 =	vadd.f32 v6, v5;
	[tilespmem:s13+$0x90] =	vst v0  }
0x41: {  	v0 =	vld [tilespmem:s8+$0xA0]  }
0x42: {  	[tilespmem:s13+$0x0] =	vst v5;
	v2 =	vadd.f32 v4, v2;
	v4 =	vld [tilespmem:s12+$0xA0]  }
0x43: {  	v5 =	vld [tilespmem:s8+$0x10]  }
0x44: {  	v6 =	vld [tilespmem:s12+$0x10];
	[tilespmem:s13+$0xFFFFFF90] =	vst v2;
	v1 =	vadd.f32 v3, v1  }
0x45: {  	v2 =	vld [tilespmem:s8+$0xFFFFFFA0]  }
0x46: {  	v3 =	vld [tilespmem:s12+$0xFFFFFFA0];
	[tilespmem:s13+$0xFFFFFF10] =	vst v1  }
0x47: {  	v1 =	vld [tilespmem:s8+$0xFFFFFF20];
	v0 =	vadd.f32 v4, v0  }
0x48: {  	v4 =	vld [tilespmem:s12+$0xFFFFFF20]  }
0x49: {  	v5 =	vadd.f32 v6, v5;
	[tilespmem:s13+$0xA0] =	vst v0  }
0x4a: {  	v0 =	vld [tilespmem:s8+$0xB0]  }
0x4b: {  	[tilespmem:s13+$0x10] =	vst v5;
	v2 =	vadd.f32 v3, v2;
	v3 =	vld [tilespmem:s12+$0xB0]  }
0x4c: {  	v5 =	vld [tilespmem:s8+$0x20]  }
0x4d: {  	[tilespmem:s13+$0xFFFFFFA0] =	vst v2;
	v2 =	vld [tilespmem:s12+$0x20];
	v1 =	vadd.f32 v4, v1  }
0x4e: {  	v4 =	vld [tilespmem:s8+$0xFFFFFFB0]  }
0x4f: {  	v6 =	vld [tilespmem:s12+$0xFFFFFFB0];
	[tilespmem:s13+$0xFFFFFF20] =	vst v1  }
0x50: {  	v1 =	vld [tilespmem:s8+$0xFFFFFF30];
	v0 =	vadd.f32 v3, v0  }
0x51: {  	v3 =	vld [tilespmem:s12+$0xFFFFFF30]  }
0x52: {  	v2 =	vadd.f32 v2, v5;
	[tilespmem:s13+$0xB0] =	vst v0  }
0x53: {  	v0 =	vld [tilespmem:s8+$0xC0]  }
0x54: {  	v4 =	vadd.f32 v6, v4;
	[tilespmem:s13+$0x20] =	vst v2;
	v2 =	vld [tilespmem:s12+$0xC0]  }
0x55: {  	v5 =	vld [tilespmem:s8+$0x30]  }
0x56: {  	[tilespmem:s13+$0xFFFFFFB0] =	vst v4;
	v1 =	vadd.f32 v3, v1;
	v3 =	vld [tilespmem:s12+$0x30]  }
0x57: {  	v4 =	vld [tilespmem:s8+$0xFFFFFFC0]  }
0x58: {  	[tilespmem:s13+$0xFFFFFF30] =	vst v1;
	v1 =	vld [tilespmem:s12+$0xFFFFFFC0]  }
0x59: {  	v6 =	vld [tilespmem:s8+$0xFFFFFF40];
	v0 =	vadd.f32 v2, v0  }
0x5a: {  	v2 =	vld [tilespmem:s12+$0xFFFFFF40]  }
0x5b: {  	v3 =	vadd.f32 v3, v5;
	[tilespmem:s13+$0xC0] =	vst v0  }
0x5c: {  	v0 =	vld [tilespmem:s8+$0xD0]  }
0x5d: {  	v1 =	vadd.f32 v1, v4;
	[tilespmem:s13+$0x30] =	vst v3;
	v3 =	vld [tilespmem:s12+$0xD0]  }
0x5e: {  	v4 =	vld [tilespmem:s8+$0x40]  }
0x5f: {  	v2 =	vadd.f32 v2, v6;
	[tilespmem:s13+$0xFFFFFFC0] =	vst v1;
	v1 =	vld [tilespmem:s12+$0x40]  }
0x60: {  	v5 =	vld [tilespmem:s8+$0xFFFFFFD0]  }
0x61: {  	[tilespmem:s13+$0xFFFFFF40] =	vst v2;
	v2 =	vld [tilespmem:s12+$0xFFFFFFD0]  }
0x62: {  	v6 =	vld [tilespmem:s8+$0xFFFFFF50];
	v0 =	vadd.f32 v3, v0  }
0x63: {  	v3 =	vld [tilespmem:s12+$0xFFFFFF50]  }
0x64: {  	v1 =	vadd.f32 v1, v4;
	[tilespmem:s13+$0xD0] =	vst v0  }
0x65: {  	v7 =	vld [tilespmem:s8+$0xE0]  }
0x66: {  	v0 =	vadd.f32 v2, v5;
	v5 =	vld [tilespmem:s12+$0xE0];
	[tilespmem:s13+$0x40] =	vst v1  }
0x67: {  	v1 =	vld [tilespmem:s8+$0x50]  }
0x68: {  	v2 =	vadd.f32 v3, v6;
	[tilespmem:s13+$0xFFFFFFD0] =	vst v0;
	v4 =	vld [tilespmem:s12+$0x50]  }
0x69: {  	v0 =	vld [tilespmem:s8+$0xFFFFFFE0]  }
0x6a: {  	s11 =	smul.u32 $0xF0, s7;
	v3 =	vld [tilespmem:s12+$0xFFFFFFE0];
	[tilespmem:s13+$0xFFFFFF50] =	vst v2  }
0x6b: {  	s24 =	simm.s32 $0x0;
	s25 =	simm.s32 $0x8300;
	v2 =	vld [tilespmem:s8+$0xFFFFFF60];
	v6 =	vadd.f32 v5, v7  }
0x6c: {  	s15 =	simm.s32 $0xA900;
	s14 =	simm.s32 $0x17100;
	s26 =	sadd.s32 s6, s11;
	v5 =	vld [tilespmem:s12+$0xFFFFFF60]  }
.LBB2_3:
0x6d: {  	v7 =	vld [tilespmem:s25+$0x80];
	v1 =	vadd.f32 v4, v1;
	[tilespmem:s13+$0xE0] =	vst v6  }
0x6e: {  	v4 =	vld [tilespmem:s8+$0xF0]  }
0x6f: {  	s15 =	sadd.s32 $0x200, s15;
	v0 =	vadd.f32 v3, v0;
	[tilespmem:s13+$0x50] =	vst v1;
	v1 =	vld [tilespmem:s12+$0xF0]  }
0x70: {  	v3 =	vld [tilespmem:s15+$0x80]  }
0x71: {  	v6 =	vld [tilespmem:s15+$0xFFFFFF00];
	v2 =	vadd.f32 v5, v2;
	[tilespmem:s13+$0xFFFFFFE0] =	vst v0  }
0x72: {  	v0 =	vld [tilespmem:s25+$0xFFFFFF80]  }
0x73: {  	v5 =	vld [tilespmem:s15+$0xFFFFFF80];
	[tilespmem:s13+$0xFFFFFF60] =	vst v2  }
0x74: {  	v2 =	vld [tilespmem:s25+$0x0];
	v1 =	vadd.f32 v1, v4  }
0x75: {  	v4 =	vld [tilespmem:s15+$0x0];
	v3 =	vadd.f32 v3, v7  }
0x76: {  	s13 =	sadd.s32 $0x200, s13;
	v7 =	vld [tilespmem:s25+$0xFFFFFF00];
	[tilespmem:s14+$0xF0] =	vst v1  }
0x77: {  	s24 =	sadd.s32 $0x4, s24;
	[tilespmem:s13+$0x80] =	vst v3;
	v1 =	vld [tilespmem:s8+$0x60]  }
0x78: {  	p1 =	slt.u32 s24, $0x4C;
	v0 =	vadd.f32 v5, v0;
	v3 =	vld [tilespmem:s25+$0x90]  }
0x79: {  	v5 =	vld [tilespmem:s15+$0x90]  }
0x7a: {  	[tilespmem:s13+$0xFFFFFF80] =	vst v0;
	v0 =	vadd.f32 v4, v2;
	v2 =	vld [tilespmem:s12+$0x60]  }
0x7b: {  	v4 =	vadd.f32 v6, v7;
	v6 =	vld [tilespmem:s25+$0xFFFFFF90]  }
0x7c: {  	v7 =	vld [tilespmem:s15+$0xFFFFFF90];
	[tilespmem:s13+$0x0] =	vst v0  }
0x7d: {  	[tilespmem:s13+$0xFFFFFF00] =	vst v4;
	v0 =	vld [tilespmem:s25+$0x10]  }
0x7e: {  	v4 =	vld [tilespmem:s25+$0xFFFFFF10];
	v3 =	vadd.f32 v5, v3  }
0x7f: {  	v5 =	vld [tilespmem:s15+$0xFFFFFF10];
	v1 =	vadd.f32 v2, v1  }
0x80: {  	v2 =	vld [tilespmem:s15+$0x10];
	[tilespmem:s13+$0x90] =	vst v3  }
0x81: {  	v3 =	vadd.f32 v7, v6;
	v6 =	vld [tilespmem:s25+$0xA0];
	[tilespmem:s14+$0x60] =	vst v1  }
0x82: {  	v1 =	vld [tilespmem:s15+$0xA0]  }
0x83: {  	[tilespmem:s13+$0xFFFFFF90] =	vst v3;
	v3 =	vld [tilespmem:s8+$0xFFFFFF70]  }
0x84: {  	v4 =	vadd.f32 v5, v4;
	v5 =	vld [tilespmem:s25+$0xFFFFFFA0]  }
0x85: {  	v7 =	vld [tilespmem:s15+$0xFFFFFFA0];
	v0 =	vadd.f32 v2, v0  }
0x86: {  	[tilespmem:s13+$0xFFFFFF10] =	vst v4;
	v2 =	vld [tilespmem:s12+$0xFFFFFF70]  }
0x87: {  	v4 =	vld [tilespmem:s25+$0xFFFFFF20];
	[tilespmem:s13+$0x10] =	vst v0;
	v0 =	vadd.f32 v1, v6  }
0x88: {  	v1 =	vld [tilespmem:s15+$0xFFFFFF20]  }
0x89: {  	v6 =	vld [tilespmem:s25+$0x20];
	[tilespmem:s13+$0xA0] =	vst v0  }
0x8a: {  	v0 =	vadd.f32 v7, v5;
	v5 =	vld [tilespmem:s25+$0xB0]  }
0x8b: {  	v7 =	vld [tilespmem:s15+$0xB0];
	v2 =	vadd.f32 v2, v3  }
0x8c: {  	[tilespmem:s13+$0xFFFFFFA0] =	vst v0;
	v0 =	vld [tilespmem:s15+$0x20]  }
0x8d: {  	v1 =	vadd.f32 v1, v4;
	v3 =	vld [tilespmem:s25+$0xFFFFFFB0];
	[tilespmem:s14+$0xFFFFFF70] =	vst v2  }
0x8e: {  	v2 =	vld [tilespmem:s15+$0xFFFFFFB0]  }
0x8f: {  	[tilespmem:s13+$0xFFFFFF20] =	vst v1;
	v1 =	vld [tilespmem:s8+$0xFFFFFFF0]  }
0x90: {  	v4 =	vld [tilespmem:s25+$0xFFFFFF30];
	v5 =	vadd.f32 v7, v5  }
0x91: {  	v7 =	vld [tilespmem:s15+$0xFFFFFF30];
	v0 =	vadd.f32 v0, v6  }
0x92: {  	[tilespmem:s13+$0xB0] =	vst v5;
	v5 =	vld [tilespmem:s12+$0xFFFFFFF0]  }
0x93: {  	v2 =	vadd.f32 v2, v3;
	[tilespmem:s13+$0x20] =	vst v0;
	v0 =	vld [tilespmem:s25+$0xC0]  }
0x94: {  	v3 =	vld [tilespmem:s15+$0xC0]  }
0x95: {  	[tilespmem:s13+$0xFFFFFFB0] =	vst v2;
	v2 =	vld [tilespmem:s25+$0x30]  }
0x96: {  	v4 =	vadd.f32 v7, v4;
	v6 =	vld [tilespmem:s15+$0x30]  }
0x97: {  	v7 =	vld [tilespmem:s25+$0xFFFFFFC0];
	v1 =	vadd.f32 v5, v1  }
0x98: {  	[tilespmem:s13+$0xFFFFFF30] =	vst v4;
	v4 =	vld [tilespmem:s15+$0xFFFFFFC0]  }
0x99: {  	v5 =	vld [tilespmem:s25+$0xFFFFFF40];
	v0 =	vadd.f32 v3, v0;
	[tilespmem:s14+$0xFFFFFFF0] =	vst v1  }
0x9a: {  	v1 =	vld [tilespmem:s15+$0xFFFFFF40]  }
0x9b: {  	v2 =	vadd.f32 v6, v2;
	[tilespmem:s13+$0xC0] =	vst v0;
	v3 =	vld [tilespmem:s8+$0x70];
	s8 =	smov.u32 s25  }
0x9c: {  	v0 =	vld [tilespmem:s25+$0xD0]  }
0x9d: {  	v4 =	vadd.f32 v4, v7;
	[tilespmem:s13+$0x30] =	vst v2;
	v2 =	vld [tilespmem:s15+$0xD0]  }
0x9e: {  	v6 =	vld [tilespmem:s25+$0x40]  }
0x9f: {  	v1 =	vadd.f32 v1, v5;
	[tilespmem:s13+$0xFFFFFFC0] =	vst v4;
	v4 =	vld [tilespmem:s15+$0x40]  }
0xa0: {  	v5 =	vld [tilespmem:s25+$0xFFFFFFD0]  }
0xa1: {  	[tilespmem:s13+$0xFFFFFF40] =	vst v1;
	v1 =	vld [tilespmem:s15+$0xFFFFFFD0]  }
0xa2: {  	v7 =	vld [tilespmem:s25+$0xFFFFFF50];
	v0 =	vadd.f32 v2, v0  }
0xa3: {  	v2 =	vld [tilespmem:s15+$0xFFFFFF50]  }
0xa4: {  	v4 =	vadd.f32 v4, v6;
	[tilespmem:s13+$0xD0] =	vst v0;
	v6 =	vld [tilespmem:s12+$0x70];
	s12 =	smov.u32 s15  }
0xa5: {  	v8 =	vld [tilespmem:s25+$0xE0]  }
0xa6: {  	v0 =	vadd.f32 v1, v5;
	[tilespmem:s13+$0x40] =	vst v4;
	v5 =	vld [tilespmem:s15+$0xE0]  }
0xa7: {  	v1 =	vld [tilespmem:s25+$0x50]  }
.Ltmp0:
0xa8: {  	v2 =	vadd.f32 v2, v7;
	[tilespmem:s13+$0xFFFFFFD0] =	vst v0;
	v4 =	vld [tilespmem:s15+$0x50];
	(pc) =	sbr.rel @p1 .LBB2_3-.Ltmp0, $4  }
0xa9: {  	v0 =	vld [tilespmem:s25+$0xFFFFFFE0];
	v7 =	vadd.f32 v6, v3  }
0xaa: {  	[tilespmem:s13+$0xFFFFFF50] =	vst v2;
	v3 =	vld [tilespmem:s15+$0xFFFFFFE0]  }
0xab: {  	v2 =	vld [tilespmem:s25+$0xFFFFFF60];
	v6 =	vadd.f32 v5, v8;
	[tilespmem:s14+$0x70] =	vst v7;
	s14 =	smov.u32 s13  }
0xac: {  	s25 =	sadd.s32 $0x200, s25;
	v5 =	vld [tilespmem:s15+$0xFFFFFF60]  }
0xad: {  	v1 =	vadd.f32 v4, v1;
	_ =	sdelay $0x1  }
0xae: {  	[tilespmem:s13+$0x50] =	vst v1  }
0xaf: {  	v1 =	vld [tilespmem:s8+$0x60]  }
0xb0: {  	v4 =	vld [tilespmem:s12+$0x60]  }
0xb1: {  	[tilespmem:s13+$0xE0] =	vst v6;
	v2 =	vadd.f32 v5, v2  }
0xb2: {  	v0 =	vadd.f32 v3, v0;
	v3 =	vld [tilespmem:s12+$0xF0]  }
0xb3: {  	v5 =	vld [tilespmem:s8+$0xF0];
	[tilespmem:s13+$0xFFFFFF60] =	vst v2  }
0xb4: {  	v2 =	vld [tilespmem:s8+$0xFFFFFF70]  }
0xb5: {  	[tilespmem:s13+$0xFFFFFFE0] =	vst v0;
	v0 =	vadd.f32 v4, v1;
	v1 =	vld [tilespmem:s12+$0xFFFFFF70]  }
0xb6: {  	v4 =	vld [tilespmem:s8+$0xFFFFFFF0]  }
0xb7: {  	[tilespmem:s14+$0x60] =	vst v0;
	v0 =	vld [tilespmem:s12+$0xFFFFFFF0]  }
0xb8: {  	v6 =	vld [tilespmem:s8+$0x70]  }
0xb9: {  	v7 =	vld [tilespmem:s12+$0x70];
	_ =	sdelay $0x1  }
0xba: {  	v3 =	vadd.f32 v3, v5  }
0xbb: {  	v1 =	vadd.f32 v1, v2  }
0xbc: {  	[tilespmem:s14+$0xF0] =	vst v3;
	v0 =	vadd.f32 v0, v4  }
0xbd: {  	s8 =	smul.u32 $0x180, s7;
	[tilespmem:s14+$0xFFFFFF70] =	vst v1;
	v1 =	vadd.f32 v7, v6  }
0xbe: {  	[tilespmem:s14+$0xFFFFFFF0] =	vst v0  }
0xbf: {  	s24 =	sadd.s32 $0x180, s8;
	[tilespmem:s14+$0x70] =	vst v1  }
0xc0: {  	[tilespmem:s17], [sflag:$0x1] =	stream.indirect.gather [hbm4b:s1+s16], $0x80, s24, s16, $0xb8;
	[tilespmem:$0x1E800] =	vst v63  }
0xc1: {  	s26 =	sshll.u32 s26, $0x4;
	s25 =	sadd.s32 $0x4180, s8  }
0xc2: {  	[tilespmem:s18], [sflag:$0x2] =	stream.indirect.gather [hbm4b:s3+s16], $0x80, s25, s16, $0xb8;
	[tilespmem:$0x1E800] =	vst v63  }
0xc3: {  	s12 =	sadd.s32 s5, s26  }
0xc4: {  	[hbm4b:s12+s4] =	stream.linear.scatter [tilespmem:s30], [sflag:$0x7], $0x2800, $0x38;
	[tilespmem:$0x1E800] =	vst v63  }
0xc5: {  	_ =	swait.ge [sflag:s31], $0x2800  }
0xc6: {  	[sflag:s31] =	ssyncset.done $0x0  }
0xc7: {  	[sflag:s31] =	ssyncadd.s32 $0xFFFFD800  }
0xc8: {  	_ =	swait.ge [sflag:s0], $0x2800  }
0xc9: {  	[sflag:s0] =	ssyncset.done $0x0  }
0xca: {  	s12 =	simm.s32 @!p0 $0x8;
	[sflag:s0] =	ssyncadd.s32 $0xFFFFD800  }
0xcb: {  	_ =	swait.ge @!p0 [sflag:s12], $0x2800  }
0xcc: {  	[sflag:s12] =	ssyncset.done @!p0 $0x0  }
0xcd: {  	[sflag:s12] =	ssyncadd.s32 @!p0 $0xFFFFD800;
	s12 =	simm.s32 $0xD100  }
0xce: {  	s13 =	simm.s32 $0xF900;
	v0 =	vld [tilespmem:s12+$0x80]  }
0xcf: {  	v1 =	vld [tilespmem:s13+$0x80];
	_ =	sdelay $0x2  }
0xd0: {  	v2 =	vld [tilespmem:s12+$0xFFFFFF80]  }
0xd1: {  	v3 =	vld [tilespmem:s13+$0xFFFFFF80]  }
0xd2: {  	v4 =	vld [tilespmem:s13+$0xFFFFFF00];
	v0 =	vadd.f32 v1, v0  }
0xd3: {  	s26 =	simm.s32 $0x19900;
	v1 =	vld [tilespmem:s12+$0xFFFFFF00]  }
0xd4: {  	[tilespmem:s26+$0x80] =	vst v0  }
0xd5: {  	v0 =	vld [tilespmem:s12+$0x90]  }
0xd6: {  	v2 =	vadd.f32 v3, v2;
	v3 =	vld [tilespmem:s13+$0x90]  }
0xd7: {  	v5 =	vld [tilespmem:s12+$0x0]  }
0xd8: {  	v6 =	vld [tilespmem:s13+$0x0];
	[tilespmem:s26+$0xFFFFFF80] =	vst v2;
	v1 =	vadd.f32 v4, v1  }
0xd9: {  	v2 =	vld [tilespmem:s12+$0xFFFFFF90]  }
0xda: {  	v4 =	vld [tilespmem:s13+$0xFFFFFF90];
	[tilespmem:s26+$0xFFFFFF00] =	vst v1  }
0xdb: {  	v1 =	vld [tilespmem:s12+$0xFFFFFF10];
	v0 =	vadd.f32 v3, v0  }
0xdc: {  	v3 =	vld [tilespmem:s13+$0xFFFFFF10]  }
0xdd: {  	v5 =	vadd.f32 v6, v5;
	[tilespmem:s26+$0x90] =	vst v0  }
0xde: {  	v0 =	vld [tilespmem:s12+$0xA0]  }
0xdf: {  	[tilespmem:s26+$0x0] =	vst v5;
	v2 =	vadd.f32 v4, v2;
	v4 =	vld [tilespmem:s13+$0xA0]  }
0xe0: {  	v5 =	vld [tilespmem:s12+$0x10]  }
0xe1: {  	v6 =	vld [tilespmem:s13+$0x10];
	[tilespmem:s26+$0xFFFFFF90] =	vst v2;
	v1 =	vadd.f32 v3, v1  }
0xe2: {  	v2 =	vld [tilespmem:s12+$0xFFFFFFA0]  }
0xe3: {  	v3 =	vld [tilespmem:s13+$0xFFFFFFA0];
	[tilespmem:s26+$0xFFFFFF10] =	vst v1  }
0xe4: {  	v1 =	vld [tilespmem:s12+$0xFFFFFF20];
	v0 =	vadd.f32 v4, v0  }
0xe5: {  	v4 =	vld [tilespmem:s13+$0xFFFFFF20]  }
0xe6: {  	v5 =	vadd.f32 v6, v5;
	[tilespmem:s26+$0xA0] =	vst v0  }
0xe7: {  	v0 =	vld [tilespmem:s12+$0xB0]  }
0xe8: {  	[tilespmem:s26+$0x10] =	vst v5;
	v2 =	vadd.f32 v3, v2;
	v3 =	vld [tilespmem:s13+$0xB0]  }
0xe9: {  	v5 =	vld [tilespmem:s12+$0x20]  }
0xea: {  	[tilespmem:s26+$0xFFFFFFA0] =	vst v2;
	v2 =	vld [tilespmem:s13+$0x20];
	v1 =	vadd.f32 v4, v1  }
0xeb: {  	v4 =	vld [tilespmem:s12+$0xFFFFFFB0]  }
0xec: {  	v6 =	vld [tilespmem:s13+$0xFFFFFFB0];
	[tilespmem:s26+$0xFFFFFF20] =	vst v1  }
0xed: {  	v1 =	vld [tilespmem:s12+$0xFFFFFF30];
	v0 =	vadd.f32 v3, v0  }
0xee: {  	v3 =	vld [tilespmem:s13+$0xFFFFFF30]  }
0xef: {  	v2 =	vadd.f32 v2, v5;
	[tilespmem:s26+$0xB0] =	vst v0  }
0xf0: {  	v0 =	vld [tilespmem:s12+$0xC0]  }
0xf1: {  	v4 =	vadd.f32 v6, v4;
	[tilespmem:s26+$0x20] =	vst v2;
	v2 =	vld [tilespmem:s13+$0xC0]  }
0xf2: {  	v5 =	vld [tilespmem:s12+$0x30]  }
0xf3: {  	[tilespmem:s26+$0xFFFFFFB0] =	vst v4;
	v1 =	vadd.f32 v3, v1;
	v3 =	vld [tilespmem:s13+$0x30]  }
0xf4: {  	v4 =	vld [tilespmem:s12+$0xFFFFFFC0]  }
0xf5: {  	[tilespmem:s26+$0xFFFFFF30] =	vst v1;
	v1 =	vld [tilespmem:s13+$0xFFFFFFC0]  }
0xf6: {  	v6 =	vld [tilespmem:s12+$0xFFFFFF40];
	v0 =	vadd.f32 v2, v0  }
0xf7: {  	v2 =	vld [tilespmem:s13+$0xFFFFFF40]  }
0xf8: {  	v3 =	vadd.f32 v3, v5;
	[tilespmem:s26+$0xC0] =	vst v0  }
0xf9: {  	v0 =	vld [tilespmem:s12+$0xD0]  }
0xfa: {  	v1 =	vadd.f32 v1, v4;
	[tilespmem:s26+$0x30] =	vst v3;
	v3 =	vld [tilespmem:s13+$0xD0]  }
0xfb: {  	v4 =	vld [tilespmem:s12+$0x40]  }
0xfc: {  	v2 =	vadd.f32 v2, v6;
	[tilespmem:s26+$0xFFFFFFC0] =	vst v1;
	v1 =	vld [tilespmem:s13+$0x40]  }
0xfd: {  	v5 =	vld [tilespmem:s12+$0xFFFFFFD0]  }
0xfe: {  	[tilespmem:s26+$0xFFFFFF40] =	vst v2;
	v2 =	vld [tilespmem:s13+$0xFFFFFFD0]  }
0xff: {  	v6 =	vld [tilespmem:s12+$0xFFFFFF50];
	v0 =	vadd.f32 v3, v0  }
0x100: {  	v3 =	vld [tilespmem:s13+$0xFFFFFF50]  }
0x101: {  	v1 =	vadd.f32 v1, v4;
	[tilespmem:s26+$0xD0] =	vst v0  }
0x102: {  	v7 =	vld [tilespmem:s12+$0xE0]  }
0x103: {  	v0 =	vadd.f32 v2, v5;
	v5 =	vld [tilespmem:s13+$0xE0];
	[tilespmem:s26+$0x40] =	vst v1  }
0x104: {  	v1 =	vld [tilespmem:s12+$0x50]  }
0x105: {  	v2 =	vadd.f32 v3, v6;
	[tilespmem:s26+$0xFFFFFFD0] =	vst v0;
	v4 =	vld [tilespmem:s13+$0x50]  }
0x106: {  	v0 =	vld [tilespmem:s12+$0xFFFFFFE0]  }
0x107: {  	v3 =	vld [tilespmem:s13+$0xFFFFFFE0];
	[tilespmem:s26+$0xFFFFFF50] =	vst v2  }
0x108: {  	s15 =	simm.s32 $0xD300;
	s23 =	simm.s32 $0xF900;
	v2 =	vld [tilespmem:s12+$0xFFFFFF60];
	v6 =	vadd.f32 v5, v7  }
0x109: {  	s14 =	sadd.s32 s11, s9;
	s24 =	simm.s32 $0x19900;
	s25 =	simm.s32 $0x0;
	v5 =	vld [tilespmem:s13+$0xFFFFFF60]  }
.LBB2_5:
0x10a: {  	v7 =	vld [tilespmem:s15+$0x80];
	v1 =	vadd.f32 v4, v1;
	[tilespmem:s26+$0xE0] =	vst v6  }
0x10b: {  	v4 =	vld [tilespmem:s12+$0xF0]  }
0x10c: {  	s23 =	sadd.s32 $0x200, s23;
	v0 =	vadd.f32 v3, v0;
	[tilespmem:s26+$0x50] =	vst v1;
	v1 =	vld [tilespmem:s13+$0xF0]  }
0x10d: {  	v3 =	vld [tilespmem:s23+$0x80]  }
0x10e: {  	v6 =	vld [tilespmem:s23+$0xFFFFFF00];
	v2 =	vadd.f32 v5, v2;
	[tilespmem:s26+$0xFFFFFFE0] =	vst v0  }
0x10f: {  	v0 =	vld [tilespmem:s15+$0xFFFFFF80]  }
0x110: {  	v5 =	vld [tilespmem:s23+$0xFFFFFF80];
	[tilespmem:s26+$0xFFFFFF60] =	vst v2  }
0x111: {  	v2 =	vld [tilespmem:s15+$0x0];
	v1 =	vadd.f32 v1, v4  }
0x112: {  	v4 =	vld [tilespmem:s23+$0x0];
	v3 =	vadd.f32 v3, v7  }
0x113: {  	s26 =	sadd.s32 $0x200, s26;
	v7 =	vld [tilespmem:s15+$0xFFFFFF00];
	[tilespmem:s24+$0xF0] =	vst v1  }
0x114: {  	s25 =	sadd.s32 $0x4, s25;
	[tilespmem:s26+$0x80] =	vst v3;
	v1 =	vld [tilespmem:s12+$0x60]  }
0x115: {  	p1 =	slt.u32 s25, $0x4C;
	v0 =	vadd.f32 v5, v0;
	v3 =	vld [tilespmem:s15+$0x90]  }
0x116: {  	v5 =	vld [tilespmem:s23+$0x90]  }
0x117: {  	[tilespmem:s26+$0xFFFFFF80] =	vst v0;
	v0 =	vadd.f32 v4, v2;
	v2 =	vld [tilespmem:s13+$0x60]  }
0x118: {  	v4 =	vadd.f32 v6, v7;
	v6 =	vld [tilespmem:s15+$0xFFFFFF90]  }
0x119: {  	v7 =	vld [tilespmem:s23+$0xFFFFFF90];
	[tilespmem:s26+$0x0] =	vst v0  }
0x11a: {  	[tilespmem:s26+$0xFFFFFF00] =	vst v4;
	v0 =	vld [tilespmem:s15+$0x10]  }
0x11b: {  	v4 =	vld [tilespmem:s15+$0xFFFFFF10];
	v3 =	vadd.f32 v5, v3  }
0x11c: {  	v5 =	vld [tilespmem:s23+$0xFFFFFF10];
	v1 =	vadd.f32 v2, v1  }
0x11d: {  	v2 =	vld [tilespmem:s23+$0x10];
	[tilespmem:s26+$0x90] =	vst v3  }
0x11e: {  	v3 =	vadd.f32 v7, v6;
	v6 =	vld [tilespmem:s15+$0xA0];
	[tilespmem:s24+$0x60] =	vst v1  }
0x11f: {  	v1 =	vld [tilespmem:s23+$0xA0]  }
0x120: {  	[tilespmem:s26+$0xFFFFFF90] =	vst v3;
	v3 =	vld [tilespmem:s12+$0xFFFFFF70]  }
0x121: {  	v4 =	vadd.f32 v5, v4;
	v5 =	vld [tilespmem:s15+$0xFFFFFFA0]  }
0x122: {  	v7 =	vld [tilespmem:s23+$0xFFFFFFA0];
	v0 =	vadd.f32 v2, v0  }
0x123: {  	[tilespmem:s26+$0xFFFFFF10] =	vst v4;
	v2 =	vld [tilespmem:s13+$0xFFFFFF70]  }
0x124: {  	v4 =	vld [tilespmem:s15+$0xFFFFFF20];
	[tilespmem:s26+$0x10] =	vst v0;
	v0 =	vadd.f32 v1, v6  }
0x125: {  	v1 =	vld [tilespmem:s23+$0xFFFFFF20]  }
0x126: {  	v6 =	vld [tilespmem:s15+$0x20];
	[tilespmem:s26+$0xA0] =	vst v0  }
0x127: {  	v0 =	vadd.f32 v7, v5;
	v5 =	vld [tilespmem:s15+$0xB0]  }
0x128: {  	v7 =	vld [tilespmem:s23+$0xB0];
	v2 =	vadd.f32 v2, v3  }
0x129: {  	[tilespmem:s26+$0xFFFFFFA0] =	vst v0;
	v0 =	vld [tilespmem:s23+$0x20]  }
0x12a: {  	v1 =	vadd.f32 v1, v4;
	v3 =	vld [tilespmem:s15+$0xFFFFFFB0];
	[tilespmem:s24+$0xFFFFFF70] =	vst v2  }
0x12b: {  	v2 =	vld [tilespmem:s23+$0xFFFFFFB0]  }
0x12c: {  	[tilespmem:s26+$0xFFFFFF20] =	vst v1;
	v1 =	vld [tilespmem:s12+$0xFFFFFFF0]  }
0x12d: {  	v4 =	vld [tilespmem:s15+$0xFFFFFF30];
	v5 =	vadd.f32 v7, v5  }
0x12e: {  	v7 =	vld [tilespmem:s23+$0xFFFFFF30];
	v0 =	vadd.f32 v0, v6  }
0x12f: {  	[tilespmem:s26+$0xB0] =	vst v5;
	v5 =	vld [tilespmem:s13+$0xFFFFFFF0]  }
0x130: {  	v2 =	vadd.f32 v2, v3;
	[tilespmem:s26+$0x20] =	vst v0;
	v0 =	vld [tilespmem:s15+$0xC0]  }
0x131: {  	v3 =	vld [tilespmem:s23+$0xC0]  }
0x132: {  	[tilespmem:s26+$0xFFFFFFB0] =	vst v2;
	v2 =	vld [tilespmem:s15+$0x30]  }
0x133: {  	v4 =	vadd.f32 v7, v4;
	v6 =	vld [tilespmem:s23+$0x30]  }
0x134: {  	v7 =	vld [tilespmem:s15+$0xFFFFFFC0];
	v1 =	vadd.f32 v5, v1  }
0x135: {  	[tilespmem:s26+$0xFFFFFF30] =	vst v4;
	v4 =	vld [tilespmem:s23+$0xFFFFFFC0]  }
0x136: {  	v5 =	vld [tilespmem:s15+$0xFFFFFF40];
	v0 =	vadd.f32 v3, v0;
	[tilespmem:s24+$0xFFFFFFF0] =	vst v1  }
0x137: {  	v1 =	vld [tilespmem:s23+$0xFFFFFF40]  }
0x138: {  	v2 =	vadd.f32 v6, v2;
	[tilespmem:s26+$0xC0] =	vst v0;
	v3 =	vld [tilespmem:s12+$0x70];
	s12 =	smov.u32 s15  }
0x139: {  	v0 =	vld [tilespmem:s15+$0xD0]  }
0x13a: {  	v4 =	vadd.f32 v4, v7;
	[tilespmem:s26+$0x30] =	vst v2;
	v2 =	vld [tilespmem:s23+$0xD0]  }
0x13b: {  	v6 =	vld [tilespmem:s15+$0x40]  }
0x13c: {  	v1 =	vadd.f32 v1, v5;
	[tilespmem:s26+$0xFFFFFFC0] =	vst v4;
	v4 =	vld [tilespmem:s23+$0x40]  }
0x13d: {  	v5 =	vld [tilespmem:s15+$0xFFFFFFD0]  }
0x13e: {  	[tilespmem:s26+$0xFFFFFF40] =	vst v1;
	v1 =	vld [tilespmem:s23+$0xFFFFFFD0]  }
0x13f: {  	v7 =	vld [tilespmem:s15+$0xFFFFFF50];
	v0 =	vadd.f32 v2, v0  }
0x140: {  	v2 =	vld [tilespmem:s23+$0xFFFFFF50]  }
0x141: {  	v4 =	vadd.f32 v4, v6;
	[tilespmem:s26+$0xD0] =	vst v0;
	v6 =	vld [tilespmem:s13+$0x70];
	s13 =	smov.u32 s23  }
0x142: {  	v8 =	vld [tilespmem:s15+$0xE0]  }
0x143: {  	v0 =	vadd.f32 v1, v5;
	[tilespmem:s26+$0x40] =	vst v4;
	v5 =	vld [tilespmem:s23+$0xE0]  }
0x144: {  	v1 =	vld [tilespmem:s15+$0x50]  }
.Ltmp1:
0x145: {  	v2 =	vadd.f32 v2, v7;
	[tilespmem:s26+$0xFFFFFFD0] =	vst v0;
	v4 =	vld [tilespmem:s23+$0x50];
	(pc) =	sbr.rel @p1 .LBB2_5-.Ltmp1, $4  }
0x146: {  	v0 =	vld [tilespmem:s15+$0xFFFFFFE0];
	v7 =	vadd.f32 v6, v3  }
0x147: {  	[tilespmem:s26+$0xFFFFFF50] =	vst v2;
	v3 =	vld [tilespmem:s23+$0xFFFFFFE0]  }
0x148: {  	v2 =	vld [tilespmem:s15+$0xFFFFFF60];
	v6 =	vadd.f32 v5, v8;
	[tilespmem:s24+$0x70] =	vst v7;
	s24 =	smov.u32 s26  }
0x149: {  	s15 =	sadd.s32 $0x200, s15;
	v5 =	vld [tilespmem:s23+$0xFFFFFF60]  }
0x14a: {  	v1 =	vadd.f32 v4, v1;
	_ =	sdelay $0x1  }
0x14b: {  	[tilespmem:s26+$0x50] =	vst v1  }
0x14c: {  	v1 =	vld [tilespmem:s12+$0x60]  }
0x14d: {  	v4 =	vld [tilespmem:s13+$0x60]  }
0x14e: {  	[tilespmem:s26+$0xE0] =	vst v6;
	v2 =	vadd.f32 v5, v2  }
0x14f: {  	v0 =	vadd.f32 v3, v0;
	v3 =	vld [tilespmem:s13+$0xF0]  }
0x150: {  	v5 =	vld [tilespmem:s12+$0xF0];
	[tilespmem:s26+$0xFFFFFF60] =	vst v2  }
0x151: {  	v2 =	vld [tilespmem:s12+$0xFFFFFF70]  }
0x152: {  	[tilespmem:s26+$0xFFFFFFE0] =	vst v0;
	v0 =	vadd.f32 v4, v1;
	v1 =	vld [tilespmem:s13+$0xFFFFFF70]  }
0x153: {  	v4 =	vld [tilespmem:s12+$0xFFFFFFF0]  }
0x154: {  	[tilespmem:s24+$0x60] =	vst v0;
	v0 =	vld [tilespmem:s13+$0xFFFFFFF0]  }
0x155: {  	v6 =	vld [tilespmem:s12+$0x70]  }
0x156: {  	v7 =	vld [tilespmem:s13+$0x70];
	_ =	sdelay $0x1  }
0x157: {  	v3 =	vadd.f32 v3, v5  }
0x158: {  	v1 =	vadd.f32 v1, v2  }
0x159: {  	[tilespmem:s24+$0xF0] =	vst v3;
	v0 =	vadd.f32 v0, v4  }
0x15a: {  	[tilespmem:s24+$0xFFFFFF70] =	vst v1;
	v1 =	vadd.f32 v7, v6  }
0x15b: {  	[tilespmem:s24+$0xFFFFFFF0] =	vst v0  }
0x15c: {  	[tilespmem:s24+$0x70] =	vst v1;
	s24 =	sadd.s32 $0x200, s8  }
0x15d: {  	[tilespmem:s20], [sflag:$0x3] =	stream.indirect.gather [hbm4b:s1+s16], $0x80, s24, s16, $0xb8;
	[tilespmem:$0x1E800] =	vst v63  }
0x15e: {  	s25 =	sadd.s32 $0x4200, s8;
	s26 =	sshll.u32 s14, $0x4  }
0x15f: {  	[tilespmem:s22], [sflag:$0x4] =	stream.indirect.gather [hbm4b:s3+s16], $0x80, s25, s16, $0xb8;
	[tilespmem:$0x1E800] =	vst v63  }
0x160: {  	s12 =	sadd.s32 s5, s26  }
0x161: {  	[hbm4b:s12+s4] =	stream.linear.scatter [tilespmem:s2], [sflag:$0x8], $0x2800, $0x38;
	[tilespmem:$0x1E800] =	vst v63  }
0x162: {  	_ =	swait.ge [sflag:s19], $0x2800  }
0x163: {  	[sflag:s19] =	ssyncset.done $0x0  }
0x164: {  	[sflag:s19] =	ssyncadd.s32 $0xFFFFD800  }
0x165: {  	_ =	swait.ge [sflag:s21], $0x2800  }
0x166: {  	[sflag:s21] =	ssyncset.done $0x0  }
0x167: {  	s12 =	simm.s32 @!p0 $0x9;
	[sflag:s21] =	ssyncadd.s32 $0xFFFFD800  }
0x168: {  	_ =	swait.ge @!p0 [sflag:s12], $0x2800  }
0x169: {  	[sflag:s12] =	ssyncset.done @!p0 $0x0  }
0x16a: {  	[sflag:s12] =	ssyncadd.s32 @!p0 $0xFFFFD800;
	s12 =	simm.s32 $0x12100  }
0x16b: {  	s13 =	simm.s32 $0x14900;
	v0 =	vld [tilespmem:s12+$0x80]  }
0x16c: {  	v1 =	vld [tilespmem:s13+$0x80];
	_ =	sdelay $0x2  }
0x16d: {  	v2 =	vld [tilespmem:s12+$0xFFFFFF80]  }
0x16e: {  	v3 =	vld [tilespmem:s13+$0xFFFFFF80]  }
0x16f: {  	v4 =	vld [tilespmem:s13+$0xFFFFFF00];
	v0 =	vadd.f32 v1, v0  }
0x170: {  	s26 =	simm.s32 $0x1C100;
	v1 =	vld [tilespmem:s12+$0xFFFFFF00]  }
0x171: {  	[tilespmem:s26+$0x80] =	vst v0  }
0x172: {  	v0 =	vld [tilespmem:s12+$0x90]  }
0x173: {  	v2 =	vadd.f32 v3, v2;
	v3 =	vld [tilespmem:s13+$0x90]  }
0x174: {  	v5 =	vld [tilespmem:s12+$0x0]  }
0x175: {  	v6 =	vld [tilespmem:s13+$0x0];
	[tilespmem:s26+$0xFFFFFF80] =	vst v2;
	v1 =	vadd.f32 v4, v1  }
0x176: {  	v2 =	vld [tilespmem:s12+$0xFFFFFF90]  }
0x177: {  	v4 =	vld [tilespmem:s13+$0xFFFFFF90];
	[tilespmem:s26+$0xFFFFFF00] =	vst v1  }
0x178: {  	v1 =	vld [tilespmem:s12+$0xFFFFFF10];
	v0 =	vadd.f32 v3, v0  }
0x179: {  	v3 =	vld [tilespmem:s13+$0xFFFFFF10]  }
0x17a: {  	v5 =	vadd.f32 v6, v5;
	[tilespmem:s26+$0x90] =	vst v0  }
0x17b: {  	v0 =	vld [tilespmem:s12+$0xA0]  }
0x17c: {  	[tilespmem:s26+$0x0] =	vst v5;
	v2 =	vadd.f32 v4, v2;
	v4 =	vld [tilespmem:s13+$0xA0]  }
0x17d: {  	v5 =	vld [tilespmem:s12+$0x10]  }
0x17e: {  	v6 =	vld [tilespmem:s13+$0x10];
	[tilespmem:s26+$0xFFFFFF90] =	vst v2;
	v1 =	vadd.f32 v3, v1  }
0x17f: {  	v2 =	vld [tilespmem:s12+$0xFFFFFFA0]  }
0x180: {  	v3 =	vld [tilespmem:s13+$0xFFFFFFA0];
	[tilespmem:s26+$0xFFFFFF10] =	vst v1  }
0x181: {  	v1 =	vld [tilespmem:s12+$0xFFFFFF20];
	v0 =	vadd.f32 v4, v0  }
0x182: {  	v4 =	vld [tilespmem:s13+$0xFFFFFF20]  }
0x183: {  	v5 =	vadd.f32 v6, v5;
	[tilespmem:s26+$0xA0] =	vst v0  }
0x184: {  	v0 =	vld [tilespmem:s12+$0xB0]  }
0x185: {  	[tilespmem:s26+$0x10] =	vst v5;
	v2 =	vadd.f32 v3, v2;
	v3 =	vld [tilespmem:s13+$0xB0]  }
0x186: {  	v5 =	vld [tilespmem:s12+$0x20]  }
0x187: {  	[tilespmem:s26+$0xFFFFFFA0] =	vst v2;
	v2 =	vld [tilespmem:s13+$0x20];
	v1 =	vadd.f32 v4, v1  }
0x188: {  	v4 =	vld [tilespmem:s12+$0xFFFFFFB0]  }
0x189: {  	v6 =	vld [tilespmem:s13+$0xFFFFFFB0];
	[tilespmem:s26+$0xFFFFFF20] =	vst v1  }
0x18a: {  	v1 =	vld [tilespmem:s12+$0xFFFFFF30];
	v0 =	vadd.f32 v3, v0  }
0x18b: {  	v3 =	vld [tilespmem:s13+$0xFFFFFF30]  }
0x18c: {  	v2 =	vadd.f32 v2, v5;
	[tilespmem:s26+$0xB0] =	vst v0  }
0x18d: {  	v0 =	vld [tilespmem:s12+$0xC0]  }
0x18e: {  	v4 =	vadd.f32 v6, v4;
	[tilespmem:s26+$0x20] =	vst v2;
	v2 =	vld [tilespmem:s13+$0xC0]  }
0x18f: {  	v5 =	vld [tilespmem:s12+$0x30]  }
0x190: {  	[tilespmem:s26+$0xFFFFFFB0] =	vst v4;
	v1 =	vadd.f32 v3, v1;
	v3 =	vld [tilespmem:s13+$0x30]  }
0x191: {  	v4 =	vld [tilespmem:s12+$0xFFFFFFC0]  }
0x192: {  	[tilespmem:s26+$0xFFFFFF30] =	vst v1;
	v1 =	vld [tilespmem:s13+$0xFFFFFFC0]  }
0x193: {  	v6 =	vld [tilespmem:s12+$0xFFFFFF40];
	v0 =	vadd.f32 v2, v0  }
0x194: {  	v2 =	vld [tilespmem:s13+$0xFFFFFF40]  }
0x195: {  	v3 =	vadd.f32 v3, v5;
	[tilespmem:s26+$0xC0] =	vst v0  }
0x196: {  	v0 =	vld [tilespmem:s12+$0xD0]  }
0x197: {  	v1 =	vadd.f32 v1, v4;
	[tilespmem:s26+$0x30] =	vst v3;
	v3 =	vld [tilespmem:s13+$0xD0]  }
0x198: {  	v4 =	vld [tilespmem:s12+$0x40]  }
0x199: {  	v2 =	vadd.f32 v2, v6;
	[tilespmem:s26+$0xFFFFFFC0] =	vst v1;
	v1 =	vld [tilespmem:s13+$0x40]  }
0x19a: {  	v5 =	vld [tilespmem:s12+$0xFFFFFFD0]  }
0x19b: {  	[tilespmem:s26+$0xFFFFFF40] =	vst v2;
	v2 =	vld [tilespmem:s13+$0xFFFFFFD0]  }
0x19c: {  	v6 =	vld [tilespmem:s12+$0xFFFFFF50];
	v0 =	vadd.f32 v3, v0  }
0x19d: {  	v3 =	vld [tilespmem:s13+$0xFFFFFF50]  }
0x19e: {  	v1 =	vadd.f32 v1, v4;
	[tilespmem:s26+$0xD0] =	vst v0  }
0x19f: {  	v7 =	vld [tilespmem:s12+$0xE0]  }
0x1a0: {  	v0 =	vadd.f32 v2, v5;
	v5 =	vld [tilespmem:s13+$0xE0];
	[tilespmem:s26+$0x40] =	vst v1  }
0x1a1: {  	v1 =	vld [tilespmem:s12+$0x50]  }
0x1a2: {  	v2 =	vadd.f32 v3, v6;
	[tilespmem:s26+$0xFFFFFFD0] =	vst v0;
	v4 =	vld [tilespmem:s13+$0x50]  }
0x1a3: {  	v0 =	vld [tilespmem:s12+$0xFFFFFFE0]  }
0x1a4: {  	v3 =	vld [tilespmem:s13+$0xFFFFFFE0];
	[tilespmem:s26+$0xFFFFFF50] =	vst v2  }
0x1a5: {  	s11 =	sadd.s32 s11, s10;
	s15 =	simm.s32 $0x12300;
	v2 =	vld [tilespmem:s12+$0xFFFFFF60];
	v6 =	vadd.f32 v5, v7  }
0x1a6: {  	s23 =	simm.s32 $0x14900;
	s14 =	simm.s32 $0x1C100;
	s24 =	simm.s32 $0x0;
	v5 =	vld [tilespmem:s13+$0xFFFFFF60]  }
.LBB2_7:
0x1a7: {  	v7 =	vld [tilespmem:s15+$0x80];
	v1 =	vadd.f32 v4, v1;
	[tilespmem:s26+$0xE0] =	vst v6  }
0x1a8: {  	v4 =	vld [tilespmem:s12+$0xF0]  }
0x1a9: {  	s23 =	sadd.s32 $0x200, s23;
	v0 =	vadd.f32 v3, v0;
	[tilespmem:s26+$0x50] =	vst v1;
	v1 =	vld [tilespmem:s13+$0xF0]  }
0x1aa: {  	v3 =	vld [tilespmem:s23+$0x80]  }
0x1ab: {  	v6 =	vld [tilespmem:s23+$0xFFFFFF00];
	v2 =	vadd.f32 v5, v2;
	[tilespmem:s26+$0xFFFFFFE0] =	vst v0  }
0x1ac: {  	v0 =	vld [tilespmem:s15+$0xFFFFFF80]  }
0x1ad: {  	v5 =	vld [tilespmem:s23+$0xFFFFFF80];
	[tilespmem:s26+$0xFFFFFF60] =	vst v2  }
0x1ae: {  	v2 =	vld [tilespmem:s15+$0x0];
	v1 =	vadd.f32 v1, v4  }
0x1af: {  	v4 =	vld [tilespmem:s23+$0x0];
	v3 =	vadd.f32 v3, v7  }
0x1b0: {  	s26 =	sadd.s32 $0x200, s26;
	v7 =	vld [tilespmem:s15+$0xFFFFFF00];
	[tilespmem:s14+$0xF0] =	vst v1  }
0x1b1: {  	s24 =	sadd.s32 $0x4, s24;
	[tilespmem:s26+$0x80] =	vst v3;
	v1 =	vld [tilespmem:s12+$0x60]  }
0x1b2: {  	p0 =	slt.u32 s24, $0x4C;
	v0 =	vadd.f32 v5, v0;
	v3 =	vld [tilespmem:s15+$0x90]  }
0x1b3: {  	v5 =	vld [tilespmem:s23+$0x90]  }
0x1b4: {  	[tilespmem:s26+$0xFFFFFF80] =	vst v0;
	v0 =	vadd.f32 v4, v2;
	v2 =	vld [tilespmem:s13+$0x60]  }
0x1b5: {  	v4 =	vadd.f32 v6, v7;
	v6 =	vld [tilespmem:s15+$0xFFFFFF90]  }
0x1b6: {  	v7 =	vld [tilespmem:s23+$0xFFFFFF90];
	[tilespmem:s26+$0x0] =	vst v0  }
0x1b7: {  	[tilespmem:s26+$0xFFFFFF00] =	vst v4;
	v0 =	vld [tilespmem:s15+$0x10]  }
0x1b8: {  	v4 =	vld [tilespmem:s15+$0xFFFFFF10];
	v3 =	vadd.f32 v5, v3  }
0x1b9: {  	v5 =	vld [tilespmem:s23+$0xFFFFFF10];
	v1 =	vadd.f32 v2, v1  }
0x1ba: {  	v2 =	vld [tilespmem:s23+$0x10];
	[tilespmem:s26+$0x90] =	vst v3  }
0x1bb: {  	v3 =	vadd.f32 v7, v6;
	v6 =	vld [tilespmem:s15+$0xA0];
	[tilespmem:s14+$0x60] =	vst v1  }
0x1bc: {  	v1 =	vld [tilespmem:s23+$0xA0]  }
0x1bd: {  	[tilespmem:s26+$0xFFFFFF90] =	vst v3;
	v3 =	vld [tilespmem:s12+$0xFFFFFF70]  }
0x1be: {  	v4 =	vadd.f32 v5, v4;
	v5 =	vld [tilespmem:s15+$0xFFFFFFA0]  }
0x1bf: {  	v7 =	vld [tilespmem:s23+$0xFFFFFFA0];
	v0 =	vadd.f32 v2, v0  }
0x1c0: {  	[tilespmem:s26+$0xFFFFFF10] =	vst v4;
	v2 =	vld [tilespmem:s13+$0xFFFFFF70]  }
0x1c1: {  	v4 =	vld [tilespmem:s15+$0xFFFFFF20];
	[tilespmem:s26+$0x10] =	vst v0;
	v0 =	vadd.f32 v1, v6  }
0x1c2: {  	v1 =	vld [tilespmem:s23+$0xFFFFFF20]  }
0x1c3: {  	v6 =	vld [tilespmem:s15+$0x20];
	[tilespmem:s26+$0xA0] =	vst v0  }
0x1c4: {  	v0 =	vadd.f32 v7, v5;
	v5 =	vld [tilespmem:s15+$0xB0]  }
0x1c5: {  	v7 =	vld [tilespmem:s23+$0xB0];
	v2 =	vadd.f32 v2, v3  }
0x1c6: {  	[tilespmem:s26+$0xFFFFFFA0] =	vst v0;
	v0 =	vld [tilespmem:s23+$0x20]  }
0x1c7: {  	v1 =	vadd.f32 v1, v4;
	v3 =	vld [tilespmem:s15+$0xFFFFFFB0];
	[tilespmem:s14+$0xFFFFFF70] =	vst v2  }
0x1c8: {  	v2 =	vld [tilespmem:s23+$0xFFFFFFB0]  }
0x1c9: {  	[tilespmem:s26+$0xFFFFFF20] =	vst v1;
	v1 =	vld [tilespmem:s12+$0xFFFFFFF0]  }
0x1ca: {  	v4 =	vld [tilespmem:s15+$0xFFFFFF30];
	v5 =	vadd.f32 v7, v5  }
0x1cb: {  	v7 =	vld [tilespmem:s23+$0xFFFFFF30];
	v0 =	vadd.f32 v0, v6  }
0x1cc: {  	[tilespmem:s26+$0xB0] =	vst v5;
	v5 =	vld [tilespmem:s13+$0xFFFFFFF0]  }
0x1cd: {  	v2 =	vadd.f32 v2, v3;
	[tilespmem:s26+$0x20] =	vst v0;
	v0 =	vld [tilespmem:s15+$0xC0]  }
0x1ce: {  	v3 =	vld [tilespmem:s23+$0xC0]  }
0x1cf: {  	[tilespmem:s26+$0xFFFFFFB0] =	vst v2;
	v2 =	vld [tilespmem:s15+$0x30]  }
0x1d0: {  	v4 =	vadd.f32 v7, v4;
	v6 =	vld [tilespmem:s23+$0x30]  }
0x1d1: {  	v7 =	vld [tilespmem:s15+$0xFFFFFFC0];
	v1 =	vadd.f32 v5, v1  }
0x1d2: {  	[tilespmem:s26+$0xFFFFFF30] =	vst v4;
	v4 =	vld [tilespmem:s23+$0xFFFFFFC0]  }
0x1d3: {  	v5 =	vld [tilespmem:s15+$0xFFFFFF40];
	v0 =	vadd.f32 v3, v0;
	[tilespmem:s14+$0xFFFFFFF0] =	vst v1  }
0x1d4: {  	v1 =	vld [tilespmem:s23+$0xFFFFFF40]  }
0x1d5: {  	v2 =	vadd.f32 v6, v2;
	[tilespmem:s26+$0xC0] =	vst v0;
	v3 =	vld [tilespmem:s12+$0x70];
	s12 =	smov.u32 s15  }
0x1d6: {  	v0 =	vld [tilespmem:s15+$0xD0]  }
0x1d7: {  	v4 =	vadd.f32 v4, v7;
	[tilespmem:s26+$0x30] =	vst v2;
	v2 =	vld [tilespmem:s23+$0xD0]  }
0x1d8: {  	v6 =	vld [tilespmem:s15+$0x40]  }
0x1d9: {  	v1 =	vadd.f32 v1, v5;
	[tilespmem:s26+$0xFFFFFFC0] =	vst v4;
	v4 =	vld [tilespmem:s23+$0x40]  }
0x1da: {  	v5 =	vld [tilespmem:s15+$0xFFFFFFD0]  }
0x1db: {  	[tilespmem:s26+$0xFFFFFF40] =	vst v1;
	v1 =	vld [tilespmem:s23+$0xFFFFFFD0]  }
0x1dc: {  	v7 =	vld [tilespmem:s15+$0xFFFFFF50];
	v0 =	vadd.f32 v2, v0  }
0x1dd: {  	v2 =	vld [tilespmem:s23+$0xFFFFFF50]  }
0x1de: {  	v4 =	vadd.f32 v4, v6;
	[tilespmem:s26+$0xD0] =	vst v0;
	v6 =	vld [tilespmem:s13+$0x70];
	s13 =	smov.u32 s23  }
0x1df: {  	v8 =	vld [tilespmem:s15+$0xE0]  }
0x1e0: {  	v0 =	vadd.f32 v1, v5;
	[tilespmem:s26+$0x40] =	vst v4;
	v5 =	vld [tilespmem:s23+$0xE0]  }
0x1e1: {  	v1 =	vld [tilespmem:s15+$0x50]  }
.Ltmp2:
0x1e2: {  	v2 =	vadd.f32 v2, v7;
	[tilespmem:s26+$0xFFFFFFD0] =	vst v0;
	v4 =	vld [tilespmem:s23+$0x50];
	(pc) =	sbr.rel @p0 .LBB2_7-.Ltmp2, $4  }
0x1e3: {  	v0 =	vld [tilespmem:s15+$0xFFFFFFE0];
	v7 =	vadd.f32 v6, v3  }
0x1e4: {  	[tilespmem:s26+$0xFFFFFF50] =	vst v2;
	v3 =	vld [tilespmem:s23+$0xFFFFFFE0]  }
0x1e5: {  	v2 =	vld [tilespmem:s15+$0xFFFFFF60];
	v6 =	vadd.f32 v5, v8;
	[tilespmem:s14+$0x70] =	vst v7;
	s14 =	smov.u32 s26  }
0x1e6: {  	s15 =	sadd.s32 $0x200, s15;
	v5 =	vld [tilespmem:s23+$0xFFFFFF60]  }
0x1e7: {  	v1 =	vadd.f32 v4, v1;
	_ =	sdelay $0x1  }
0x1e8: {  	[tilespmem:s26+$0x50] =	vst v1  }
0x1e9: {  	v1 =	vld [tilespmem:s12+$0x60]  }
0x1ea: {  	v55 =	vld [tilespmem:s13+$0x60]  }
0x1eb: {  	[tilespmem:s26+$0xE0] =	vst v6;
	v0 =	vadd.f32 v3, v0  }
0x1ec: {  	v56 =	vld [tilespmem:s12+$0xF0]  }
0x1ed: {  	v57 =	vld [tilespmem:s13+$0xF0];
	v2 =	vadd.f32 v5, v2;
	[tilespmem:s26+$0xFFFFFFE0] =	vst v0  }
0x1ee: {  	v60 =	vld [tilespmem:s12+$0xFFFFFFF0]  }
0x1ef: {  	v61 =	vld [tilespmem:s13+$0xFFFFFFF0];
	[tilespmem:s26+$0xFFFFFF60] =	vst v2;
	v58 =	vadd.f32 v55, v1  }
0x1f0: {  	v2 =	vld [tilespmem:s12+$0xFFFFFF70]  }
0x1f1: {  	v59 =	vld [tilespmem:s13+$0xFFFFFF70];
	[tilespmem:s14+$0x60] =	vst v58  }
0x1f2: {  	v62 =	vld [tilespmem:s12+$0x70]  }
0x1f3: {  	v7 =	vld [tilespmem:s13+$0x70];
	_ =	sdelay $0x1  }
0x1f4: {  	v3 =	vadd.f32 v57, v56  }
0x1f5: {  	v0 =	vadd.f32 v61, v60  }
0x1f6: {  	[tilespmem:s14+$0xF0] =	vst v3;
	v1 =	vadd.f32 v59, v2  }
0x1f7: {  	[tilespmem:s14+$0xFFFFFFF0] =	vst v0;
	v63 =	vadd.f32 v7, v62  }
0x1f8: {  	p0 =	seq.s32 s7, $0x28;
	[tilespmem:s14+$0xFFFFFF70] =	vst v1  }
0x1f9: {  	s12 =	sadd.s32 @!p0 $0x280, s8;
	s13 =	simm.s32 @!p0 $0x50;
	[tilespmem:s14+$0x70] =	vst v63;
	s14 =	simm.s32 @!p0 $0x12000  }
0x1fa: {  	[tilespmem:s14], [sflag:$0x5] =	stream.indirect.gather @!p0 [hbm4b:s1+s13], $0x80, s12, s13, $0xb8;
	[tilespmem:$0x1E800] =	vst v63  }
0x1fb: {  	s7 =	sadd.s32 $0x1, s7;
	s8 =	sadd.s32 @!p0 $0x4280, s8;
	s12 =	simm.s32 @!p0 $0x14800  }
0x1fc: {  	[tilespmem:s12], [sflag:$0x6] =	stream.indirect.gather @!p0 [hbm4b:s3+s13], $0x80, s8, s13, $0xb8;
	[tilespmem:$0x1E800] =	vst v63  }
0x1fd: {  	p0 =	sne.s32 s7, $0x29  }
.Ltmp3:
0x1fe: {  	_ = 	snop;
	(pc) =	sbr.rel @p0 .LBB2_2-.Ltmp3, $4  }
0x1ff: {  	_ = 	snop  }
0x200: {  	s25 =	sshll.u32 s11, $0x4  }
0x201: {  	s26 =	simm.s32 $0x1C000;
	s8 =	sadd.s32 s5, s25  }
0x202: {  	[hbm4b:s8+s4] =	stream.linear.scatter [tilespmem:s26], [sflag:$0x9], $0x2800, $0x38;
	[tilespmem:$0x1E800] =	vst v63  }
0x203: {  	_ =	swait.ge [sflag:s28], $0x2800  }
0x204: {  	[sflag:s28] =	ssyncset.done $0x0  }
0x205: {  	[sflag:s28] =	ssyncadd.s32 $0xFFFFD800  }
0x206: {  	_ =	swait.ge [sflag:s29], $0x2800  }
0x207: {  	[sflag:s29] =	ssyncset.done $0x0  }
0x208: {  	s23 =	simm.s32 $0x7;
	[sflag:s29] =	ssyncadd.s32 $0xFFFFD800  }
0x209: {  	_ =	swait.ge [sflag:s23], $0x2800  }
0x20a: {  	[sflag:s23] =	ssyncset.done $0x0  }
0x20b: {  	s7 =	simm.s32 $0x8100;
	[sflag:s23] =	ssyncadd.s32 $0xFFFFD800  }
0x20c: {  	s8 =	simm.s32 $0xA900;
	v0 =	vld [tilespmem:s7+$0x80]  }
0x20d: {  	v1 =	vld [tilespmem:s8+$0x80];
	_ =	sdelay $0x2  }
0x20e: {  	v2 =	vld [tilespmem:s7+$0xFFFFFF80]  }
0x20f: {  	v3 =	vld [tilespmem:s8+$0xFFFFFF80]  }
0x210: {  	v4 =	vld [tilespmem:s8+$0xFFFFFF00];
	v0 =	vadd.f32 v1, v0  }
0x211: {  	s11 =	simm.s32 $0x17100;
	v1 =	vld [tilespmem:s7+$0xFFFFFF00]  }
0x212: {  	[tilespmem:s11+$0x80] =	vst v0  }
0x213: {  	v0 =	vld [tilespmem:s7+$0x90]  }
0x214: {  	v2 =	vadd.f32 v3, v2;
	v3 =	vld [tilespmem:s8+$0x90]  }
0x215: {  	v5 =	vld [tilespmem:s7+$0x0]  }
0x216: {  	v6 =	vld [tilespmem:s8+$0x0];
	[tilespmem:s11+$0xFFFFFF80] =	vst v2;
	v1 =	vadd.f32 v4, v1  }
0x217: {  	v2 =	vld [tilespmem:s7+$0xFFFFFF90]  }
0x218: {  	v4 =	vld [tilespmem:s8+$0xFFFFFF90];
	[tilespmem:s11+$0xFFFFFF00] =	vst v1  }
0x219: {  	v1 =	vld [tilespmem:s7+$0xFFFFFF10];
	v0 =	vadd.f32 v3, v0  }
0x21a: {  	v3 =	vld [tilespmem:s8+$0xFFFFFF10]  }
0x21b: {  	v5 =	vadd.f32 v6, v5;
	[tilespmem:s11+$0x90] =	vst v0  }
0x21c: {  	v0 =	vld [tilespmem:s7+$0xA0]  }
0x21d: {  	[tilespmem:s11+$0x0] =	vst v5;
	v2 =	vadd.f32 v4, v2;
	v4 =	vld [tilespmem:s8+$0xA0]  }
0x21e: {  	v5 =	vld [tilespmem:s7+$0x10]  }
0x21f: {  	v6 =	vld [tilespmem:s8+$0x10];
	[tilespmem:s11+$0xFFFFFF90] =	vst v2;
	v1 =	vadd.f32 v3, v1  }
0x220: {  	v2 =	vld [tilespmem:s7+$0xFFFFFFA0]  }
0x221: {  	v3 =	vld [tilespmem:s8+$0xFFFFFFA0];
	[tilespmem:s11+$0xFFFFFF10] =	vst v1  }
0x222: {  	v1 =	vld [tilespmem:s7+$0xFFFFFF20];
	v0 =	vadd.f32 v4, v0  }
0x223: {  	v4 =	vld [tilespmem:s8+$0xFFFFFF20]  }
0x224: {  	v5 =	vadd.f32 v6, v5;
	[tilespmem:s11+$0xA0] =	vst v0  }
0x225: {  	v0 =	vld [tilespmem:s7+$0xB0]  }
0x226: {  	[tilespmem:s11+$0x10] =	vst v5;
	v2 =	vadd.f32 v3, v2;
	v3 =	vld [tilespmem:s8+$0xB0]  }
0x227: {  	v5 =	vld [tilespmem:s7+$0x20]  }
0x228: {  	[tilespmem:s11+$0xFFFFFFA0] =	vst v2;
	v2 =	vld [tilespmem:s8+$0x20];
	v1 =	vadd.f32 v4, v1  }
0x229: {  	v4 =	vld [tilespmem:s7+$0xFFFFFFB0]  }
0x22a: {  	v6 =	vld [tilespmem:s8+$0xFFFFFFB0];
	[tilespmem:s11+$0xFFFFFF20] =	vst v1  }
0x22b: {  	v1 =	vld [tilespmem:s7+$0xFFFFFF30];
	v0 =	vadd.f32 v3, v0  }
0x22c: {  	v3 =	vld [tilespmem:s8+$0xFFFFFF30]  }
0x22d: {  	v2 =	vadd.f32 v2, v5;
	[tilespmem:s11+$0xB0] =	vst v0  }
0x22e: {  	v0 =	vld [tilespmem:s7+$0xC0]  }
0x22f: {  	v4 =	vadd.f32 v6, v4;
	[tilespmem:s11+$0x20] =	vst v2;
	v2 =	vld [tilespmem:s8+$0xC0]  }
0x230: {  	v5 =	vld [tilespmem:s7+$0x30]  }
0x231: {  	[tilespmem:s11+$0xFFFFFFB0] =	vst v4;
	v1 =	vadd.f32 v3, v1;
	v3 =	vld [tilespmem:s8+$0x30]  }
0x232: {  	v4 =	vld [tilespmem:s7+$0xFFFFFFC0]  }
0x233: {  	[tilespmem:s11+$0xFFFFFF30] =	vst v1;
	v1 =	vld [tilespmem:s8+$0xFFFFFFC0]  }
0x234: {  	v6 =	vld [tilespmem:s7+$0xFFFFFF40];
	v0 =	vadd.f32 v2, v0  }
0x235: {  	v2 =	vld [tilespmem:s8+$0xFFFFFF40]  }
0x236: {  	v3 =	vadd.f32 v3, v5;
	[tilespmem:s11+$0xC0] =	vst v0  }
0x237: {  	v0 =	vld [tilespmem:s7+$0xD0]  }
0x238: {  	v1 =	vadd.f32 v1, v4;
	[tilespmem:s11+$0x30] =	vst v3;
	v3 =	vld [tilespmem:s8+$0xD0]  }
0x239: {  	v4 =	vld [tilespmem:s7+$0x40]  }
0x23a: {  	v2 =	vadd.f32 v2, v6;
	[tilespmem:s11+$0xFFFFFFC0] =	vst v1;
	v1 =	vld [tilespmem:s8+$0x40]  }
0x23b: {  	v5 =	vld [tilespmem:s7+$0xFFFFFFD0]  }
0x23c: {  	[tilespmem:s11+$0xFFFFFF40] =	vst v2;
	v2 =	vld [tilespmem:s8+$0xFFFFFFD0]  }
0x23d: {  	v6 =	vld [tilespmem:s7+$0xFFFFFF50];
	v0 =	vadd.f32 v3, v0  }
0x23e: {  	v3 =	vld [tilespmem:s8+$0xFFFFFF50]  }
0x23f: {  	v1 =	vadd.f32 v1, v4;
	[tilespmem:s11+$0xD0] =	vst v0  }
0x240: {  	v7 =	vld [tilespmem:s7+$0xE0]  }
0x241: {  	v0 =	vadd.f32 v2, v5;
	v5 =	vld [tilespmem:s8+$0xE0];
	[tilespmem:s11+$0x40] =	vst v1  }
0x242: {  	v1 =	vld [tilespmem:s7+$0x50]  }
0x243: {  	v2 =	vadd.f32 v3, v6;
	[tilespmem:s11+$0xFFFFFFD0] =	vst v0;
	v4 =	vld [tilespmem:s8+$0x50]  }
0x244: {  	v0 =	vld [tilespmem:s7+$0xFFFFFFE0]  }
0x245: {  	v3 =	vld [tilespmem:s8+$0xFFFFFFE0];
	[tilespmem:s11+$0xFFFFFF50] =	vst v2  }
0x246: {  	s13 =	simm.s32 $0x0;
	v2 =	vld [tilespmem:s7+$0xFFFFFF60];
	v6 =	vadd.f32 v5, v7  }
0x247: {  	s14 =	simm.s32 $0x8300;
	s15 =	simm.s32 $0xA900;
	s12 =	simm.s32 $0x17100;
	v5 =	vld [tilespmem:s8+$0xFFFFFF60]  }
.LBB2_10:
0x248: {  	v7 =	vld [tilespmem:s14+$0x80];
	v1 =	vadd.f32 v4, v1;
	[tilespmem:s11+$0xE0] =	vst v6  }
0x249: {  	v4 =	vld [tilespmem:s7+$0xF0]  }
0x24a: {  	s15 =	sadd.s32 $0x200, s15;
	v0 =	vadd.f32 v3, v0;
	[tilespmem:s11+$0x50] =	vst v1;
	v1 =	vld [tilespmem:s8+$0xF0]  }
0x24b: {  	v3 =	vld [tilespmem:s15+$0x80]  }
0x24c: {  	v6 =	vld [tilespmem:s15+$0xFFFFFF00];
	v2 =	vadd.f32 v5, v2;
	[tilespmem:s11+$0xFFFFFFE0] =	vst v0  }
0x24d: {  	v0 =	vld [tilespmem:s14+$0xFFFFFF80]  }
0x24e: {  	v5 =	vld [tilespmem:s15+$0xFFFFFF80];
	[tilespmem:s11+$0xFFFFFF60] =	vst v2  }
0x24f: {  	v2 =	vld [tilespmem:s14+$0x0];
	v1 =	vadd.f32 v1, v4  }
0x250: {  	v4 =	vld [tilespmem:s15+$0x0];
	v3 =	vadd.f32 v3, v7  }
0x251: {  	s11 =	sadd.s32 $0x200, s11;
	v7 =	vld [tilespmem:s14+$0xFFFFFF00];
	[tilespmem:s12+$0xF0] =	vst v1  }
0x252: {  	s13 =	sadd.s32 $0x4, s13;
	[tilespmem:s11+$0x80] =	vst v3;
	v1 =	vld [tilespmem:s7+$0x60]  }
0x253: {  	p0 =	slt.u32 s13, $0x4C;
	v0 =	vadd.f32 v5, v0;
	v3 =	vld [tilespmem:s14+$0x90]  }
0x254: {  	v5 =	vld [tilespmem:s15+$0x90]  }
0x255: {  	[tilespmem:s11+$0xFFFFFF80] =	vst v0;
	v0 =	vadd.f32 v4, v2;
	v2 =	vld [tilespmem:s8+$0x60]  }
0x256: {  	v4 =	vadd.f32 v6, v7;
	v6 =	vld [tilespmem:s14+$0xFFFFFF90]  }
0x257: {  	v7 =	vld [tilespmem:s15+$0xFFFFFF90];
	[tilespmem:s11+$0x0] =	vst v0  }
0x258: {  	[tilespmem:s11+$0xFFFFFF00] =	vst v4;
	v0 =	vld [tilespmem:s14+$0x10]  }
0x259: {  	v4 =	vld [tilespmem:s14+$0xFFFFFF10];
	v3 =	vadd.f32 v5, v3  }
0x25a: {  	v5 =	vld [tilespmem:s15+$0xFFFFFF10];
	v1 =	vadd.f32 v2, v1  }
0x25b: {  	v2 =	vld [tilespmem:s15+$0x10];
	[tilespmem:s11+$0x90] =	vst v3  }
0x25c: {  	v3 =	vadd.f32 v7, v6;
	v6 =	vld [tilespmem:s14+$0xA0];
	[tilespmem:s12+$0x60] =	vst v1  }
0x25d: {  	v1 =	vld [tilespmem:s15+$0xA0]  }
0x25e: {  	[tilespmem:s11+$0xFFFFFF90] =	vst v3;
	v3 =	vld [tilespmem:s7+$0xFFFFFF70]  }
0x25f: {  	v4 =	vadd.f32 v5, v4;
	v5 =	vld [tilespmem:s14+$0xFFFFFFA0]  }
0x260: {  	v7 =	vld [tilespmem:s15+$0xFFFFFFA0];
	v0 =	vadd.f32 v2, v0  }
0x261: {  	[tilespmem:s11+$0xFFFFFF10] =	vst v4;
	v2 =	vld [tilespmem:s8+$0xFFFFFF70]  }
0x262: {  	v4 =	vld [tilespmem:s14+$0xFFFFFF20];
	[tilespmem:s11+$0x10] =	vst v0;
	v0 =	vadd.f32 v1, v6  }
0x263: {  	v1 =	vld [tilespmem:s15+$0xFFFFFF20]  }
0x264: {  	v6 =	vld [tilespmem:s14+$0x20];
	[tilespmem:s11+$0xA0] =	vst v0  }
0x265: {  	v0 =	vadd.f32 v7, v5;
	v5 =	vld [tilespmem:s14+$0xB0]  }
0x266: {  	v7 =	vld [tilespmem:s15+$0xB0];
	v2 =	vadd.f32 v2, v3  }
0x267: {  	[tilespmem:s11+$0xFFFFFFA0] =	vst v0;
	v0 =	vld [tilespmem:s15+$0x20]  }
0x268: {  	v1 =	vadd.f32 v1, v4;
	v3 =	vld [tilespmem:s14+$0xFFFFFFB0];
	[tilespmem:s12+$0xFFFFFF70] =	vst v2  }
0x269: {  	v2 =	vld [tilespmem:s15+$0xFFFFFFB0]  }
0x26a: {  	[tilespmem:s11+$0xFFFFFF20] =	vst v1;
	v1 =	vld [tilespmem:s7+$0xFFFFFFF0]  }
0x26b: {  	v4 =	vld [tilespmem:s14+$0xFFFFFF30];
	v5 =	vadd.f32 v7, v5  }
0x26c: {  	v7 =	vld [tilespmem:s15+$0xFFFFFF30];
	v0 =	vadd.f32 v0, v6  }
0x26d: {  	[tilespmem:s11+$0xB0] =	vst v5;
	v5 =	vld [tilespmem:s8+$0xFFFFFFF0]  }
0x26e: {  	v2 =	vadd.f32 v2, v3;
	[tilespmem:s11+$0x20] =	vst v0;
	v0 =	vld [tilespmem:s14+$0xC0]  }
0x26f: {  	v3 =	vld [tilespmem:s15+$0xC0]  }
0x270: {  	[tilespmem:s11+$0xFFFFFFB0] =	vst v2;
	v2 =	vld [tilespmem:s14+$0x30]  }
0x271: {  	v4 =	vadd.f32 v7, v4;
	v6 =	vld [tilespmem:s15+$0x30]  }
0x272: {  	v7 =	vld [tilespmem:s14+$0xFFFFFFC0];
	v1 =	vadd.f32 v5, v1  }
0x273: {  	[tilespmem:s11+$0xFFFFFF30] =	vst v4;
	v4 =	vld [tilespmem:s15+$0xFFFFFFC0]  }
0x274: {  	v5 =	vld [tilespmem:s14+$0xFFFFFF40];
	v0 =	vadd.f32 v3, v0;
	[tilespmem:s12+$0xFFFFFFF0] =	vst v1  }
0x275: {  	v1 =	vld [tilespmem:s15+$0xFFFFFF40]  }
0x276: {  	v2 =	vadd.f32 v6, v2;
	[tilespmem:s11+$0xC0] =	vst v0;
	v3 =	vld [tilespmem:s7+$0x70];
	s7 =	smov.u32 s14  }
0x277: {  	v0 =	vld [tilespmem:s14+$0xD0]  }
0x278: {  	v4 =	vadd.f32 v4, v7;
	[tilespmem:s11+$0x30] =	vst v2;
	v2 =	vld [tilespmem:s15+$0xD0]  }
0x279: {  	v6 =	vld [tilespmem:s14+$0x40]  }
0x27a: {  	v1 =	vadd.f32 v1, v5;
	[tilespmem:s11+$0xFFFFFFC0] =	vst v4;
	v4 =	vld [tilespmem:s15+$0x40]  }
0x27b: {  	v5 =	vld [tilespmem:s14+$0xFFFFFFD0]  }
0x27c: {  	[tilespmem:s11+$0xFFFFFF40] =	vst v1;
	v1 =	vld [tilespmem:s15+$0xFFFFFFD0]  }
0x27d: {  	v7 =	vld [tilespmem:s14+$0xFFFFFF50];
	v0 =	vadd.f32 v2, v0  }
0x27e: {  	v2 =	vld [tilespmem:s15+$0xFFFFFF50]  }
0x27f: {  	v4 =	vadd.f32 v4, v6;
	[tilespmem:s11+$0xD0] =	vst v0;
	v6 =	vld [tilespmem:s8+$0x70];
	s8 =	smov.u32 s15  }
0x280: {  	v8 =	vld [tilespmem:s14+$0xE0]  }
0x281: {  	v0 =	vadd.f32 v1, v5;
	[tilespmem:s11+$0x40] =	vst v4;
	v5 =	vld [tilespmem:s15+$0xE0]  }
0x282: {  	v1 =	vld [tilespmem:s14+$0x50]  }
.Ltmp4:
0x283: {  	v2 =	vadd.f32 v2, v7;
	[tilespmem:s11+$0xFFFFFFD0] =	vst v0;
	v4 =	vld [tilespmem:s15+$0x50];
	(pc) =	sbr.rel @p0 .LBB2_10-.Ltmp4, $4  }
0x284: {  	v0 =	vld [tilespmem:s14+$0xFFFFFFE0];
	v7 =	vadd.f32 v6, v3  }
0x285: {  	[tilespmem:s11+$0xFFFFFF50] =	vst v2;
	v3 =	vld [tilespmem:s15+$0xFFFFFFE0]  }
0x286: {  	v2 =	vld [tilespmem:s14+$0xFFFFFF60];
	v6 =	vadd.f32 v5, v8;
	[tilespmem:s12+$0x70] =	vst v7;
	s12 =	smov.u32 s11  }
0x287: {  	s14 =	sadd.s32 $0x200, s14;
	v5 =	vld [tilespmem:s15+$0xFFFFFF60]  }
0x288: {  	v1 =	vadd.f32 v4, v1;
	_ =	sdelay $0x1  }
0x289: {  	[tilespmem:s11+$0x50] =	vst v1  }
0x28a: {  	v1 =	vld [tilespmem:s7+$0x60]  }
0x28b: {  	v4 =	vld [tilespmem:s8+$0x60]  }
0x28c: {  	[tilespmem:s11+$0xE0] =	vst v6;
	v2 =	vadd.f32 v5, v2  }
0x28d: {  	v0 =	vadd.f32 v3, v0;
	v3 =	vld [tilespmem:s8+$0xF0]  }
0x28e: {  	v5 =	vld [tilespmem:s7+$0xF0];
	[tilespmem:s11+$0xFFFFFF60] =	vst v2  }
0x28f: {  	v2 =	vld [tilespmem:s7+$0xFFFFFF70]  }
0x290: {  	[tilespmem:s11+$0xFFFFFFE0] =	vst v0;
	v0 =	vadd.f32 v4, v1;
	v1 =	vld [tilespmem:s8+$0xFFFFFF70]  }
0x291: {  	v4 =	vld [tilespmem:s7+$0xFFFFFFF0]  }
0x292: {  	[tilespmem:s12+$0x60] =	vst v0;
	v0 =	vld [tilespmem:s8+$0xFFFFFFF0]  }
0x293: {  	v6 =	vld [tilespmem:s7+$0x70]  }
0x294: {  	v7 =	vld [tilespmem:s8+$0x70];
	_ =	sdelay $0x1  }
0x295: {  	v3 =	vadd.f32 v3, v5  }
0x296: {  	v1 =	vadd.f32 v1, v2  }
0x297: {  	[tilespmem:s12+$0xF0] =	vst v3;
	v0 =	vadd.f32 v0, v4  }
0x298: {  	[tilespmem:s12+$0xFFFFFF70] =	vst v1;
	v1 =	vadd.f32 v7, v6  }
0x299: {  	[tilespmem:s12+$0xFFFFFFF0] =	vst v0  }
0x29a: {  	[tilespmem:s12+$0x70] =	vst v1  }
0x29b: {  	s26 =	rddreg [dreg:$0x6]  }
0x29c: {  	[hbm4b:s26+s4] =	stream.linear.scatter [tilespmem:s30], [sflag:$0x7], $0x2800, $0x38;
	[tilespmem:$0x1E800] =	vst v63  }
0x29d: {  	_ =	swait.ge [sflag:s31], $0x2800  }
0x29e: {  	[sflag:s31] =	ssyncset.done $0x0  }
0x29f: {  	[sflag:s31] =	ssyncadd.s32 $0xFFFFD800  }
0x2a0: {  	_ =	swait.ge [sflag:s0], $0x2800  }
0x2a1: {  	[sflag:s0] =	ssyncset.done $0x0  }
0x2a2: {  	s24 =	simm.s32 $0x8;
	[sflag:s0] =	ssyncadd.s32 $0xFFFFD800  }
0x2a3: {  	_ =	swait.ge [sflag:s24], $0x2800  }
0x2a4: {  	[sflag:s24] =	ssyncset.done $0x0  }
0x2a5: {  	s7 =	simm.s32 $0xD100;
	[sflag:s24] =	ssyncadd.s32 $0xFFFFD800  }
0x2a6: {  	s8 =	simm.s32 $0xF900;
	v0 =	vld [tilespmem:s7+$0x80]  }
0x2a7: {  	v1 =	vld [tilespmem:s8+$0x80];
	_ =	sdelay $0x2  }
0x2a8: {  	v2 =	vld [tilespmem:s7+$0xFFFFFF80]  }
0x2a9: {  	v3 =	vld [tilespmem:s8+$0xFFFFFF80]  }
0x2aa: {  	v4 =	vld [tilespmem:s8+$0xFFFFFF00];
	v0 =	vadd.f32 v1, v0  }
0x2ab: {  	s11 =	simm.s32 $0x19900;
	v1 =	vld [tilespmem:s7+$0xFFFFFF00]  }
0x2ac: {  	[tilespmem:s11+$0x80] =	vst v0  }
0x2ad: {  	v0 =	vld [tilespmem:s7+$0x90]  }
0x2ae: {  	v2 =	vadd.f32 v3, v2;
	v3 =	vld [tilespmem:s8+$0x90]  }
0x2af: {  	v5 =	vld [tilespmem:s7+$0x0]  }
0x2b0: {  	v6 =	vld [tilespmem:s8+$0x0];
	[tilespmem:s11+$0xFFFFFF80] =	vst v2;
	v1 =	vadd.f32 v4, v1  }
0x2b1: {  	v2 =	vld [tilespmem:s7+$0xFFFFFF90]  }
0x2b2: {  	v4 =	vld [tilespmem:s8+$0xFFFFFF90];
	[tilespmem:s11+$0xFFFFFF00] =	vst v1  }
0x2b3: {  	v1 =	vld [tilespmem:s7+$0xFFFFFF10];
	v0 =	vadd.f32 v3, v0  }
0x2b4: {  	v3 =	vld [tilespmem:s8+$0xFFFFFF10]  }
0x2b5: {  	v5 =	vadd.f32 v6, v5;
	[tilespmem:s11+$0x90] =	vst v0  }
0x2b6: {  	v0 =	vld [tilespmem:s7+$0xA0]  }
0x2b7: {  	[tilespmem:s11+$0x0] =	vst v5;
	v2 =	vadd.f32 v4, v2;
	v4 =	vld [tilespmem:s8+$0xA0]  }
0x2b8: {  	v5 =	vld [tilespmem:s7+$0x10]  }
0x2b9: {  	v6 =	vld [tilespmem:s8+$0x10];
	[tilespmem:s11+$0xFFFFFF90] =	vst v2;
	v1 =	vadd.f32 v3, v1  }
0x2ba: {  	v2 =	vld [tilespmem:s7+$0xFFFFFFA0]  }
0x2bb: {  	v3 =	vld [tilespmem:s8+$0xFFFFFFA0];
	[tilespmem:s11+$0xFFFFFF10] =	vst v1  }
0x2bc: {  	v1 =	vld [tilespmem:s7+$0xFFFFFF20];
	v0 =	vadd.f32 v4, v0  }
0x2bd: {  	v4 =	vld [tilespmem:s8+$0xFFFFFF20]  }
0x2be: {  	v5 =	vadd.f32 v6, v5;
	[tilespmem:s11+$0xA0] =	vst v0  }
0x2bf: {  	v0 =	vld [tilespmem:s7+$0xB0]  }
0x2c0: {  	[tilespmem:s11+$0x10] =	vst v5;
	v2 =	vadd.f32 v3, v2;
	v3 =	vld [tilespmem:s8+$0xB0]  }
0x2c1: {  	v5 =	vld [tilespmem:s7+$0x20]  }
0x2c2: {  	[tilespmem:s11+$0xFFFFFFA0] =	vst v2;
	v2 =	vld [tilespmem:s8+$0x20];
	v1 =	vadd.f32 v4, v1  }
0x2c3: {  	v4 =	vld [tilespmem:s7+$0xFFFFFFB0]  }
0x2c4: {  	v6 =	vld [tilespmem:s8+$0xFFFFFFB0];
	[tilespmem:s11+$0xFFFFFF20] =	vst v1  }
0x2c5: {  	v1 =	vld [tilespmem:s7+$0xFFFFFF30];
	v0 =	vadd.f32 v3, v0  }
0x2c6: {  	v3 =	vld [tilespmem:s8+$0xFFFFFF30]  }
0x2c7: {  	v2 =	vadd.f32 v2, v5;
	[tilespmem:s11+$0xB0] =	vst v0  }
0x2c8: {  	v0 =	vld [tilespmem:s7+$0xC0]  }
0x2c9: {  	v4 =	vadd.f32 v6, v4;
	[tilespmem:s11+$0x20] =	vst v2;
	v2 =	vld [tilespmem:s8+$0xC0]  }
0x2ca: {  	v5 =	vld [tilespmem:s7+$0x30]  }
0x2cb: {  	[tilespmem:s11+$0xFFFFFFB0] =	vst v4;
	v1 =	vadd.f32 v3, v1;
	v3 =	vld [tilespmem:s8+$0x30]  }
0x2cc: {  	v4 =	vld [tilespmem:s7+$0xFFFFFFC0]  }
0x2cd: {  	[tilespmem:s11+$0xFFFFFF30] =	vst v1;
	v1 =	vld [tilespmem:s8+$0xFFFFFFC0]  }
0x2ce: {  	v6 =	vld [tilespmem:s7+$0xFFFFFF40];
	v0 =	vadd.f32 v2, v0  }
0x2cf: {  	v2 =	vld [tilespmem:s8+$0xFFFFFF40]  }
0x2d0: {  	v3 =	vadd.f32 v3, v5;
	[tilespmem:s11+$0xC0] =	vst v0  }
0x2d1: {  	v0 =	vld [tilespmem:s7+$0xD0]  }
0x2d2: {  	v1 =	vadd.f32 v1, v4;
	[tilespmem:s11+$0x30] =	vst v3;
	v3 =	vld [tilespmem:s8+$0xD0]  }
0x2d3: {  	v4 =	vld [tilespmem:s7+$0x40]  }
0x2d4: {  	v2 =	vadd.f32 v2, v6;
	[tilespmem:s11+$0xFFFFFFC0] =	vst v1;
	v1 =	vld [tilespmem:s8+$0x40]  }
0x2d5: {  	v5 =	vld [tilespmem:s7+$0xFFFFFFD0]  }
0x2d6: {  	[tilespmem:s11+$0xFFFFFF40] =	vst v2;
	v2 =	vld [tilespmem:s8+$0xFFFFFFD0]  }
0x2d7: {  	v6 =	vld [tilespmem:s7+$0xFFFFFF50];
	v0 =	vadd.f32 v3, v0  }
0x2d8: {  	v3 =	vld [tilespmem:s8+$0xFFFFFF50]  }
0x2d9: {  	v1 =	vadd.f32 v1, v4;
	[tilespmem:s11+$0xD0] =	vst v0  }
0x2da: {  	v7 =	vld [tilespmem:s7+$0xE0]  }
0x2db: {  	v0 =	vadd.f32 v2, v5;
	v5 =	vld [tilespmem:s8+$0xE0];
	[tilespmem:s11+$0x40] =	vst v1  }
0x2dc: {  	v1 =	vld [tilespmem:s7+$0x50]  }
0x2dd: {  	v2 =	vadd.f32 v3, v6;
	[tilespmem:s11+$0xFFFFFFD0] =	vst v0;
	v4 =	vld [tilespmem:s8+$0x50]  }
0x2de: {  	v0 =	vld [tilespmem:s7+$0xFFFFFFE0]  }
0x2df: {  	v3 =	vld [tilespmem:s8+$0xFFFFFFE0];
	[tilespmem:s11+$0xFFFFFF50] =	vst v2  }
0x2e0: {  	s13 =	simm.s32 $0x0;
	v2 =	vld [tilespmem:s7+$0xFFFFFF60];
	v6 =	vadd.f32 v5, v7  }
0x2e1: {  	s14 =	simm.s32 $0xD300;
	s15 =	simm.s32 $0xF900;
	s12 =	simm.s32 $0x19900;
	v5 =	vld [tilespmem:s8+$0xFFFFFF60]  }
.LBB2_12:
0x2e2: {  	v7 =	vld [tilespmem:s14+$0x80];
	v1 =	vadd.f32 v4, v1;
	[tilespmem:s11+$0xE0] =	vst v6  }
0x2e3: {  	v4 =	vld [tilespmem:s7+$0xF0]  }
0x2e4: {  	s15 =	sadd.s32 $0x200, s15;
	v0 =	vadd.f32 v3, v0;
	[tilespmem:s11+$0x50] =	vst v1;
	v1 =	vld [tilespmem:s8+$0xF0]  }
0x2e5: {  	v3 =	vld [tilespmem:s15+$0x80]  }
0x2e6: {  	v6 =	vld [tilespmem:s15+$0xFFFFFF00];
	v2 =	vadd.f32 v5, v2;
	[tilespmem:s11+$0xFFFFFFE0] =	vst v0  }
0x2e7: {  	v0 =	vld [tilespmem:s14+$0xFFFFFF80]  }
0x2e8: {  	v5 =	vld [tilespmem:s15+$0xFFFFFF80];
	[tilespmem:s11+$0xFFFFFF60] =	vst v2  }
0x2e9: {  	v2 =	vld [tilespmem:s14+$0x0];
	v1 =	vadd.f32 v1, v4  }
0x2ea: {  	v4 =	vld [tilespmem:s15+$0x0];
	v3 =	vadd.f32 v3, v7  }
0x2eb: {  	s11 =	sadd.s32 $0x200, s11;
	v7 =	vld [tilespmem:s14+$0xFFFFFF00];
	[tilespmem:s12+$0xF0] =	vst v1  }
0x2ec: {  	s13 =	sadd.s32 $0x4, s13;
	[tilespmem:s11+$0x80] =	vst v3;
	v1 =	vld [tilespmem:s7+$0x60]  }
0x2ed: {  	p0 =	slt.u32 s13, $0x4C;
	v0 =	vadd.f32 v5, v0;
	v3 =	vld [tilespmem:s14+$0x90]  }
0x2ee: {  	v5 =	vld [tilespmem:s15+$0x90]  }
0x2ef: {  	[tilespmem:s11+$0xFFFFFF80] =	vst v0;
	v0 =	vadd.f32 v4, v2;
	v2 =	vld [tilespmem:s8+$0x60]  }
0x2f0: {  	v4 =	vadd.f32 v6, v7;
	v6 =	vld [tilespmem:s14+$0xFFFFFF90]  }
0x2f1: {  	v7 =	vld [tilespmem:s15+$0xFFFFFF90];
	[tilespmem:s11+$0x0] =	vst v0  }
0x2f2: {  	[tilespmem:s11+$0xFFFFFF00] =	vst v4;
	v0 =	vld [tilespmem:s14+$0x10]  }
0x2f3: {  	v4 =	vld [tilespmem:s14+$0xFFFFFF10];
	v3 =	vadd.f32 v5, v3  }
0x2f4: {  	v5 =	vld [tilespmem:s15+$0xFFFFFF10];
	v1 =	vadd.f32 v2, v1  }
0x2f5: {  	v2 =	vld [tilespmem:s15+$0x10];
	[tilespmem:s11+$0x90] =	vst v3  }
0x2f6: {  	v3 =	vadd.f32 v7, v6;
	v6 =	vld [tilespmem:s14+$0xA0];
	[tilespmem:s12+$0x60] =	vst v1  }
0x2f7: {  	v1 =	vld [tilespmem:s15+$0xA0]  }
0x2f8: {  	[tilespmem:s11+$0xFFFFFF90] =	vst v3;
	v3 =	vld [tilespmem:s7+$0xFFFFFF70]  }
0x2f9: {  	v4 =	vadd.f32 v5, v4;
	v5 =	vld [tilespmem:s14+$0xFFFFFFA0]  }
0x2fa: {  	v7 =	vld [tilespmem:s15+$0xFFFFFFA0];
	v0 =	vadd.f32 v2, v0  }
0x2fb: {  	[tilespmem:s11+$0xFFFFFF10] =	vst v4;
	v2 =	vld [tilespmem:s8+$0xFFFFFF70]  }
0x2fc: {  	v4 =	vld [tilespmem:s14+$0xFFFFFF20];
	[tilespmem:s11+$0x10] =	vst v0;
	v0 =	vadd.f32 v1, v6  }
0x2fd: {  	v1 =	vld [tilespmem:s15+$0xFFFFFF20]  }
0x2fe: {  	v6 =	vld [tilespmem:s14+$0x20];
	[tilespmem:s11+$0xA0] =	vst v0  }
0x2ff: {  	v0 =	vadd.f32 v7, v5;
	v5 =	vld [tilespmem:s14+$0xB0]  }
0x300: {  	v7 =	vld [tilespmem:s15+$0xB0];
	v2 =	vadd.f32 v2, v3  }
0x301: {  	[tilespmem:s11+$0xFFFFFFA0] =	vst v0;
	v0 =	vld [tilespmem:s15+$0x20]  }
0x302: {  	v1 =	vadd.f32 v1, v4;
	v3 =	vld [tilespmem:s14+$0xFFFFFFB0];
	[tilespmem:s12+$0xFFFFFF70] =	vst v2  }
0x303: {  	v2 =	vld [tilespmem:s15+$0xFFFFFFB0]  }
0x304: {  	[tilespmem:s11+$0xFFFFFF20] =	vst v1;
	v1 =	vld [tilespmem:s7+$0xFFFFFFF0]  }
0x305: {  	v4 =	vld [tilespmem:s14+$0xFFFFFF30];
	v5 =	vadd.f32 v7, v5  }
0x306: {  	v7 =	vld [tilespmem:s15+$0xFFFFFF30];
	v0 =	vadd.f32 v0, v6  }
0x307: {  	[tilespmem:s11+$0xB0] =	vst v5;
	v5 =	vld [tilespmem:s8+$0xFFFFFFF0]  }
0x308: {  	v2 =	vadd.f32 v2, v3;
	[tilespmem:s11+$0x20] =	vst v0;
	v0 =	vld [tilespmem:s14+$0xC0]  }
0x309: {  	v3 =	vld [tilespmem:s15+$0xC0]  }
0x30a: {  	[tilespmem:s11+$0xFFFFFFB0] =	vst v2;
	v2 =	vld [tilespmem:s14+$0x30]  }
0x30b: {  	v4 =	vadd.f32 v7, v4;
	v6 =	vld [tilespmem:s15+$0x30]  }
0x30c: {  	v7 =	vld [tilespmem:s14+$0xFFFFFFC0];
	v1 =	vadd.f32 v5, v1  }
0x30d: {  	[tilespmem:s11+$0xFFFFFF30] =	vst v4;
	v4 =	vld [tilespmem:s15+$0xFFFFFFC0]  }
0x30e: {  	v5 =	vld [tilespmem:s14+$0xFFFFFF40];
	v0 =	vadd.f32 v3, v0;
	[tilespmem:s12+$0xFFFFFFF0] =	vst v1  }
0x30f: {  	v1 =	vld [tilespmem:s15+$0xFFFFFF40]  }
0x310: {  	v2 =	vadd.f32 v6, v2;
	[tilespmem:s11+$0xC0] =	vst v0;
	v3 =	vld [tilespmem:s7+$0x70];
	s7 =	smov.u32 s14  }
0x311: {  	v0 =	vld [tilespmem:s14+$0xD0]  }
0x312: {  	v4 =	vadd.f32 v4, v7;
	[tilespmem:s11+$0x30] =	vst v2;
	v2 =	vld [tilespmem:s15+$0xD0]  }
0x313: {  	v6 =	vld [tilespmem:s14+$0x40]  }
0x314: {  	v1 =	vadd.f32 v1, v5;
	[tilespmem:s11+$0xFFFFFFC0] =	vst v4;
	v4 =	vld [tilespmem:s15+$0x40]  }
0x315: {  	v5 =	vld [tilespmem:s14+$0xFFFFFFD0]  }
0x316: {  	[tilespmem:s11+$0xFFFFFF40] =	vst v1;
	v1 =	vld [tilespmem:s15+$0xFFFFFFD0]  }
0x317: {  	v7 =	vld [tilespmem:s14+$0xFFFFFF50];
	v0 =	vadd.f32 v2, v0  }
0x318: {  	v2 =	vld [tilespmem:s15+$0xFFFFFF50]  }
0x319: {  	v4 =	vadd.f32 v4, v6;
	[tilespmem:s11+$0xD0] =	vst v0;
	v6 =	vld [tilespmem:s8+$0x70];
	s8 =	smov.u32 s15  }
0x31a: {  	v8 =	vld [tilespmem:s14+$0xE0]  }
0x31b: {  	v0 =	vadd.f32 v1, v5;
	[tilespmem:s11+$0x40] =	vst v4;
	v5 =	vld [tilespmem:s15+$0xE0]  }
0x31c: {  	v1 =	vld [tilespmem:s14+$0x50]  }
.Ltmp5:
0x31d: {  	v2 =	vadd.f32 v2, v7;
	[tilespmem:s11+$0xFFFFFFD0] =	vst v0;
	v4 =	vld [tilespmem:s15+$0x50];
	(pc) =	sbr.rel @p0 .LBB2_12-.Ltmp5, $4  }
0x31e: {  	v0 =	vld [tilespmem:s14+$0xFFFFFFE0];
	v7 =	vadd.f32 v6, v3  }
0x31f: {  	[tilespmem:s11+$0xFFFFFF50] =	vst v2;
	v3 =	vld [tilespmem:s15+$0xFFFFFFE0]  }
0x320: {  	v2 =	vld [tilespmem:s14+$0xFFFFFF60];
	v6 =	vadd.f32 v5, v8;
	[tilespmem:s12+$0x70] =	vst v7;
	s12 =	smov.u32 s11  }
0x321: {  	s14 =	sadd.s32 $0x200, s14;
	v5 =	vld [tilespmem:s15+$0xFFFFFF60]  }
0x322: {  	v1 =	vadd.f32 v4, v1;
	_ =	sdelay $0x1  }
0x323: {  	[tilespmem:s11+$0x50] =	vst v1  }
0x324: {  	v1 =	vld [tilespmem:s7+$0x60]  }
0x325: {  	v55 =	vld [tilespmem:s8+$0x60]  }
0x326: {  	[tilespmem:s11+$0xE0] =	vst v6;
	v0 =	vadd.f32 v3, v0  }
0x327: {  	v56 =	vld [tilespmem:s7+$0xF0]  }
0x328: {  	v57 =	vld [tilespmem:s8+$0xF0];
	v2 =	vadd.f32 v5, v2;
	[tilespmem:s11+$0xFFFFFFE0] =	vst v0  }
0x329: {  	v60 =	vld [tilespmem:s7+$0xFFFFFFF0]  }
0x32a: {  	v61 =	vld [tilespmem:s8+$0xFFFFFFF0];
	[tilespmem:s11+$0xFFFFFF60] =	vst v2;
	v58 =	vadd.f32 v55, v1  }
0x32b: {  	v2 =	vld [tilespmem:s7+$0xFFFFFF70]  }
0x32c: {  	v59 =	vld [tilespmem:s8+$0xFFFFFF70];
	[tilespmem:s12+$0x60] =	vst v58  }
0x32d: {  	v62 =	vld [tilespmem:s7+$0x70]  }
0x32e: {  	v7 =	vld [tilespmem:s8+$0x70];
	_ =	sdelay $0x1  }
0x32f: {  	v3 =	vadd.f32 v57, v56  }
0x330: {  	v0 =	vadd.f32 v61, v60  }
0x331: {  	[tilespmem:s12+$0xF0] =	vst v3;
	v1 =	vadd.f32 v59, v2  }
0x332: {  	[tilespmem:s12+$0xFFFFFFF0] =	vst v0;
	v63 =	vadd.f32 v7, v62  }
0x333: {  	[tilespmem:s12+$0xFFFFFF70] =	vst v1  }
0x334: {  	[tilespmem:s12+$0x70] =	vst v63  }
0x335: {  	s15 =	rddreg [dreg:$0x7]  }
0x336: {  	[hbm4b:s15+s4] =	stream.linear.scatter [tilespmem:s2], [sflag:$0x8], $0x2800, $0x38;
	[tilespmem:$0x1E800] =	vst v63  }
0x337: {  	_ =	swait.ge [sflag:s23], $0x2800  }
0x338: {  	[sflag:s23] =	ssyncset.done $0x0  }
0x339: {  	[sflag:s23] =	ssyncadd.s32 $0xFFFFD800  }
0x33a: {  	_ =	swait.ge [sflag:s24], $0x2800  }
0x33b: {  	[sflag:s24] =	ssyncset.done $0x0  }
0x33c: {  	[sflag:s24] =	ssyncadd.s32 $0xFFFFD800;
	s24 =	simm.s32 $0x9  }
0x33d: {  	_ =	swait.ge [sflag:s24], $0x2800  }
0x33e: {  	s25 =	rddreg [dreg:$0x9]  }
0x33f: {  	s26 =	rddreg [dreg:$0x8];
	s11 =	sadd.s32 $0x1, s25  }
0x340: {  	p0 =	sne.s32 s11, s26  }
.Ltmp6:
0x341: {  	_ = 	snop;
	(pc) =	sbr.rel @p0 .LBB2_1-.Ltmp6, $3  }
0x342: {  	_ =	sdelay $0x1  }
0x343: {  	[sflag:s24] =	ssyncset.done $0x0  }
0x344: {  	[sflag:s24] =	ssyncadd.s32 $0xFFFFD800  }
0x345: {  	_ =	sfence.sel $0x180000  }
0x346: {  	[bflag:$0x0] =	sbarrier.arrive $0xFFFF  }
0x347: {  	_ =	strace $0x90000047  }
0x348: {  	s0 =	stileid.u32;
	[bflag:$0x2] =	sbarrier.arrive $0xFFFF  }
0x349: {  	p0 =	sne.s32 s0, $0x0;
	s0 =	rddreg [dreg:$0x3]  }
0x34a: {  	s0 =	sadd.s32 @!p0 $0x100000, s0  }
0x34b: {  	[sflag:s0] =	ssyncadd.tile.s32 @!p0 $0x1;
	_ =	shalt  }
.Lfunc_end2:
_tile_overlayer_lowered:
.L_overlay_start_2:
0x34c: {  	(tag) =	ssettag $0x2  }
0x34d: {  	s0 =	rddreg [dreg:$0x0];
	s2 =	stileid.u32  }
0x34e: {  	s1 =	rddreg [dreg:$0x1];
	p0 =	sne.s32 s2, $0x0  }
0x34f: {  	s3 =	rddreg [dreg:$0x2];
	[bflag:$0x3] =	sbarrier.arrive $0xFFFF;
	s2 =	simm.s32 @!p0 $0x1C0A  }
0x350: {  	[timem:s3], [sflag:s2] =	dma.local @!p0 [hbm:s0], s1  }
0x351: {  	s0 =	simm.s32 @!p0 $0xA  }
0x352: {  	_ =	swait.ge @!p0 [sflag:s0], s1  }
0x353: {  	s1 =	ssub.s32 @!p0 $0x0, s1;
	[sflag:s0] =	ssyncset.done @!p0 $0x0  }
0x354: {  	[sflag:s0] =	ssyncadd.s32 @!p0 s1  }
0x355: {  	[bflag:$0x3] =	sbarrier.arrive $0xFFFF  }
0x356: {  	_ =	shalt  }

</sc_bundles>
